<compile_context>
chip_gen: v7x
topology: tpu7x:2x2x1
jax: 0.10.2.dev20260603
libtpu: 0.0.44.dev20260713+nightly
codegen_flags: <defaults>
</compile_context>

<pallas_src>
import functools

import jax
import jax.numpy as jnp
from jax import lax
from jax.experimental import pallas as pl
from jax.experimental.pallas import tpu as pltpu
from jax.experimental.pallas import tpu_sc as plsc

N_NODES = 10000
FEAT = 128
NW = 32
CHUNK = 128
CHUNKS = 84
BLK = 4
NBLOCKS = CHUNKS // BLK
PER_TILE = CHUNKS * CHUNK
TOTAL_SLOTS = NW * PER_TILE
NB = 10240
ROWS_PER_TILE = NB // 16
MM_BLK = 1000
GRID = N_NODES // MM_BLK

def _deg_body(cols_hbm, degp_hbm, col_v, hist_v):
    c = lax.axis_index("c")
    s = lax.axis_index("s")
    w = s * 2 + c
    pltpu.sync_copy(cols_hbm.at[w], col_v)

    def zero(i, carry):
        hist_v[pl.ds(i * 16, 16)] = jnp.zeros((16,), jnp.float32)
        return carry

    lax.fori_loop(0, NB // 16, zero, 0)

    ones = jnp.ones((16,), jnp.float32)

    def body(i, carry):
        j = i // (CHUNK // 16)
        l = i % (CHUNK // 16)
        idx = col_v[j, pl.ds(l * 16, 16)]
        plsc.addupdate_scatter(hist_v, [idx], ones)
        return carry

    lax.fori_loop(0, CHUNKS * (CHUNK // 16), body, 0)
    pltpu.sync_copy(hist_v, degp_hbm.at[w])


def _edge_body(rc_hbm, h_hbm, part_hbm, rci0, rci1, b0, b1, b2, b3, acc,
               gs0, gs1, gs2, gs3, ss0, ss1, ss2, ss3, is0, is1):
    c = lax.axis_index("c")
    s = lax.axis_index("s")
    w = s * 2 + c
    bufs = (b0, b1, b2, b3)
    gsems = (gs0, gs1, gs2, gs3)
    ssems = (ss0, ss1, ss2, ss3)
    half = CHUNK // 2

    def ridx(slot, t):
        jj, h = t // 2, t % 2
        return slot.at[2 * jj, pl.ds(half * h, half)]

    def cidx(slot, t):
        jj, h = t // 2, t % 2
        return slot.at[2 * jj + 1, pl.ds(half * h, half)]

    def zero(i, carry):
        b0[i // 8, pl.ds((i % 8) * 16, 16)] = jnp.zeros((16,), jnp.float32)
        return carry

    lax.fori_loop(0, half * 8, zero, 0)
    for t in range(ROWS_PER_TILE // half):
        pltpu.sync_copy(b0, acc.at[pl.ds(s * ROWS_PER_TILE + t * half, half)])
    plsc.subcore_barrier()

    pltpu.sync_copy(rc_hbm.at[w, pl.ds(0, 2 * BLK)], rci0)
    pltpu.async_copy(rc_hbm.at[w, pl.ds(2 * BLK, 2 * BLK)], rci1, is1)
    for t in range(3):
        pltpu.async_copy(h_hbm.at[ridx(rci0, t)], bufs[t], gsems[t])

    SUB = 2 * BLK

    def process_block(b, slot, oslot, isem_next, has_next, first):
        for t in range(SUB):
            k = t % 4
            km = (k + 3) % 4
            pltpu.make_async_copy(h_hbm.at[ridx(slot, t)], bufs[k], gsems[k]).wait()
            pltpu.async_copy(bufs[k], acc.at[cidx(slot, t)], ssems[k], add=True)
            if t == 0:
                if first:
                    @pl.when(b > 0)
                    def _():
                        pltpu.make_async_copy(
                            bufs[km], acc.at[cidx(oslot, SUB - 1)], ssems[km]).wait()
                else:
                    pltpu.make_async_copy(
                        bufs[km], acc.at[cidx(oslot, SUB - 1)], ssems[km]).wait()
            else:
                pltpu.make_async_copy(
                    bufs[km], acc.at[cidx(slot, t - 1)], ssems[km]).wait()
            if t == 1 and has_next and not first:
                pltpu.async_copy(
                    rc_hbm.at[w, pl.ds((b + 1) * 2 * BLK, 2 * BLK)],
                    oslot, isem_next)
            if t == 1 and has_next and first:
                @pl.when(b > 0)
                def _():
                    pltpu.async_copy(
                        rc_hbm.at[w, pl.ds((b + 1) * 2 * BLK, 2 * BLK)],
                        oslot, isem_next)
            if t <= SUB - 4:
                pltpu.async_copy(h_hbm.at[ridx(slot, t + 3)], bufs[km], gsems[km])
            elif has_next:
                if t == SUB - 3:
                    pltpu.make_async_copy(
                        rc_hbm.at[w, pl.ds((b + 1) * 2 * BLK, 2 * BLK)],
                        oslot, isem_next).wait()
                pltpu.async_copy(
                    h_hbm.at[ridx(oslot, t - (SUB - 3))], bufs[km], gsems[km])

    def body(q, carry):
        process_block(2 * q, rci0, rci1, is1, True, True)
        process_block(2 * q + 1, rci1, rci0, is0, True, False)
        return carry

    lax.fori_loop(0, (NBLOCKS - 1) // 2, body, 0)
    process_block(NBLOCKS - 1, rci0, rci1, is1, False, False)
    pltpu.make_async_copy(
        bufs[(2 * CHUNKS - 1) % 4], acc.at[cidx(rci0, SUB - 1)],
        ssems[(2 * CHUNKS - 1) % 4]).wait()
    plsc.subcore_barrier()
    pltpu.sync_copy(
        acc.at[pl.ds(s * ROWS_PER_TILE, ROWS_PER_TILE)],
        part_hbm.at[c].at[pl.ds(s * ROWS_PER_TILE, ROWS_PER_TILE)],
    )


@functools.lru_cache(maxsize=None)
def _sc_calls():
    mesh = plsc.VectorSubcoreMesh(core_axis_name="c", subcore_axis_name="s")
    params = pltpu.CompilerParams(needs_layout_passes=False)
    deg_call = functools.partial(
        pl.kernel,
        out_type=jax.ShapeDtypeStruct((NW, NB), jnp.float32),
        mesh=mesh,
        compiler_params=params,
        scratch_types=[
            pltpu.VMEM((CHUNKS, CHUNK), jnp.int32),
            pltpu.VMEM((NB,), jnp.float32),
        ],
    )(_deg_body)
    edge_call = functools.partial(
        pl.kernel,
        out_type=jax.ShapeDtypeStruct((2, NB, FEAT), jnp.float32),
        mesh=mesh,
        compiler_params=params,
        scratch_types=[
            pltpu.VMEM((2 * BLK, CHUNK), jnp.int32),
            pltpu.VMEM((2 * BLK, CHUNK), jnp.int32),
            pltpu.VMEM((CHUNK // 2, FEAT), jnp.float32),
            pltpu.VMEM((CHUNK // 2, FEAT), jnp.float32),
            pltpu.VMEM((CHUNK // 2, FEAT), jnp.float32),
            pltpu.VMEM((CHUNK // 2, FEAT), jnp.float32),
            pltpu.VMEM_SHARED((NB, FEAT), jnp.float32),
        ] + [pltpu.SemaphoreType.DMA] * 10,
    )(_edge_body)
    return deg_call, edge_call


def _mm_body(x_ref, w_ref, degp_ref, h_ref):
    deg = jnp.sum(degp_ref[...], axis=1)
    dinv = lax.rsqrt(deg)
    h = jnp.dot(x_ref[...], w_ref[...], preferred_element_type=jnp.float32)
    h_ref[...] = h * dinv[:, None]


_mm_call = pl.pallas_call(
    _mm_body,
    grid=(GRID,),
    in_specs=[
        pl.BlockSpec((MM_BLK, FEAT), lambda i: (i, 0)),
        pl.BlockSpec((FEAT, FEAT), lambda i: (0, 0)),
        pl.BlockSpec((MM_BLK, NW), lambda i: (i, 0)),
    ],
    out_specs=pl.BlockSpec((MM_BLK, FEAT), lambda i: (i, 0)),
    out_shape=jax.ShapeDtypeStruct((N_NODES, FEAT), jnp.float32),
)


def _fin_body(p_ref, degp_ref, b_ref, o_ref):
    deg = jnp.sum(degp_ref[...], axis=1)
    dinv = lax.rsqrt(deg)
    ssum = p_ref[0] + p_ref[1]
    o_ref[...] = jnp.maximum(ssum * dinv[:, None] + b_ref[...], 0.0)


_fin_call = pl.pallas_call(
    _fin_body,
    grid=(GRID,),
    in_specs=[
        pl.BlockSpec((2, MM_BLK, FEAT), lambda i: (0, i, 0)),
        pl.BlockSpec((MM_BLK, NW), lambda i: (i, 0)),
        pl.BlockSpec((1, FEAT), lambda i: (0, 0)),
    ],
    out_specs=pl.BlockSpec((MM_BLK, FEAT), lambda i: (i, 0)),
    out_shape=jax.ShapeDtypeStruct((N_NODES, FEAT), jnp.float32),
)


def kernel(x, edge_index, W, b):
    n = x.shape[0]
    loops = jnp.arange(n, dtype=jnp.int32)
    rows_all = jnp.concatenate([edge_index[0].astype(jnp.int32), loops])
    cols_all = jnp.concatenate([edge_index[1].astype(jnp.int32), loops])
    pad = TOTAL_SLOTS - rows_all.shape[0]
    pad_iota = jnp.arange(pad, dtype=jnp.int32)
    pad_cols = n + pad_iota % (NB - n)
    rows_p = jnp.concatenate([rows_all, pad_iota * 61 % n])
    cols_p = jnp.concatenate([cols_all, pad_cols])
    rows_p = rows_p.reshape(NW, CHUNKS, CHUNK)
    cols_p = cols_p.reshape(NW, CHUNKS, CHUNK)
    rc = jnp.stack([rows_p, cols_p], axis=2).reshape(NW, 2 * CHUNKS, CHUNK)

    deg_call, edge_call = _sc_calls()
    degp = deg_call(cols_p).T
    hp = _mm_call(x, W, degp)
    part = edge_call(rc, hp)
    return _fin_call(part, degp, b.reshape(1, FEAT))

# --- scband reference (transcript-rebuilt; emitter-appended) ---
"""Pipeline reference for scband-gcnlayer-67619965108795 (READ-ONLY COPY).

The authoritative reference and input builder live on the scoring server;
editing this copy changes nothing except your own understanding.
"""

import jax, jax.numpy as jnp
import numpy as np

N_NODES = 10000
N_EDGES = 320000
IN_CH = 128
OUT_CH = 128


def setup_inputs(seed: int = 0) -> dict:
    key = jax.random.key(seed)
    k1, k2, k3 = jax.random.split(key, 3)
    x = jax.random.normal(k1, (N_NODES, IN_CH), dtype=jnp.float32)
    edge_index = jax.random.randint(k2, (2, N_EDGES), 0, N_NODES, dtype=jnp.int64)
    # GCNConv learned parameters (glorot-style init for weight, zeros for bias)
    W = jax.random.normal(k3, (IN_CH, OUT_CH), dtype=jnp.float32) * (1.0 / np.sqrt(IN_CH))
    b = jnp.zeros((OUT_CH,), dtype=jnp.float32)
    return {"x": x, "edge_index": edge_index, "W": W, "b": b}


def reference(x, edge_index, W, b):
    # Faithful GCNConv: add self-loops, symmetric normalization D^-1/2 A_hat D^-1/2,
    # linear transform, scatter-add aggregation, bias, then ReLU (from GCNLayer.forward).
    N = x.shape[0]
    loops = jnp.arange(N, dtype=edge_index.dtype)
    ei = jnp.concatenate([edge_index, jnp.stack([loops, loops], axis=0)], axis=1)
    row = ei[0]  # source
    col = ei[1]  # target
    deg = jax.ops.segment_sum(jnp.ones_like(col, dtype=x.dtype), col, num_segments=N)
    deg_inv_sqrt = jnp.where(deg > 0, deg ** -0.5, 0.0)
    norm = deg_inv_sqrt[row] * deg_inv_sqrt[col]
    h = x @ W
    msg = h[row] * norm[:, None]
    out = jax.ops.segment_sum(msg, col, num_segments=N) + b
    return jax.nn.relu(out)

if __name__ == "__main__":
    import jax
    _d = setup_inputs()
    print(jax.jit(kernel)(*tuple(_d.values())))

</pallas_src>

<mosaic_0001>
#map = affine_map<(d0, d1) -> (0, 0, 0)>
#map1 = affine_map<(d0, d1) -> (0, 0)>
module attributes {stable_mosaic.version = 14 : i64} {
  func.func @_edge_body(%arg0: i32, %arg1: i32, %arg2: memref<32x168x128xi32, #tpu.memory_space<hbm>>, %arg3: memref<10000x128xf32, #tpu.memory_space<hbm>>, %arg4: memref<2x10240x128xf32, #tpu.memory_space<hbm>>, %arg5: memref<8x128xi32, #tpu.memory_space<vmem>>, %arg6: memref<8x128xi32, #tpu.memory_space<vmem>>, %arg7: memref<64x128xf32, #tpu.memory_space<vmem>>, %arg8: memref<64x128xf32, #tpu.memory_space<vmem>>, %arg9: memref<64x128xf32, #tpu.memory_space<vmem>>, %arg10: memref<64x128xf32, #tpu.memory_space<vmem>>, %arg11: memref<10240x128xf32, #tpu.memory_space<vmem_shared>>, %arg12: memref<!tpu.dma_semaphore, #tpu.memory_space<semaphore_mem>>, %arg13: memref<!tpu.dma_semaphore, #tpu.memory_space<semaphore_mem>>, %arg14: memref<!tpu.dma_semaphore, #tpu.memory_space<semaphore_mem>>, %arg15: memref<!tpu.dma_semaphore, #tpu.memory_space<semaphore_mem>>, %arg16: memref<!tpu.dma_semaphore, #tpu.memory_space<semaphore_mem>>, %arg17: memref<!tpu.dma_semaphore, #tpu.memory_space<semaphore_mem>>, %arg18: memref<!tpu.dma_semaphore, #tpu.memory_space<semaphore_mem>>, %arg19: memref<!tpu.dma_semaphore, #tpu.memory_space<semaphore_mem>>, %arg20: memref<!tpu.dma_semaphore, #tpu.memory_space<semaphore_mem>>, %arg21: memref<!tpu.dma_semaphore, #tpu.memory_space<semaphore_mem>>) attributes {dimension_semantics = [#tpu.dimension_semantics<core_parallel>, #tpu.dimension_semantics<subcore_parallel>], iteration_bounds = array<i64: 2, 16>, scalar_prefetch = 0 : i64, scratch_operands = 17 : i64, tpu.core_type = #tpu.core_type<sc_vector_subcore>, window_params = [{transform_indices = #map}, {transform_indices = #map1}, {transform_indices = #map}]} {
    %mul3A = arith.constant 2 : i32
    %mul3A_0 = arith.muli %arg1, %mul3A : i32
    %add3A = arith.addi %mul3A_0, %arg0 : i32
    %scan3A = arith.constant 0 : i32
    %scan3A_1 = arith.constant 0 : i32
    %scan3A_2 = arith.constant 512 : i32
    %scan3A_3 = arith.addi %scan3A_1, %scan3A_2 : i32
    %scan3A_4 = arith.constant 1 : i32
    scf.for %scan3A_294 = %scan3A_1 to %scan3A_3 step %scan3A_4  : i32 {
      %broadcast_in_dim3A = arith.constant 0.000000e+00 : f32
      %broadcast_in_dim3A_295 = vector.broadcast %broadcast_in_dim3A : f32 to vector<16xf32>
      %jit3A = arith.constant 8 : i32
      %div3A = arith.divsi %scan3A_294, %jit3A : i32
      %sign3A = arith.constant 0 : i32
      %sign3A_296 = arith.cmpi sgt, %scan3A_294, %sign3A : i32
      %sign3A_297 = arith.extui %sign3A_296 : i1 to i32
      %sign3A_298 = arith.constant 0 : i32
      %sign3A_299 = arith.cmpi slt, %scan3A_294, %sign3A_298 : i32
      %sign3A_300 = arith.extui %sign3A_299 : i1 to i32
      %sign3A_301 = arith.subi %sign3A_297, %sign3A_300 : i32
      %sign3A_302 = arith.constant 0 : i32
      %sign3A_303 = arith.cmpi sgt, %jit3A, %sign3A_302 : i32
      %sign3A_304 = arith.extui %sign3A_303 : i1 to i32
      %sign3A_305 = arith.constant 0 : i32
      %sign3A_306 = arith.cmpi slt, %jit3A, %sign3A_305 : i32
      %sign3A_307 = arith.extui %sign3A_306 : i1 to i32
      %sign3A_308 = arith.subi %sign3A_304, %sign3A_307 : i32
      %ne3A = arith.cmpi ne, %sign3A_301, %sign3A_308 : i32
      %rem3A = arith.remsi %scan3A_294, %jit3A : i32
      %ne3A_309 = arith.constant 0 : i32
      %ne3A_310 = arith.cmpi ne, %rem3A, %ne3A_309 : i32
      %and3A = arith.andi %ne3A, %ne3A_310 : i1
      %sub3A = arith.constant 1 : i32
      %sub3A_311 = arith.subi %div3A, %sub3A : i32
      %select_n3A = arith.select %and3A, %sub3A_311, %div3A : i32
      %jit3A_312 = arith.constant 8 : i32
      %eq3A = arith.constant 0 : i32
      %eq3A_313 = arith.cmpi eq, %jit3A_312, %eq3A : i32
      %jit3A_314 = arith.constant 1 : i32
      %select_n3A_315 = arith.select %eq3A_313, %jit3A_314, %jit3A_312 : i32
      %rem3A_316 = arith.remsi %scan3A_294, %select_n3A_315 : i32
      %ne3A_317 = arith.constant 0 : i32
      %ne3A_318 = arith.cmpi ne, %rem3A_316, %ne3A_317 : i32
      %lt3A = arith.constant 0 : i32
      %lt3A_319 = arith.cmpi slt, %rem3A_316, %lt3A : i32
      %lt3A_320 = arith.constant 0 : i32
      %lt3A_321 = arith.cmpi slt, %select_n3A_315, %lt3A_320 : i32
      %ne3A_322 = arith.xori %lt3A_319, %lt3A_321 : i1
      %and3A_323 = arith.andi %ne3A_322, %ne3A_318 : i1
      %add3A_324 = arith.addi %rem3A_316, %select_n3A_315 : i32
      %select_n3A_325 = arith.select %and3A_323, %add3A_324, %rem3A_316 : i32
      %mul3A_326 = arith.constant 16 : i32
      %mul3A_327 = arith.muli %select_n3A_325, %mul3A_326 : i32
      %swap3A = arith.index_cast %select_n3A : i32 to index
      %swap3A_328 = arith.index_cast %mul3A_327 : i32 to index
      %swap3A_329 = tpu.vector_load %arg7[%swap3A, %swap3A_328] {strides = array<i32>} : memref<64x128xf32, #tpu.memory_space<vmem>>, vector<16xf32>,
      tpu.vector_store %arg7[%swap3A, %swap3A_328], %broadcast_in_dim3A_295 {strides = array<i32>} : memref<64x128xf32, #tpu.memory_space<vmem>>, vector<16xf32>,
    }
    %scan3A_5 = arith.constant 512 : i32
    %mul3A_6 = arith.constant 640 : i32
    %mul3A_7 = arith.muli %arg1, %mul3A_6 : i32
    %add3A_8 = arith.constant 0 : i32
    %add3A_9 = arith.addi %mul3A_7, %add3A_8 : i32
    "tpu.region"() ({
      %run_scoped3A = tpu.sem_alloc : memref<!tpu.dma_semaphore, #tpu.memory_space<semaphore_mem>>
      %dma_start3A_294 = arith.constant 0 : i32
      %dma_start3A_295 = tpu.memref_slice %arg11[%add3A_9, %dma_start3A_294] : memref<10240x128xf32, #tpu.memory_space<vmem_shared>> -> memref<64x128xf32, #tpu.memory_space<vmem_shared>>
      %dma_start3A_296 = arith.constant 0 : i32
      %dma_start3A_297 = tpu.memref_slice %arg11[%add3A_9, %dma_start3A_296] : memref<10240x128xf32, #tpu.memory_space<vmem_shared>> -> memref<64x128xf32, #tpu.memory_space<vmem_shared>>
      tpu.enqueue_dma source(%arg7 : memref<64x128xf32, #tpu.memory_space<vmem>>) target(%dma_start3A_297 : memref<64x128xf32, #tpu.memory_space<vmem_shared>>) target_semaphore(%run_scoped3A : memref<!tpu.dma_semaphore, #tpu.memory_space<semaphore_mem>>)
      %dma_wait3A_298 = arith.constant 0 : i32
      %dma_wait3A_299 = tpu.memref_slice %arg11[%add3A_9, %dma_wait3A_298] : memref<10240x128xf32, #tpu.memory_space<vmem_shared>> -> memref<64x128xf32, #tpu.memory_space<vmem_shared>>
      %dma_wait3A_300 = arith.constant 0 : i32
      %dma_wait3A_301 = tpu.memref_slice %arg11[%add3A_9, %dma_wait3A_300] : memref<10240x128xf32, #tpu.memory_space<vmem_shared>> -> memref<64x128xf32, #tpu.memory_space<vmem_shared>>
      tpu.wait_dma2 semaphore(%run_scoped3A : memref<!tpu.dma_semaphore, #tpu.memory_space<semaphore_mem>>) src(%arg7 : memref<64x128xf32, #tpu.memory_space<vmem>>) dst(%dma_wait3A_301 : memref<64x128xf32, #tpu.memory_space<vmem_shared>>)
      tpu.yield
    }) : () -> ()
    %mul3A_10 = arith.constant 640 : i32
    %mul3A_11 = arith.muli %arg1, %mul3A_10 : i32
    %add3A_12 = arith.constant 64 : i32
    %add3A_13 = arith.addi %mul3A_11, %add3A_12 : i32
    "tpu.region"() ({
      %run_scoped3A = tpu.sem_alloc : memref<!tpu.dma_semaphore, #tpu.memory_space<semaphore_mem>>
      %dma_start3A_294 = arith.constant 0 : i32
      %dma_start3A_295 = tpu.memref_slice %arg11[%add3A_13, %dma_start3A_294] : memref<10240x128xf32, #tpu.memory_space<vmem_shared>> -> memref<64x128xf32, #tpu.memory_space<vmem_shared>>
      %dma_start3A_296 = arith.constant 0 : i32
      %dma_start3A_297 = tpu.memref_slice %arg11[%add3A_13, %dma_start3A_296] : memref<10240x128xf32, #tpu.memory_space<vmem_shared>> -> memref<64x128xf32, #tpu.memory_space<vmem_shared>>
      tpu.enqueue_dma source(%arg7 : memref<64x128xf32, #tpu.memory_space<vmem>>) target(%dma_start3A_297 : memref<64x128xf32, #tpu.memory_space<vmem_shared>>) target_semaphore(%run_scoped3A : memref<!tpu.dma_semaphore, #tpu.memory_space<semaphore_mem>>)
      %dma_wait3A_298 = arith.constant 0 : i32
      %dma_wait3A_299 = tpu.memref_slice %arg11[%add3A_13, %dma_wait3A_298] : memref<10240x128xf32, #tpu.memory_space<vmem_shared>> -> memref<64x128xf32, #tpu.memory_space<vmem_shared>>
      %dma_wait3A_300 = arith.constant 0 : i32
      %dma_wait3A_301 = tpu.memref_slice %arg11[%add3A_13, %dma_wait3A_300] : memref<10240x128xf32, #tpu.memory_space<vmem_shared>> -> memref<64x128xf32, #tpu.memory_space<vmem_shared>>
      tpu.wait_dma2 semaphore(%run_scoped3A : memref<!tpu.dma_semaphore, #tpu.memory_space<semaphore_mem>>) src(%arg7 : memref<64x128xf32, #tpu.memory_space<vmem>>) dst(%dma_wait3A_301 : memref<64x128xf32, #tpu.memory_space<vmem_shared>>)
      tpu.yield
    }) : () -> ()
    %mul3A_14 = arith.constant 640 : i32
    %mul3A_15 = arith.muli %arg1, %mul3A_14 : i32
    %add3A_16 = arith.constant 128 : i32
    %add3A_17 = arith.addi %mul3A_15, %add3A_16 : i32
    "tpu.region"() ({
      %run_scoped3A = tpu.sem_alloc : memref<!tpu.dma_semaphore, #tpu.memory_space<semaphore_mem>>
      %dma_start3A_294 = arith.constant 0 : i32
      %dma_start3A_295 = tpu.memref_slice %arg11[%add3A_17, %dma_start3A_294] : memref<10240x128xf32, #tpu.memory_space<vmem_shared>> -> memref<64x128xf32, #tpu.memory_space<vmem_shared>>
      %dma_start3A_296 = arith.constant 0 : i32
      %dma_start3A_297 = tpu.memref_slice %arg11[%add3A_17, %dma_start3A_296] : memref<10240x128xf32, #tpu.memory_space<vmem_shared>> -> memref<64x128xf32, #tpu.memory_space<vmem_shared>>
      tpu.enqueue_dma source(%arg7 : memref<64x128xf32, #tpu.memory_space<vmem>>) target(%dma_start3A_297 : memref<64x128xf32, #tpu.memory_space<vmem_shared>>) target_semaphore(%run_scoped3A : memref<!tpu.dma_semaphore, #tpu.memory_space<semaphore_mem>>)
      %dma_wait3A_298 = arith.constant 0 : i32
      %dma_wait3A_299 = tpu.memref_slice %arg11[%add3A_17, %dma_wait3A_298] : memref<10240x128xf32, #tpu.memory_space<vmem_shared>> -> memref<64x128xf32, #tpu.memory_space<vmem_shared>>
      %dma_wait3A_300 = arith.constant 0 : i32
      %dma_wait3A_301 = tpu.memref_slice %arg11[%add3A_17, %dma_wait3A_300] : memref<10240x128xf32, #tpu.memory_space<vmem_shared>> -> memref<64x128xf32, #tpu.memory_space<vmem_shared>>
      tpu.wait_dma2 semaphore(%run_scoped3A : memref<!tpu.dma_semaphore, #tpu.memory_space<semaphore_mem>>) src(%arg7 : memref<64x128xf32, #tpu.memory_space<vmem>>) dst(%dma_wait3A_301 : memref<64x128xf32, #tpu.memory_space<vmem_shared>>)
      tpu.yield
    }) : () -> ()
    %mul3A_18 = arith.constant 640 : i32
    %mul3A_19 = arith.muli %arg1, %mul3A_18 : i32
    %add3A_20 = arith.constant 192 : i32
    %add3A_21 = arith.addi %mul3A_19, %add3A_20 : i32
    "tpu.region"() ({
      %run_scoped3A = tpu.sem_alloc : memref<!tpu.dma_semaphore, #tpu.memory_space<semaphore_mem>>
      %dma_start3A_294 = arith.constant 0 : i32
      %dma_start3A_295 = tpu.memref_slice %arg11[%add3A_21, %dma_start3A_294] : memref<10240x128xf32, #tpu.memory_space<vmem_shared>> -> memref<64x128xf32, #tpu.memory_space<vmem_shared>>
      %dma_start3A_296 = arith.constant 0 : i32
      %dma_start3A_297 = tpu.memref_slice %arg11[%add3A_21, %dma_start3A_296] : memref<10240x128xf32, #tpu.memory_space<vmem_shared>> -> memref<64x128xf32, #tpu.memory_space<vmem_shared>>
      tpu.enqueue_dma source(%arg7 : memref<64x128xf32, #tpu.memory_space<vmem>>) target(%dma_start3A_297 : memref<64x128xf32, #tpu.memory_space<vmem_shared>>) target_semaphore(%run_scoped3A : memref<!tpu.dma_semaphore, #tpu.memory_space<semaphore_mem>>)
      %dma_wait3A_298 = arith.constant 0 : i32
      %dma_wait3A_299 = tpu.memref_slice %arg11[%add3A_21, %dma_wait3A_298] : memref<10240x128xf32, #tpu.memory_space<vmem_shared>> -> memref<64x128xf32, #tpu.memory_space<vmem_shared>>
      %dma_wait3A_300 = arith.constant 0 : i32
      %dma_wait3A_301 = tpu.memref_slice %arg11[%add3A_21, %dma_wait3A_300] : memref<10240x128xf32, #tpu.memory_space<vmem_shared>> -> memref<64x128xf32, #tpu.memory_space<vmem_shared>>
      tpu.wait_dma2 semaphore(%run_scoped3A : memref<!tpu.dma_semaphore, #tpu.memory_space<semaphore_mem>>) src(%arg7 : memref<64x128xf32, #tpu.memory_space<vmem>>) dst(%dma_wait3A_301 : memref<64x128xf32, #tpu.memory_space<vmem_shared>>)
      tpu.yield
    }) : () -> ()
    %mul3A_22 = arith.constant 640 : i32
    %mul3A_23 = arith.muli %arg1, %mul3A_22 : i32
    %add3A_24 = arith.constant 256 : i32
    %add3A_25 = arith.addi %mul3A_23, %add3A_24 : i32
    "tpu.region"() ({
      %run_scoped3A = tpu.sem_alloc : memref<!tpu.dma_semaphore, #tpu.memory_space<semaphore_mem>>
      %dma_start3A_294 = arith.constant 0 : i32
      %dma_start3A_295 = tpu.memref_slice %arg11[%add3A_25, %dma_start3A_294] : memref<10240x128xf32, #tpu.memory_space<vmem_shared>> -> memref<64x128xf32, #tpu.memory_space<vmem_shared>>
      %dma_start3A_296 = arith.constant 0 : i32
      %dma_start3A_297 = tpu.memref_slice %arg11[%add3A_25, %dma_start3A_296] : memref<10240x128xf32, #tpu.memory_space<vmem_shared>> -> memref<64x128xf32, #tpu.memory_space<vmem_shared>>
      tpu.enqueue_dma source(%arg7 : memref<64x128xf32, #tpu.memory_space<vmem>>) target(%dma_start3A_297 : memref<64x128xf32, #tpu.memory_space<vmem_shared>>) target_semaphore(%run_scoped3A : memref<!tpu.dma_semaphore, #tpu.memory_space<semaphore_mem>>)
      %dma_wait3A_298 = arith.constant 0 : i32
      %dma_wait3A_299 = tpu.memref_slice %arg11[%add3A_25, %dma_wait3A_298] : memref<10240x128xf32, #tpu.memory_space<vmem_shared>> -> memref<64x128xf32, #tpu.memory_space<vmem_shared>>
      %dma_wait3A_300 = arith.constant 0 : i32
      %dma_wait3A_301 = tpu.memref_slice %arg11[%add3A_25, %dma_wait3A_300] : memref<10240x128xf32, #tpu.memory_space<vmem_shared>> -> memref<64x128xf32, #tpu.memory_space<vmem_shared>>
      tpu.wait_dma2 semaphore(%run_scoped3A : memref<!tpu.dma_semaphore, #tpu.memory_space<semaphore_mem>>) src(%arg7 : memref<64x128xf32, #tpu.memory_space<vmem>>) dst(%dma_wait3A_301 : memref<64x128xf32, #tpu.memory_space<vmem_shared>>)
      tpu.yield
    }) : () -> ()
    %mul3A_26 = arith.constant 640 : i32
    %mul3A_27 = arith.muli %arg1, %mul3A_26 : i32
    %add3A_28 = arith.constant 320 : i32
    %add3A_29 = arith.addi %mul3A_27, %add3A_28 : i32
    "tpu.region"() ({
      %run_scoped3A = tpu.sem_alloc : memref<!tpu.dma_semaphore, #tpu.memory_space<semaphore_mem>>
      %dma_start3A_294 = arith.constant 0 : i32
      %dma_start3A_295 = tpu.memref_slice %arg11[%add3A_29, %dma_start3A_294] : memref<10240x128xf32, #tpu.memory_space<vmem_shared>> -> memref<64x128xf32, #tpu.memory_space<vmem_shared>>
      %dma_start3A_296 = arith.constant 0 : i32
      %dma_start3A_297 = tpu.memref_slice %arg11[%add3A_29, %dma_start3A_296] : memref<10240x128xf32, #tpu.memory_space<vmem_shared>> -> memref<64x128xf32, #tpu.memory_space<vmem_shared>>
      tpu.enqueue_dma source(%arg7 : memref<64x128xf32, #tpu.memory_space<vmem>>) target(%dma_start3A_297 : memref<64x128xf32, #tpu.memory_space<vmem_shared>>) target_semaphore(%run_scoped3A : memref<!tpu.dma_semaphore, #tpu.memory_space<semaphore_mem>>)
      %dma_wait3A_298 = arith.constant 0 : i32
      %dma_wait3A_299 = tpu.memref_slice %arg11[%add3A_29, %dma_wait3A_298] : memref<10240x128xf32, #tpu.memory_space<vmem_shared>> -> memref<64x128xf32, #tpu.memory_space<vmem_shared>>
      %dma_wait3A_300 = arith.constant 0 : i32
      %dma_wait3A_301 = tpu.memref_slice %arg11[%add3A_29, %dma_wait3A_300] : memref<10240x128xf32, #tpu.memory_space<vmem_shared>> -> memref<64x128xf32, #tpu.memory_space<vmem_shared>>
      tpu.wait_dma2 semaphore(%run_scoped3A : memref<!tpu.dma_semaphore, #tpu.memory_space<semaphore_mem>>) src(%arg7 : memref<64x128xf32, #tpu.memory_space<vmem>>) dst(%dma_wait3A_301 : memref<64x128xf32, #tpu.memory_space<vmem_shared>>)
      tpu.yield
    }) : () -> ()
    %mul3A_30 = arith.constant 640 : i32
    %mul3A_31 = arith.muli %arg1, %mul3A_30 : i32
    %add3A_32 = arith.constant 384 : i32
    %add3A_33 = arith.addi %mul3A_31, %add3A_32 : i32
    "tpu.region"() ({
      %run_scoped3A = tpu.sem_alloc : memref<!tpu.dma_semaphore, #tpu.memory_space<semaphore_mem>>
      %dma_start3A_294 = arith.constant 0 : i32
      %dma_start3A_295 = tpu.memref_slice %arg11[%add3A_33, %dma_start3A_294] : memref<10240x128xf32, #tpu.memory_space<vmem_shared>> -> memref<64x128xf32, #tpu.memory_space<vmem_shared>>
      %dma_start3A_296 = arith.constant 0 : i32
      %dma_start3A_297 = tpu.memref_slice %arg11[%add3A_33, %dma_start3A_296] : memref<10240x128xf32, #tpu.memory_space<vmem_shared>> -> memref<64x128xf32, #tpu.memory_space<vmem_shared>>
      tpu.enqueue_dma source(%arg7 : memref<64x128xf32, #tpu.memory_space<vmem>>) target(%dma_start3A_297 : memref<64x128xf32, #tpu.memory_space<vmem_shared>>) target_semaphore(%run_scoped3A : memref<!tpu.dma_semaphore, #tpu.memory_space<semaphore_mem>>)
      %dma_wait3A_298 = arith.constant 0 : i32
      %dma_wait3A_299 = tpu.memref_slice %arg11[%add3A_33, %dma_wait3A_298] : memref<10240x128xf32, #tpu.memory_space<vmem_shared>> -> memref<64x128xf32, #tpu.memory_space<vmem_shared>>
      %dma_wait3A_300 = arith.constant 0 : i32
      %dma_wait3A_301 = tpu.memref_slice %arg11[%add3A_33, %dma_wait3A_300] : memref<10240x128xf32, #tpu.memory_space<vmem_shared>> -> memref<64x128xf32, #tpu.memory_space<vmem_shared>>
      tpu.wait_dma2 semaphore(%run_scoped3A : memref<!tpu.dma_semaphore, #tpu.memory_space<semaphore_mem>>) src(%arg7 : memref<64x128xf32, #tpu.memory_space<vmem>>) dst(%dma_wait3A_301 : memref<64x128xf32, #tpu.memory_space<vmem_shared>>)
      tpu.yield
    }) : () -> ()
    %mul3A_34 = arith.constant 640 : i32
    %mul3A_35 = arith.muli %arg1, %mul3A_34 : i32
    %add3A_36 = arith.constant 448 : i32
    %add3A_37 = arith.addi %mul3A_35, %add3A_36 : i32
    "tpu.region"() ({
      %run_scoped3A = tpu.sem_alloc : memref<!tpu.dma_semaphore, #tpu.memory_space<semaphore_mem>>
      %dma_start3A_294 = arith.constant 0 : i32
      %dma_start3A_295 = tpu.memref_slice %arg11[%add3A_37, %dma_start3A_294] : memref<10240x128xf32, #tpu.memory_space<vmem_shared>> -> memref<64x128xf32, #tpu.memory_space<vmem_shared>>
      %dma_start3A_296 = arith.constant 0 : i32
      %dma_start3A_297 = tpu.memref_slice %arg11[%add3A_37, %dma_start3A_296] : memref<10240x128xf32, #tpu.memory_space<vmem_shared>> -> memref<64x128xf32, #tpu.memory_space<vmem_shared>>
      tpu.enqueue_dma source(%arg7 : memref<64x128xf32, #tpu.memory_space<vmem>>) target(%dma_start3A_297 : memref<64x128xf32, #tpu.memory_space<vmem_shared>>) target_semaphore(%run_scoped3A : memref<!tpu.dma_semaphore, #tpu.memory_space<semaphore_mem>>)
      %dma_wait3A_298 = arith.constant 0 : i32
      %dma_wait3A_299 = tpu.memref_slice %arg11[%add3A_37, %dma_wait3A_298] : memref<10240x128xf32, #tpu.memory_space<vmem_shared>> -> memref<64x128xf32, #tpu.memory_space<vmem_shared>>
      %dma_wait3A_300 = arith.constant 0 : i32
      %dma_wait3A_301 = tpu.memref_slice %arg11[%add3A_37, %dma_wait3A_300] : memref<10240x128xf32, #tpu.memory_space<vmem_shared>> -> memref<64x128xf32, #tpu.memory_space<vmem_shared>>
      tpu.wait_dma2 semaphore(%run_scoped3A : memref<!tpu.dma_semaphore, #tpu.memory_space<semaphore_mem>>) src(%arg7 : memref<64x128xf32, #tpu.memory_space<vmem>>) dst(%dma_wait3A_301 : memref<64x128xf32, #tpu.memory_space<vmem_shared>>)
      tpu.yield
    }) : () -> ()
    %mul3A_38 = arith.constant 640 : i32
    %mul3A_39 = arith.muli %arg1, %mul3A_38 : i32
    %add3A_40 = arith.constant 512 : i32
    %add3A_41 = arith.addi %mul3A_39, %add3A_40 : i32
    "tpu.region"() ({
      %run_scoped3A = tpu.sem_alloc : memref<!tpu.dma_semaphore, #tpu.memory_space<semaphore_mem>>
      %dma_start3A_294 = arith.constant 0 : i32
      %dma_start3A_295 = tpu.memref_slice %arg11[%add3A_41, %dma_start3A_294] : memref<10240x128xf32, #tpu.memory_space<vmem_shared>> -> memref<64x128xf32, #tpu.memory_space<vmem_shared>>
      %dma_start3A_296 = arith.constant 0 : i32
      %dma_start3A_297 = tpu.memref_slice %arg11[%add3A_41, %dma_start3A_296] : memref<10240x128xf32, #tpu.memory_space<vmem_shared>> -> memref<64x128xf32, #tpu.memory_space<vmem_shared>>
      tpu.enqueue_dma source(%arg7 : memref<64x128xf32, #tpu.memory_space<vmem>>) target(%dma_start3A_297 : memref<64x128xf32, #tpu.memory_space<vmem_shared>>) target_semaphore(%run_scoped3A : memref<!tpu.dma_semaphore, #tpu.memory_space<semaphore_mem>>)
      %dma_wait3A_298 = arith.constant 0 : i32
      %dma_wait3A_299 = tpu.memref_slice %arg11[%add3A_41, %dma_wait3A_298] : memref<10240x128xf32, #tpu.memory_space<vmem_shared>> -> memref<64x128xf32, #tpu.memory_space<vmem_shared>>
      %dma_wait3A_300 = arith.constant 0 : i32
      %dma_wait3A_301 = tpu.memref_slice %arg11[%add3A_41, %dma_wait3A_300] : memref<10240x128xf32, #tpu.memory_space<vmem_shared>> -> memref<64x128xf32, #tpu.memory_space<vmem_shared>>
      tpu.wait_dma2 semaphore(%run_scoped3A : memref<!tpu.dma_semaphore, #tpu.memory_space<semaphore_mem>>) src(%arg7 : memref<64x128xf32, #tpu.memory_space<vmem>>) dst(%dma_wait3A_301 : memref<64x128xf32, #tpu.memory_space<vmem_shared>>)
      tpu.yield
    }) : () -> ()
    %mul3A_42 = arith.constant 640 : i32
    %mul3A_43 = arith.muli %arg1, %mul3A_42 : i32
    %add3A_44 = arith.constant 576 : i32
    %add3A_45 = arith.addi %mul3A_43, %add3A_44 : i32
    "tpu.region"() ({
      %run_scoped3A = tpu.sem_alloc : memref<!tpu.dma_semaphore, #tpu.memory_space<semaphore_mem>>
      %dma_start3A_294 = arith.constant 0 : i32
      %dma_start3A_295 = tpu.memref_slice %arg11[%add3A_45, %dma_start3A_294] : memref<10240x128xf32, #tpu.memory_space<vmem_shared>> -> memref<64x128xf32, #tpu.memory_space<vmem_shared>>
      %dma_start3A_296 = arith.constant 0 : i32
      %dma_start3A_297 = tpu.memref_slice %arg11[%add3A_45, %dma_start3A_296] : memref<10240x128xf32, #tpu.memory_space<vmem_shared>> -> memref<64x128xf32, #tpu.memory_space<vmem_shared>>
      tpu.enqueue_dma source(%arg7 : memref<64x128xf32, #tpu.memory_space<vmem>>) target(%dma_start3A_297 : memref<64x128xf32, #tpu.memory_space<vmem_shared>>) target_semaphore(%run_scoped3A : memref<!tpu.dma_semaphore, #tpu.memory_space<semaphore_mem>>)
      %dma_wait3A_298 = arith.constant 0 : i32
      %dma_wait3A_299 = tpu.memref_slice %arg11[%add3A_45, %dma_wait3A_298] : memref<10240x128xf32, #tpu.memory_space<vmem_shared>> -> memref<64x128xf32, #tpu.memory_space<vmem_shared>>
      %dma_wait3A_300 = arith.constant 0 : i32
      %dma_wait3A_301 = tpu.memref_slice %arg11[%add3A_45, %dma_wait3A_300] : memref<10240x128xf32, #tpu.memory_space<vmem_shared>> -> memref<64x128xf32, #tpu.memory_space<vmem_shared>>
      tpu.wait_dma2 semaphore(%run_scoped3A : memref<!tpu.dma_semaphore, #tpu.memory_space<semaphore_mem>>) src(%arg7 : memref<64x128xf32, #tpu.memory_space<vmem>>) dst(%dma_wait3A_301 : memref<64x128xf32, #tpu.memory_space<vmem_shared>>)
      tpu.yield
    }) : () -> ()
    %barrier3A = arith.constant 0 : index
    tpu.barrier barrier_id(%barrier3A)
    "tpu.region"() ({
      %run_scoped3A = tpu.sem_alloc : memref<!tpu.dma_semaphore, #tpu.memory_space<semaphore_mem>>
      %dma_start3A_294 = arith.constant 0 : i32
      %dma_start3A_295 = arith.constant 0 : i32
      %dma_start3A_296 = tpu.memref_slice %arg2[%add3A, %dma_start3A_294, %dma_start3A_295] : memref<32x168x128xi32, #tpu.memory_space<hbm>> -> memref<1x8x128xi32, #tpu.memory_space<hbm>>
      %dma_start3A_297 = tpu.memref_squeeze %dma_start3A_296 : memref<1x8x128xi32, #tpu.memory_space<hbm>> -> memref<8x128xi32, #tpu.memory_space<hbm>>
      %dma_start3A_298 = arith.constant 0 : i32
      %dma_start3A_299 = arith.constant 0 : i32
      %dma_start3A_300 = tpu.memref_slice %arg2[%add3A, %dma_start3A_298, %dma_start3A_299] : memref<32x168x128xi32, #tpu.memory_space<hbm>> -> memref<1x8x128xi32, #tpu.memory_space<hbm>>
      %dma_start3A_301 = tpu.memref_squeeze %dma_start3A_300 : memref<1x8x128xi32, #tpu.memory_space<hbm>> -> memref<8x128xi32, #tpu.memory_space<hbm>>
      tpu.enqueue_dma source(%dma_start3A_301 : memref<8x128xi32, #tpu.memory_space<hbm>>) target(%arg5 : memref<8x128xi32, #tpu.memory_space<vmem>>) target_semaphore(%run_scoped3A : memref<!tpu.dma_semaphore, #tpu.memory_space<semaphore_mem>>)
      %dma_wait3A_302 = arith.constant 0 : i32
      %dma_wait3A_303 = arith.constant 0 : i32
      %dma_wait3A_304 = tpu.memref_slice %arg2[%add3A, %dma_wait3A_302, %dma_wait3A_303] : memref<32x168x128xi32, #tpu.memory_space<hbm>> -> memref<1x8x128xi32, #tpu.memory_space<hbm>>
      %dma_wait3A_305 = tpu.memref_squeeze %dma_wait3A_304 : memref<1x8x128xi32, #tpu.memory_space<hbm>> -> memref<8x128xi32, #tpu.memory_space<hbm>>
      %dma_wait3A_306 = arith.constant 0 : i32
      %dma_wait3A_307 = arith.constant 0 : i32
      %dma_wait3A_308 = tpu.memref_slice %arg2[%add3A, %dma_wait3A_306, %dma_wait3A_307] : memref<32x168x128xi32, #tpu.memory_space<hbm>> -> memref<1x8x128xi32, #tpu.memory_space<hbm>>
      %dma_wait3A_309 = tpu.memref_squeeze %dma_wait3A_308 : memref<1x8x128xi32, #tpu.memory_space<hbm>> -> memref<8x128xi32, #tpu.memory_space<hbm>>
      tpu.wait_dma2 semaphore(%run_scoped3A : memref<!tpu.dma_semaphore, #tpu.memory_space<semaphore_mem>>) src(%dma_wait3A_309 : memref<8x128xi32, #tpu.memory_space<hbm>>) dst(%arg5 : memref<8x128xi32, #tpu.memory_space<vmem>>)
      tpu.yield
    }) : () -> ()
    %dma_start3A = arith.constant 8 : i32
    %dma_start3A_46 = arith.constant 0 : i32
    %dma_start3A_47 = tpu.memref_slice %arg2[%add3A, %dma_start3A, %dma_start3A_46] : memref<32x168x128xi32, #tpu.memory_space<hbm>> -> memref<1x8x128xi32, #tpu.memory_space<hbm>>
    %dma_start3A_48 = tpu.memref_squeeze %dma_start3A_47 : memref<1x8x128xi32, #tpu.memory_space<hbm>> -> memref<8x128xi32, #tpu.memory_space<hbm>>
    %dma_start3A_49 = arith.constant 8 : i32
    %dma_start3A_50 = arith.constant 0 : i32
    %dma_start3A_51 = tpu.memref_slice %arg2[%add3A, %dma_start3A_49, %dma_start3A_50] : memref<32x168x128xi32, #tpu.memory_space<hbm>> -> memref<1x8x128xi32, #tpu.memory_space<hbm>>
    %dma_start3A_52 = tpu.memref_squeeze %dma_start3A_51 : memref<1x8x128xi32, #tpu.memory_space<hbm>> -> memref<8x128xi32, #tpu.memory_space<hbm>>
    tpu.enqueue_dma source(%dma_start3A_52 : memref<8x128xi32, #tpu.memory_space<hbm>>) target(%arg6 : memref<8x128xi32, #tpu.memory_space<vmem>>) target_semaphore(%arg21 : memref<!tpu.dma_semaphore, #tpu.memory_space<semaphore_mem>>)
    %dma_start3A_53 = arith.constant 0 : i32
    %dma_start3A_54 = arith.constant 0 : i32
    %dma_start3A_55 = tpu.memref_slice %arg5[%dma_start3A_53, %dma_start3A_54] : memref<8x128xi32, #tpu.memory_space<vmem>> -> memref<1x64xi32, #tpu.memory_space<vmem>>
    %dma_start3A_56 = tpu.memref_squeeze %dma_start3A_55 : memref<1x64xi32, #tpu.memory_space<vmem>> -> memref<64xi32, #tpu.memory_space<vmem>>
    %dma_start3A_57 = arith.constant 0 : i32
    %dma_start3A_58 = arith.constant 0 : i32
    %dma_start3A_59 = tpu.memref_slice %arg3[%dma_start3A_57, %dma_start3A_58] : memref<10000x128xf32, #tpu.memory_space<hbm>> -> memref<10000x128xf32, #tpu.memory_space<hbm>>
    tpu.enqueue_indirect_dma source(%dma_start3A_59 : memref<10000x128xf32, #tpu.memory_space<hbm>>) target(%arg7 : memref<64x128xf32, #tpu.memory_space<vmem>>) offsets(%dma_start3A_56 : memref<64xi32, #tpu.memory_space<vmem>>) semaphore(%arg12 : memref<!tpu.dma_semaphore, #tpu.memory_space<semaphore_mem>>)
    %dma_start3A_60 = arith.constant 0 : i32
    %dma_start3A_61 = arith.constant 64 : i32
    %dma_start3A_62 = tpu.memref_slice %arg5[%dma_start3A_60, %dma_start3A_61] : memref<8x128xi32, #tpu.memory_space<vmem>> -> memref<1x64xi32, #tpu.memory_space<vmem>>
    %dma_start3A_63 = tpu.memref_squeeze %dma_start3A_62 : memref<1x64xi32, #tpu.memory_space<vmem>> -> memref<64xi32, #tpu.memory_space<vmem>>
    %dma_start3A_64 = arith.constant 0 : i32
    %dma_start3A_65 = arith.constant 0 : i32
    %dma_start3A_66 = tpu.memref_slice %arg3[%dma_start3A_64, %dma_start3A_65] : memref<10000x128xf32, #tpu.memory_space<hbm>> -> memref<10000x128xf32, #tpu.memory_space<hbm>>
    tpu.enqueue_indirect_dma source(%dma_start3A_66 : memref<10000x128xf32, #tpu.memory_space<hbm>>) target(%arg8 : memref<64x128xf32, #tpu.memory_space<vmem>>) offsets(%dma_start3A_63 : memref<64xi32, #tpu.memory_space<vmem>>) semaphore(%arg13 : memref<!tpu.dma_semaphore, #tpu.memory_space<semaphore_mem>>)
    %dma_start3A_67 = arith.constant 2 : i32
    %dma_start3A_68 = arith.constant 0 : i32
    %dma_start3A_69 = tpu.memref_slice %arg5[%dma_start3A_67, %dma_start3A_68] : memref<8x128xi32, #tpu.memory_space<vmem>> -> memref<1x64xi32, #tpu.memory_space<vmem>>
    %dma_start3A_70 = tpu.memref_squeeze %dma_start3A_69 : memref<1x64xi32, #tpu.memory_space<vmem>> -> memref<64xi32, #tpu.memory_space<vmem>>
    %dma_start3A_71 = arith.constant 0 : i32
    %dma_start3A_72 = arith.constant 0 : i32
    %dma_start3A_73 = tpu.memref_slice %arg3[%dma_start3A_71, %dma_start3A_72] : memref<10000x128xf32, #tpu.memory_space<hbm>> -> memref<10000x128xf32, #tpu.memory_space<hbm>>
    tpu.enqueue_indirect_dma source(%dma_start3A_73 : memref<10000x128xf32, #tpu.memory_space<hbm>>) target(%arg9 : memref<64x128xf32, #tpu.memory_space<vmem>>) offsets(%dma_start3A_70 : memref<64xi32, #tpu.memory_space<vmem>>) semaphore(%arg14 : memref<!tpu.dma_semaphore, #tpu.memory_space<semaphore_mem>>)
    %scan3A_74 = arith.constant 0 : i32
    %scan3A_75 = arith.constant 0 : i32
    %scan3A_76 = arith.constant 10 : i32
    %scan3A_77 = arith.addi %scan3A_75, %scan3A_76 : i32
    %scan3A_78 = arith.constant 1 : i32
    scf.for %scan3A_294 = %scan3A_75 to %scan3A_77 step %scan3A_78  : i32 {
      %mul3A_295 = arith.constant 2 : i32
      %mul3A_296 = arith.muli %mul3A_295, %scan3A_294 : i32
      %dma_wait3A_297 = arith.constant 0 : i32
      %dma_wait3A_298 = arith.constant 0 : i32
      %dma_wait3A_299 = tpu.memref_slice %arg5[%dma_wait3A_297, %dma_wait3A_298] : memref<8x128xi32, #tpu.memory_space<vmem>> -> memref<1x64xi32, #tpu.memory_space<vmem>>
      %dma_wait3A_300 = tpu.memref_squeeze %dma_wait3A_299 : memref<1x64xi32, #tpu.memory_space<vmem>> -> memref<64xi32, #tpu.memory_space<vmem>>
      %dma_wait3A_301 = arith.constant 0 : i32
      %dma_wait3A_302 = arith.constant 0 : i32
      %dma_wait3A_303 = tpu.memref_slice %arg3[%dma_wait3A_301, %dma_wait3A_302] : memref<10000x128xf32, #tpu.memory_space<hbm>> -> memref<10000x128xf32, #tpu.memory_space<hbm>>
      tpu.wait_indirect_dma semaphore(%arg12 : memref<!tpu.dma_semaphore, #tpu.memory_space<semaphore_mem>>) src(%dma_wait3A_303 : memref<10000x128xf32, #tpu.memory_space<hbm>>) dst(%arg7 : memref<64x128xf32, #tpu.memory_space<vmem>>)
      %dma_start3A_304 = arith.constant 1 : i32
      %dma_start3A_305 = arith.constant 0 : i32
      %dma_start3A_306 = tpu.memref_slice %arg5[%dma_start3A_304, %dma_start3A_305] : memref<8x128xi32, #tpu.memory_space<vmem>> -> memref<1x64xi32, #tpu.memory_space<vmem>>
      %dma_start3A_307 = tpu.memref_squeeze %dma_start3A_306 : memref<1x64xi32, #tpu.memory_space<vmem>> -> memref<64xi32, #tpu.memory_space<vmem>>
      %dma_start3A_308 = arith.constant 0 : i32
      %dma_start3A_309 = arith.constant 0 : i32
      %dma_start3A_310 = tpu.memref_slice %arg11[%dma_start3A_308, %dma_start3A_309] : memref<10240x128xf32, #tpu.memory_space<vmem_shared>> -> memref<10240x128xf32, #tpu.memory_space<vmem_shared>>
      tpu.enqueue_indirect_dma source(%arg7 : memref<64x128xf32, #tpu.memory_space<vmem>>) target(%dma_start3A_310 : memref<10240x128xf32, #tpu.memory_space<vmem_shared>>) offsets(%dma_start3A_307 : memref<64xi32, #tpu.memory_space<vmem>>) semaphore(%arg16 : memref<!tpu.dma_semaphore, #tpu.memory_space<semaphore_mem>>) {add = true}
      %gt3A = arith.constant 0 : i32
      %gt3A_311 = arith.cmpi sgt, %mul3A_296, %gt3A : i32
      %convert_element_type3A = arith.extui %gt3A_311 : i1 to i32
      %cond3A = arith.constant 0 : i32
      %cond3A_312 = arith.cmpi ne, %convert_element_type3A, %cond3A : i32
      scf.if %cond3A_312 {
        %dma_wait3A_785 = arith.constant 7 : i32
        %dma_wait3A_786 = arith.constant 64 : i32
        %dma_wait3A_787 = tpu.memref_slice %arg6[%dma_wait3A_785, %dma_wait3A_786] : memref<8x128xi32, #tpu.memory_space<vmem>> -> memref<1x64xi32, #tpu.memory_space<vmem>>
        %dma_wait3A_788 = tpu.memref_squeeze %dma_wait3A_787 : memref<1x64xi32, #tpu.memory_space<vmem>> -> memref<64xi32, #tpu.memory_space<vmem>>
        %dma_wait3A_789 = arith.constant 0 : i32
        %dma_wait3A_790 = arith.constant 0 : i32
        %dma_wait3A_791 = tpu.memref_slice %arg11[%dma_wait3A_789, %dma_wait3A_790] : memref<10240x128xf32, #tpu.memory_space<vmem_shared>> -> memref<10240x128xf32, #tpu.memory_space<vmem_shared>>
        tpu.wait_indirect_dma semaphore(%arg19 : memref<!tpu.dma_semaphore, #tpu.memory_space<semaphore_mem>>) src(%arg10 : memref<64x128xf32, #tpu.memory_space<vmem>>) dst(%dma_wait3A_791 : memref<10240x128xf32, #tpu.memory_space<vmem_shared>>)
      } else {
      }
      %dma_start3A_313 = arith.constant 2 : i32
      %dma_start3A_314 = arith.constant 64 : i32
      %dma_start3A_315 = tpu.memref_slice %arg5[%dma_start3A_313, %dma_start3A_314] : memref<8x128xi32, #tpu.memory_space<vmem>> -> memref<1x64xi32, #tpu.memory_space<vmem>>
      %dma_start3A_316 = tpu.memref_squeeze %dma_start3A_315 : memref<1x64xi32, #tpu.memory_space<vmem>> -> memref<64xi32, #tpu.memory_space<vmem>>
      %dma_start3A_317 = arith.constant 0 : i32
      %dma_start3A_318 = arith.constant 0 : i32
      %dma_start3A_319 = tpu.memref_slice %arg3[%dma_start3A_317, %dma_start3A_318] : memref<10000x128xf32, #tpu.memory_space<hbm>> -> memref<10000x128xf32, #tpu.memory_space<hbm>>
      tpu.enqueue_indirect_dma source(%dma_start3A_319 : memref<10000x128xf32, #tpu.memory_space<hbm>>) target(%arg10 : memref<64x128xf32, #tpu.memory_space<vmem>>) offsets(%dma_start3A_316 : memref<64xi32, #tpu.memory_space<vmem>>) semaphore(%arg15 : memref<!tpu.dma_semaphore, #tpu.memory_space<semaphore_mem>>)
      %dma_wait3A_320 = arith.constant 0 : i32
      %dma_wait3A_321 = arith.constant 64 : i32
      %dma_wait3A_322 = tpu.memref_slice %arg5[%dma_wait3A_320, %dma_wait3A_321] : memref<8x128xi32, #tpu.memory_space<vmem>> -> memref<1x64xi32, #tpu.memory_space<vmem>>
      %dma_wait3A_323 = tpu.memref_squeeze %dma_wait3A_322 : memref<1x64xi32, #tpu.memory_space<vmem>> -> memref<64xi32, #tpu.memory_space<vmem>>
      %dma_wait3A_324 = arith.constant 0 : i32
      %dma_wait3A_325 = arith.constant 0 : i32
      %dma_wait3A_326 = tpu.memref_slice %arg3[%dma_wait3A_324, %dma_wait3A_325] : memref<10000x128xf32, #tpu.memory_space<hbm>> -> memref<10000x128xf32, #tpu.memory_space<hbm>>
      tpu.wait_indirect_dma semaphore(%arg13 : memref<!tpu.dma_semaphore, #tpu.memory_space<semaphore_mem>>) src(%dma_wait3A_326 : memref<10000x128xf32, #tpu.memory_space<hbm>>) dst(%arg8 : memref<64x128xf32, #tpu.memory_space<vmem>>)
      %dma_start3A_327 = arith.constant 1 : i32
      %dma_start3A_328 = arith.constant 64 : i32
      %dma_start3A_329 = tpu.memref_slice %arg5[%dma_start3A_327, %dma_start3A_328] : memref<8x128xi32, #tpu.memory_space<vmem>> -> memref<1x64xi32, #tpu.memory_space<vmem>>
      %dma_start3A_330 = tpu.memref_squeeze %dma_start3A_329 : memref<1x64xi32, #tpu.memory_space<vmem>> -> memref<64xi32, #tpu.memory_space<vmem>>
      %dma_start3A_331 = arith.constant 0 : i32
      %dma_start3A_332 = arith.constant 0 : i32
      %dma_start3A_333 = tpu.memref_slice %arg11[%dma_start3A_331, %dma_start3A_332] : memref<10240x128xf32, #tpu.memory_space<vmem_shared>> -> memref<10240x128xf32, #tpu.memory_space<vmem_shared>>
      tpu.enqueue_indirect_dma source(%arg8 : memref<64x128xf32, #tpu.memory_space<vmem>>) target(%dma_start3A_333 : memref<10240x128xf32, #tpu.memory_space<vmem_shared>>) offsets(%dma_start3A_330 : memref<64xi32, #tpu.memory_space<vmem>>) semaphore(%arg17 : memref<!tpu.dma_semaphore, #tpu.memory_space<semaphore_mem>>) {add = true}
      %dma_wait3A_334 = arith.constant 1 : i32
      %dma_wait3A_335 = arith.constant 0 : i32
      %dma_wait3A_336 = tpu.memref_slice %arg5[%dma_wait3A_334, %dma_wait3A_335] : memref<8x128xi32, #tpu.memory_space<vmem>> -> memref<1x64xi32, #tpu.memory_space<vmem>>
      %dma_wait3A_337 = tpu.memref_squeeze %dma_wait3A_336 : memref<1x64xi32, #tpu.memory_space<vmem>> -> memref<64xi32, #tpu.memory_space<vmem>>
      %dma_wait3A_338 = arith.constant 0 : i32
      %dma_wait3A_339 = arith.constant 0 : i32
      %dma_wait3A_340 = tpu.memref_slice %arg11[%dma_wait3A_338, %dma_wait3A_339] : memref<10240x128xf32, #tpu.memory_space<vmem_shared>> -> memref<10240x128xf32, #tpu.memory_space<vmem_shared>>
      tpu.wait_indirect_dma semaphore(%arg16 : memref<!tpu.dma_semaphore, #tpu.memory_space<semaphore_mem>>) src(%arg7 : memref<64x128xf32, #tpu.memory_space<vmem>>) dst(%dma_wait3A_340 : memref<10240x128xf32, #tpu.memory_space<vmem_shared>>)
      %gt3A_341 = arith.constant 0 : i32
      %gt3A_342 = arith.cmpi sgt, %mul3A_296, %gt3A_341 : i32
      %convert_element_type3A_343 = arith.extui %gt3A_342 : i1 to i32
      %cond3A_344 = arith.constant 0 : i32
      %cond3A_345 = arith.cmpi ne, %convert_element_type3A_343, %cond3A_344 : i32
      scf.if %cond3A_345 {
        %add3A_785 = arith.constant 1 : i32
        %add3A_786 = arith.addi %mul3A_296, %add3A_785 : i32
        %mul3A_787 = arith.constant 2 : i32
        %mul3A_788 = arith.muli %add3A_786, %mul3A_787 : i32
        %mul3A_789 = arith.constant 4 : i32
        %mul3A_790 = arith.muli %mul3A_788, %mul3A_789 : i32
        %dma_start3A_791 = arith.constant 0 : i32
        %dma_start3A_792 = tpu.memref_slice %arg2[%add3A, %mul3A_790, %dma_start3A_791] : memref<32x168x128xi32, #tpu.memory_space<hbm>> -> memref<1x8x128xi32, #tpu.memory_space<hbm>>
        %dma_start3A_793 = tpu.memref_squeeze %dma_start3A_792 : memref<1x8x128xi32, #tpu.memory_space<hbm>> -> memref<8x128xi32, #tpu.memory_space<hbm>>
        %dma_start3A_794 = arith.constant 0 : i32
        %dma_start3A_795 = tpu.memref_slice %arg2[%add3A, %mul3A_790, %dma_start3A_794] : memref<32x168x128xi32, #tpu.memory_space<hbm>> -> memref<1x8x128xi32, #tpu.memory_space<hbm>>
        %dma_start3A_796 = tpu.memref_squeeze %dma_start3A_795 : memref<1x8x128xi32, #tpu.memory_space<hbm>> -> memref<8x128xi32, #tpu.memory_space<hbm>>
        tpu.enqueue_dma source(%dma_start3A_796 : memref<8x128xi32, #tpu.memory_space<hbm>>) target(%arg6 : memref<8x128xi32, #tpu.memory_space<vmem>>) target_semaphore(%arg21 : memref<!tpu.dma_semaphore, #tpu.memory_space<semaphore_mem>>)
      } else {
      }
      %dma_start3A_346 = arith.constant 4 : i32
      %dma_start3A_347 = arith.constant 0 : i32
      %dma_start3A_348 = tpu.memref_slice %arg5[%dma_start3A_346, %dma_start3A_347] : memref<8x128xi32, #tpu.memory_space<vmem>> -> memref<1x64xi32, #tpu.memory_space<vmem>>
      %dma_start3A_349 = tpu.memref_squeeze %dma_start3A_348 : memref<1x64xi32, #tpu.memory_space<vmem>> -> memref<64xi32, #tpu.memory_space<vmem>>
      %dma_start3A_350 = arith.constant 0 : i32
      %dma_start3A_351 = arith.constant 0 : i32
      %dma_start3A_352 = tpu.memref_slice %arg3[%dma_start3A_350, %dma_start3A_351] : memref<10000x128xf32, #tpu.memory_space<hbm>> -> memref<10000x128xf32, #tpu.memory_space<hbm>>
      tpu.enqueue_indirect_dma source(%dma_start3A_352 : memref<10000x128xf32, #tpu.memory_space<hbm>>) target(%arg7 : memref<64x128xf32, #tpu.memory_space<vmem>>) offsets(%dma_start3A_349 : memref<64xi32, #tpu.memory_space<vmem>>) semaphore(%arg12 : memref<!tpu.dma_semaphore, #tpu.memory_space<semaphore_mem>>)
      %dma_wait3A_353 = arith.constant 2 : i32
      %dma_wait3A_354 = arith.constant 0 : i32
      %dma_wait3A_355 = tpu.memref_slice %arg5[%dma_wait3A_353, %dma_wait3A_354] : memref<8x128xi32, #tpu.memory_space<vmem>> -> memref<1x64xi32, #tpu.memory_space<vmem>>
      %dma_wait3A_356 = tpu.memref_squeeze %dma_wait3A_355 : memref<1x64xi32, #tpu.memory_space<vmem>> -> memref<64xi32, #tpu.memory_space<vmem>>
      %dma_wait3A_357 = arith.constant 0 : i32
      %dma_wait3A_358 = arith.constant 0 : i32
      %dma_wait3A_359 = tpu.memref_slice %arg3[%dma_wait3A_357, %dma_wait3A_358] : memref<10000x128xf32, #tpu.memory_space<hbm>> -> memref<10000x128xf32, #tpu.memory_space<hbm>>
      tpu.wait_indirect_dma semaphore(%arg14 : memref<!tpu.dma_semaphore, #tpu.memory_space<semaphore_mem>>) src(%dma_wait3A_359 : memref<10000x128xf32, #tpu.memory_space<hbm>>) dst(%arg9 : memref<64x128xf32, #tpu.memory_space<vmem>>)
      %dma_start3A_360 = arith.constant 3 : i32
      %dma_start3A_361 = arith.constant 0 : i32
      %dma_start3A_362 = tpu.memref_slice %arg5[%dma_start3A_360, %dma_start3A_361] : memref<8x128xi32, #tpu.memory_space<vmem>> -> memref<1x64xi32, #tpu.memory_space<vmem>>
      %dma_start3A_363 = tpu.memref_squeeze %dma_start3A_362 : memref<1x64xi32, #tpu.memory_space<vmem>> -> memref<64xi32, #tpu.memory_space<vmem>>
      %dma_start3A_364 = arith.constant 0 : i32
      %dma_start3A_365 = arith.constant 0 : i32
      %dma_start3A_366 = tpu.memref_slice %arg11[%dma_start3A_364, %dma_start3A_365] : memref<10240x128xf32, #tpu.memory_space<vmem_shared>> -> memref<10240x128xf32, #tpu.memory_space<vmem_shared>>
      tpu.enqueue_indirect_dma source(%arg9 : memref<64x128xf32, #tpu.memory_space<vmem>>) target(%dma_start3A_366 : memref<10240x128xf32, #tpu.memory_space<vmem_shared>>) offsets(%dma_start3A_363 : memref<64xi32, #tpu.memory_space<vmem>>) semaphore(%arg18 : memref<!tpu.dma_semaphore, #tpu.memory_space<semaphore_mem>>) {add = true}
      %dma_wait3A_367 = arith.constant 1 : i32
      %dma_wait3A_368 = arith.constant 64 : i32
      %dma_wait3A_369 = tpu.memref_slice %arg5[%dma_wait3A_367, %dma_wait3A_368] : memref<8x128xi32, #tpu.memory_space<vmem>> -> memref<1x64xi32, #tpu.memory_space<vmem>>
      %dma_wait3A_370 = tpu.memref_squeeze %dma_wait3A_369 : memref<1x64xi32, #tpu.memory_space<vmem>> -> memref<64xi32, #tpu.memory_space<vmem>>
      %dma_wait3A_371 = arith.constant 0 : i32
      %dma_wait3A_372 = arith.constant 0 : i32
      %dma_wait3A_373 = tpu.memref_slice %arg11[%dma_wait3A_371, %dma_wait3A_372] : memref<10240x128xf32, #tpu.memory_space<vmem_shared>> -> memref<10240x128xf32, #tpu.memory_space<vmem_shared>>
      tpu.wait_indirect_dma semaphore(%arg17 : memref<!tpu.dma_semaphore, #tpu.memory_space<semaphore_mem>>) src(%arg8 : memref<64x128xf32, #tpu.memory_space<vmem>>) dst(%dma_wait3A_373 : memref<10240x128xf32, #tpu.memory_space<vmem_shared>>)
      %dma_start3A_374 = arith.constant 4 : i32
      %dma_start3A_375 = arith.constant 64 : i32
      %dma_start3A_376 = tpu.memref_slice %arg5[%dma_start3A_374, %dma_start3A_375] : memref<8x128xi32, #tpu.memory_space<vmem>> -> memref<1x64xi32, #tpu.memory_space<vmem>>
      %dma_start3A_377 = tpu.memref_squeeze %dma_start3A_376 : memref<1x64xi32, #tpu.memory_space<vmem>> -> memref<64xi32, #tpu.memory_space<vmem>>
      %dma_start3A_378 = arith.constant 0 : i32
      %dma_start3A_379 = arith.constant 0 : i32
      %dma_start3A_380 = tpu.memref_slice %arg3[%dma_start3A_378, %dma_start3A_379] : memref<10000x128xf32, #tpu.memory_space<hbm>> -> memref<10000x128xf32, #tpu.memory_space<hbm>>
      tpu.enqueue_indirect_dma source(%dma_start3A_380 : memref<10000x128xf32, #tpu.memory_space<hbm>>) target(%arg8 : memref<64x128xf32, #tpu.memory_space<vmem>>) offsets(%dma_start3A_377 : memref<64xi32, #tpu.memory_space<vmem>>) semaphore(%arg13 : memref<!tpu.dma_semaphore, #tpu.memory_space<semaphore_mem>>)
      %dma_wait3A_381 = arith.constant 2 : i32
      %dma_wait3A_382 = arith.constant 64 : i32
      %dma_wait3A_383 = tpu.memref_slice %arg5[%dma_wait3A_381, %dma_wait3A_382] : memref<8x128xi32, #tpu.memory_space<vmem>> -> memref<1x64xi32, #tpu.memory_space<vmem>>
      %dma_wait3A_384 = tpu.memref_squeeze %dma_wait3A_383 : memref<1x64xi32, #tpu.memory_space<vmem>> -> memref<64xi32, #tpu.memory_space<vmem>>
      %dma_wait3A_385 = arith.constant 0 : i32
      %dma_wait3A_386 = arith.constant 0 : i32
      %dma_wait3A_387 = tpu.memref_slice %arg3[%dma_wait3A_385, %dma_wait3A_386] : memref<10000x128xf32, #tpu.memory_space<hbm>> -> memref<10000x128xf32, #tpu.memory_space<hbm>>
      tpu.wait_indirect_dma semaphore(%arg15 : memref<!tpu.dma_semaphore, #tpu.memory_space<semaphore_mem>>) src(%dma_wait3A_387 : memref<10000x128xf32, #tpu.memory_space<hbm>>) dst(%arg10 : memref<64x128xf32, #tpu.memory_space<vmem>>)
      %dma_start3A_388 = arith.constant 3 : i32
      %dma_start3A_389 = arith.constant 64 : i32
      %dma_start3A_390 = tpu.memref_slice %arg5[%dma_start3A_388, %dma_start3A_389] : memref<8x128xi32, #tpu.memory_space<vmem>> -> memref<1x64xi32, #tpu.memory_space<vmem>>
      %dma_start3A_391 = tpu.memref_squeeze %dma_start3A_390 : memref<1x64xi32, #tpu.memory_space<vmem>> -> memref<64xi32, #tpu.memory_space<vmem>>
      %dma_start3A_392 = arith.constant 0 : i32
      %dma_start3A_393 = arith.constant 0 : i32
      %dma_start3A_394 = tpu.memref_slice %arg11[%dma_start3A_392, %dma_start3A_393] : memref<10240x128xf32, #tpu.memory_space<vmem_shared>> -> memref<10240x128xf32, #tpu.memory_space<vmem_shared>>
      tpu.enqueue_indirect_dma source(%arg10 : memref<64x128xf32, #tpu.memory_space<vmem>>) target(%dma_start3A_394 : memref<10240x128xf32, #tpu.memory_space<vmem_shared>>) offsets(%dma_start3A_391 : memref<64xi32, #tpu.memory_space<vmem>>) semaphore(%arg19 : memref<!tpu.dma_semaphore, #tpu.memory_space<semaphore_mem>>) {add = true}
      %dma_wait3A_395 = arith.constant 3 : i32
      %dma_wait3A_396 = arith.constant 0 : i32
      %dma_wait3A_397 = tpu.memref_slice %arg5[%dma_wait3A_395, %dma_wait3A_396] : memref<8x128xi32, #tpu.memory_space<vmem>> -> memref<1x64xi32, #tpu.memory_space<vmem>>
      %dma_wait3A_398 = tpu.memref_squeeze %dma_wait3A_397 : memref<1x64xi32, #tpu.memory_space<vmem>> -> memref<64xi32, #tpu.memory_space<vmem>>
      %dma_wait3A_399 = arith.constant 0 : i32
      %dma_wait3A_400 = arith.constant 0 : i32
      %dma_wait3A_401 = tpu.memref_slice %arg11[%dma_wait3A_399, %dma_wait3A_400] : memref<10240x128xf32, #tpu.memory_space<vmem_shared>> -> memref<10240x128xf32, #tpu.memory_space<vmem_shared>>
      tpu.wait_indirect_dma semaphore(%arg18 : memref<!tpu.dma_semaphore, #tpu.memory_space<semaphore_mem>>) src(%arg9 : memref<64x128xf32, #tpu.memory_space<vmem>>) dst(%dma_wait3A_401 : memref<10240x128xf32, #tpu.memory_space<vmem_shared>>)
      %dma_start3A_402 = arith.constant 6 : i32
      %dma_start3A_403 = arith.constant 0 : i32
      %dma_start3A_404 = tpu.memref_slice %arg5[%dma_start3A_402, %dma_start3A_403] : memref<8x128xi32, #tpu.memory_space<vmem>> -> memref<1x64xi32, #tpu.memory_space<vmem>>
      %dma_start3A_405 = tpu.memref_squeeze %dma_start3A_404 : memref<1x64xi32, #tpu.memory_space<vmem>> -> memref<64xi32, #tpu.memory_space<vmem>>
      %dma_start3A_406 = arith.constant 0 : i32
      %dma_start3A_407 = arith.constant 0 : i32
      %dma_start3A_408 = tpu.memref_slice %arg3[%dma_start3A_406, %dma_start3A_407] : memref<10000x128xf32, #tpu.memory_space<hbm>> -> memref<10000x128xf32, #tpu.memory_space<hbm>>
      tpu.enqueue_indirect_dma source(%dma_start3A_408 : memref<10000x128xf32, #tpu.memory_space<hbm>>) target(%arg9 : memref<64x128xf32, #tpu.memory_space<vmem>>) offsets(%dma_start3A_405 : memref<64xi32, #tpu.memory_space<vmem>>) semaphore(%arg14 : memref<!tpu.dma_semaphore, #tpu.memory_space<semaphore_mem>>)
      %dma_wait3A_409 = arith.constant 4 : i32
      %dma_wait3A_410 = arith.constant 0 : i32
      %dma_wait3A_411 = tpu.memref_slice %arg5[%dma_wait3A_409, %dma_wait3A_410] : memref<8x128xi32, #tpu.memory_space<vmem>> -> memref<1x64xi32, #tpu.memory_space<vmem>>
      %dma_wait3A_412 = tpu.memref_squeeze %dma_wait3A_411 : memref<1x64xi32, #tpu.memory_space<vmem>> -> memref<64xi32, #tpu.memory_space<vmem>>
      %dma_wait3A_413 = arith.constant 0 : i32
      %dma_wait3A_414 = arith.constant 0 : i32
      %dma_wait3A_415 = tpu.memref_slice %arg3[%dma_wait3A_413, %dma_wait3A_414] : memref<10000x128xf32, #tpu.memory_space<hbm>> -> memref<10000x128xf32, #tpu.memory_space<hbm>>
      tpu.wait_indirect_dma semaphore(%arg12 : memref<!tpu.dma_semaphore, #tpu.memory_space<semaphore_mem>>) src(%dma_wait3A_415 : memref<10000x128xf32, #tpu.memory_space<hbm>>) dst(%arg7 : memref<64x128xf32, #tpu.memory_space<vmem>>)
      %dma_start3A_416 = arith.constant 5 : i32
      %dma_start3A_417 = arith.constant 0 : i32
      %dma_start3A_418 = tpu.memref_slice %arg5[%dma_start3A_416, %dma_start3A_417] : memref<8x128xi32, #tpu.memory_space<vmem>> -> memref<1x64xi32, #tpu.memory_space<vmem>>
      %dma_start3A_419 = tpu.memref_squeeze %dma_start3A_418 : memref<1x64xi32, #tpu.memory_space<vmem>> -> memref<64xi32, #tpu.memory_space<vmem>>
      %dma_start3A_420 = arith.constant 0 : i32
      %dma_start3A_421 = arith.constant 0 : i32
      %dma_start3A_422 = tpu.memref_slice %arg11[%dma_start3A_420, %dma_start3A_421] : memref<10240x128xf32, #tpu.memory_space<vmem_shared>> -> memref<10240x128xf32, #tpu.memory_space<vmem_shared>>
      tpu.enqueue_indirect_dma source(%arg7 : memref<64x128xf32, #tpu.memory_space<vmem>>) target(%dma_start3A_422 : memref<10240x128xf32, #tpu.memory_space<vmem_shared>>) offsets(%dma_start3A_419 : memref<64xi32, #tpu.memory_space<vmem>>) semaphore(%arg16 : memref<!tpu.dma_semaphore, #tpu.memory_space<semaphore_mem>>) {add = true}
      %dma_wait3A_423 = arith.constant 3 : i32
      %dma_wait3A_424 = arith.constant 64 : i32
      %dma_wait3A_425 = tpu.memref_slice %arg5[%dma_wait3A_423, %dma_wait3A_424] : memref<8x128xi32, #tpu.memory_space<vmem>> -> memref<1x64xi32, #tpu.memory_space<vmem>>
      %dma_wait3A_426 = tpu.memref_squeeze %dma_wait3A_425 : memref<1x64xi32, #tpu.memory_space<vmem>> -> memref<64xi32, #tpu.memory_space<vmem>>
      %dma_wait3A_427 = arith.constant 0 : i32
      %dma_wait3A_428 = arith.constant 0 : i32
      %dma_wait3A_429 = tpu.memref_slice %arg11[%dma_wait3A_427, %dma_wait3A_428] : memref<10240x128xf32, #tpu.memory_space<vmem_shared>> -> memref<10240x128xf32, #tpu.memory_space<vmem_shared>>
      tpu.wait_indirect_dma semaphore(%arg19 : memref<!tpu.dma_semaphore, #tpu.memory_space<semaphore_mem>>) src(%arg10 : memref<64x128xf32, #tpu.memory_space<vmem>>) dst(%dma_wait3A_429 : memref<10240x128xf32, #tpu.memory_space<vmem_shared>>)
      %dma_start3A_430 = arith.constant 6 : i32
      %dma_start3A_431 = arith.constant 64 : i32
      %dma_start3A_432 = tpu.memref_slice %arg5[%dma_start3A_430, %dma_start3A_431] : memref<8x128xi32, #tpu.memory_space<vmem>> -> memref<1x64xi32, #tpu.memory_space<vmem>>
      %dma_start3A_433 = tpu.memref_squeeze %dma_start3A_432 : memref<1x64xi32, #tpu.memory_space<vmem>> -> memref<64xi32, #tpu.memory_space<vmem>>
      %dma_start3A_434 = arith.constant 0 : i32
      %dma_start3A_435 = arith.constant 0 : i32
      %dma_start3A_436 = tpu.memref_slice %arg3[%dma_start3A_434, %dma_start3A_435] : memref<10000x128xf32, #tpu.memory_space<hbm>> -> memref<10000x128xf32, #tpu.memory_space<hbm>>
      tpu.enqueue_indirect_dma source(%dma_start3A_436 : memref<10000x128xf32, #tpu.memory_space<hbm>>) target(%arg10 : memref<64x128xf32, #tpu.memory_space<vmem>>) offsets(%dma_start3A_433 : memref<64xi32, #tpu.memory_space<vmem>>) semaphore(%arg15 : memref<!tpu.dma_semaphore, #tpu.memory_space<semaphore_mem>>)
      %dma_wait3A_437 = arith.constant 4 : i32
      %dma_wait3A_438 = arith.constant 64 : i32
      %dma_wait3A_439 = tpu.memref_slice %arg5[%dma_wait3A_437, %dma_wait3A_438] : memref<8x128xi32, #tpu.memory_space<vmem>> -> memref<1x64xi32, #tpu.memory_space<vmem>>
      %dma_wait3A_440 = tpu.memref_squeeze %dma_wait3A_439 : memref<1x64xi32, #tpu.memory_space<vmem>> -> memref<64xi32, #tpu.memory_space<vmem>>
      %dma_wait3A_441 = arith.constant 0 : i32
      %dma_wait3A_442 = arith.constant 0 : i32
      %dma_wait3A_443 = tpu.memref_slice %arg3[%dma_wait3A_441, %dma_wait3A_442] : memref<10000x128xf32, #tpu.memory_space<hbm>> -> memref<10000x128xf32, #tpu.memory_space<hbm>>
      tpu.wait_indirect_dma semaphore(%arg13 : memref<!tpu.dma_semaphore, #tpu.memory_space<semaphore_mem>>) src(%dma_wait3A_443 : memref<10000x128xf32, #tpu.memory_space<hbm>>) dst(%arg8 : memref<64x128xf32, #tpu.memory_space<vmem>>)
      %dma_start3A_444 = arith.constant 5 : i32
      %dma_start3A_445 = arith.constant 64 : i32
      %dma_start3A_446 = tpu.memref_slice %arg5[%dma_start3A_444, %dma_start3A_445] : memref<8x128xi32, #tpu.memory_space<vmem>> -> memref<1x64xi32, #tpu.memory_space<vmem>>
      %dma_start3A_447 = tpu.memref_squeeze %dma_start3A_446 : memref<1x64xi32, #tpu.memory_space<vmem>> -> memref<64xi32, #tpu.memory_space<vmem>>
      %dma_start3A_448 = arith.constant 0 : i32
      %dma_start3A_449 = arith.constant 0 : i32
      %dma_start3A_450 = tpu.memref_slice %arg11[%dma_start3A_448, %dma_start3A_449] : memref<10240x128xf32, #tpu.memory_space<vmem_shared>> -> memref<10240x128xf32, #tpu.memory_space<vmem_shared>>
      tpu.enqueue_indirect_dma source(%arg8 : memref<64x128xf32, #tpu.memory_space<vmem>>) target(%dma_start3A_450 : memref<10240x128xf32, #tpu.memory_space<vmem_shared>>) offsets(%dma_start3A_447 : memref<64xi32, #tpu.memory_space<vmem>>) semaphore(%arg17 : memref<!tpu.dma_semaphore, #tpu.memory_space<semaphore_mem>>) {add = true}
      %dma_wait3A_451 = arith.constant 5 : i32
      %dma_wait3A_452 = arith.constant 0 : i32
      %dma_wait3A_453 = tpu.memref_slice %arg5[%dma_wait3A_451, %dma_wait3A_452] : memref<8x128xi32, #tpu.memory_space<vmem>> -> memref<1x64xi32, #tpu.memory_space<vmem>>
      %dma_wait3A_454 = tpu.memref_squeeze %dma_wait3A_453 : memref<1x64xi32, #tpu.memory_space<vmem>> -> memref<64xi32, #tpu.memory_space<vmem>>
      %dma_wait3A_455 = arith.constant 0 : i32
      %dma_wait3A_456 = arith.constant 0 : i32
      %dma_wait3A_457 = tpu.memref_slice %arg11[%dma_wait3A_455, %dma_wait3A_456] : memref<10240x128xf32, #tpu.memory_space<vmem_shared>> -> memref<10240x128xf32, #tpu.memory_space<vmem_shared>>
      tpu.wait_indirect_dma semaphore(%arg16 : memref<!tpu.dma_semaphore, #tpu.memory_space<semaphore_mem>>) src(%arg7 : memref<64x128xf32, #tpu.memory_space<vmem>>) dst(%dma_wait3A_457 : memref<10240x128xf32, #tpu.memory_space<vmem_shared>>)
      %add3A_458 = arith.constant 1 : i32
      %add3A_459 = arith.addi %mul3A_296, %add3A_458 : i32
      %mul3A_460 = arith.constant 2 : i32
      %mul3A_461 = arith.muli %add3A_459, %mul3A_460 : i32
      %mul3A_462 = arith.constant 4 : i32
      %mul3A_463 = arith.muli %mul3A_461, %mul3A_462 : i32
      %dma_wait3A_464 = arith.constant 0 : i32
      %dma_wait3A_465 = tpu.memref_slice %arg2[%add3A, %mul3A_463, %dma_wait3A_464] : memref<32x168x128xi32, #tpu.memory_space<hbm>> -> memref<1x8x128xi32, #tpu.memory_space<hbm>>
      %dma_wait3A_466 = tpu.memref_squeeze %dma_wait3A_465 : memref<1x8x128xi32, #tpu.memory_space<hbm>> -> memref<8x128xi32, #tpu.memory_space<hbm>>
      %dma_wait3A_467 = arith.constant 0 : i32
      %dma_wait3A_468 = tpu.memref_slice %arg2[%add3A, %mul3A_463, %dma_wait3A_467] : memref<32x168x128xi32, #tpu.memory_space<hbm>> -> memref<1x8x128xi32, #tpu.memory_space<hbm>>
      %dma_wait3A_469 = tpu.memref_squeeze %dma_wait3A_468 : memref<1x8x128xi32, #tpu.memory_space<hbm>> -> memref<8x128xi32, #tpu.memory_space<hbm>>
      tpu.wait_dma2 semaphore(%arg21 : memref<!tpu.dma_semaphore, #tpu.memory_space<semaphore_mem>>) src(%dma_wait3A_469 : memref<8x128xi32, #tpu.memory_space<hbm>>) dst(%arg6 : memref<8x128xi32, #tpu.memory_space<vmem>>)
      %dma_start3A_470 = arith.constant 0 : i32
      %dma_start3A_471 = arith.constant 0 : i32
      %dma_start3A_472 = tpu.memref_slice %arg6[%dma_start3A_470, %dma_start3A_471] : memref<8x128xi32, #tpu.memory_space<vmem>> -> memref<1x64xi32, #tpu.memory_space<vmem>>
      %dma_start3A_473 = tpu.memref_squeeze %dma_start3A_472 : memref<1x64xi32, #tpu.memory_space<vmem>> -> memref<64xi32, #tpu.memory_space<vmem>>
      %dma_start3A_474 = arith.constant 0 : i32
      %dma_start3A_475 = arith.constant 0 : i32
      %dma_start3A_476 = tpu.memref_slice %arg3[%dma_start3A_474, %dma_start3A_475] : memref<10000x128xf32, #tpu.memory_space<hbm>> -> memref<10000x128xf32, #tpu.memory_space<hbm>>
      tpu.enqueue_indirect_dma source(%dma_start3A_476 : memref<10000x128xf32, #tpu.memory_space<hbm>>) target(%arg7 : memref<64x128xf32, #tpu.memory_space<vmem>>) offsets(%dma_start3A_473 : memref<64xi32, #tpu.memory_space<vmem>>) semaphore(%arg12 : memref<!tpu.dma_semaphore, #tpu.memory_space<semaphore_mem>>)
      %dma_wait3A_477 = arith.constant 6 : i32
      %dma_wait3A_478 = arith.constant 0 : i32
      %dma_wait3A_479 = tpu.memref_slice %arg5[%dma_wait3A_477, %dma_wait3A_478] : memref<8x128xi32, #tpu.memory_space<vmem>> -> memref<1x64xi32, #tpu.memory_space<vmem>>
      %dma_wait3A_480 = tpu.memref_squeeze %dma_wait3A_479 : memref<1x64xi32, #tpu.memory_space<vmem>> -> memref<64xi32, #tpu.memory_space<vmem>>
      %dma_wait3A_481 = arith.constant 0 : i32
      %dma_wait3A_482 = arith.constant 0 : i32
      %dma_wait3A_483 = tpu.memref_slice %arg3[%dma_wait3A_481, %dma_wait3A_482] : memref<10000x128xf32, #tpu.memory_space<hbm>> -> memref<10000x128xf32, #tpu.memory_space<hbm>>
      tpu.wait_indirect_dma semaphore(%arg14 : memref<!tpu.dma_semaphore, #tpu.memory_space<semaphore_mem>>) src(%dma_wait3A_483 : memref<10000x128xf32, #tpu.memory_space<hbm>>) dst(%arg9 : memref<64x128xf32, #tpu.memory_space<vmem>>)
      %dma_start3A_484 = arith.constant 7 : i32
      %dma_start3A_485 = arith.constant 0 : i32
      %dma_start3A_486 = tpu.memref_slice %arg5[%dma_start3A_484, %dma_start3A_485] : memref<8x128xi32, #tpu.memory_space<vmem>> -> memref<1x64xi32, #tpu.memory_space<vmem>>
      %dma_start3A_487 = tpu.memref_squeeze %dma_start3A_486 : memref<1x64xi32, #tpu.memory_space<vmem>> -> memref<64xi32, #tpu.memory_space<vmem>>
      %dma_start3A_488 = arith.constant 0 : i32
      %dma_start3A_489 = arith.constant 0 : i32
      %dma_start3A_490 = tpu.memref_slice %arg11[%dma_start3A_488, %dma_start3A_489] : memref<10240x128xf32, #tpu.memory_space<vmem_shared>> -> memref<10240x128xf32, #tpu.memory_space<vmem_shared>>
      tpu.enqueue_indirect_dma source(%arg9 : memref<64x128xf32, #tpu.memory_space<vmem>>) target(%dma_start3A_490 : memref<10240x128xf32, #tpu.memory_space<vmem_shared>>) offsets(%dma_start3A_487 : memref<64xi32, #tpu.memory_space<vmem>>) semaphore(%arg18 : memref<!tpu.dma_semaphore, #tpu.memory_space<semaphore_mem>>) {add = true}
      %dma_wait3A_491 = arith.constant 5 : i32
      %dma_wait3A_492 = arith.constant 64 : i32
      %dma_wait3A_493 = tpu.memref_slice %arg5[%dma_wait3A_491, %dma_wait3A_492] : memref<8x128xi32, #tpu.memory_space<vmem>> -> memref<1x64xi32, #tpu.memory_space<vmem>>
      %dma_wait3A_494 = tpu.memref_squeeze %dma_wait3A_493 : memref<1x64xi32, #tpu.memory_space<vmem>> -> memref<64xi32, #tpu.memory_space<vmem>>
      %dma_wait3A_495 = arith.constant 0 : i32
      %dma_wait3A_496 = arith.constant 0 : i32
      %dma_wait3A_497 = tpu.memref_slice %arg11[%dma_wait3A_495, %dma_wait3A_496] : memref<10240x128xf32, #tpu.memory_space<vmem_shared>> -> memref<10240x128xf32, #tpu.memory_space<vmem_shared>>
      tpu.wait_indirect_dma semaphore(%arg17 : memref<!tpu.dma_semaphore, #tpu.memory_space<semaphore_mem>>) src(%arg8 : memref<64x128xf32, #tpu.memory_space<vmem>>) dst(%dma_wait3A_497 : memref<10240x128xf32, #tpu.memory_space<vmem_shared>>)
      %dma_start3A_498 = arith.constant 0 : i32
      %dma_start3A_499 = arith.constant 64 : i32
      %dma_start3A_500 = tpu.memref_slice %arg6[%dma_start3A_498, %dma_start3A_499] : memref<8x128xi32, #tpu.memory_space<vmem>> -> memref<1x64xi32, #tpu.memory_space<vmem>>
      %dma_start3A_501 = tpu.memref_squeeze %dma_start3A_500 : memref<1x64xi32, #tpu.memory_space<vmem>> -> memref<64xi32, #tpu.memory_space<vmem>>
      %dma_start3A_502 = arith.constant 0 : i32
      %dma_start3A_503 = arith.constant 0 : i32
      %dma_start3A_504 = tpu.memref_slice %arg3[%dma_start3A_502, %dma_start3A_503] : memref<10000x128xf32, #tpu.memory_space<hbm>> -> memref<10000x128xf32, #tpu.memory_space<hbm>>
      tpu.enqueue_indirect_dma source(%dma_start3A_504 : memref<10000x128xf32, #tpu.memory_space<hbm>>) target(%arg8 : memref<64x128xf32, #tpu.memory_space<vmem>>) offsets(%dma_start3A_501 : memref<64xi32, #tpu.memory_space<vmem>>) semaphore(%arg13 : memref<!tpu.dma_semaphore, #tpu.memory_space<semaphore_mem>>)
      %dma_wait3A_505 = arith.constant 6 : i32
      %dma_wait3A_506 = arith.constant 64 : i32
      %dma_wait3A_507 = tpu.memref_slice %arg5[%dma_wait3A_505, %dma_wait3A_506] : memref<8x128xi32, #tpu.memory_space<vmem>> -> memref<1x64xi32, #tpu.memory_space<vmem>>
      %dma_wait3A_508 = tpu.memref_squeeze %dma_wait3A_507 : memref<1x64xi32, #tpu.memory_space<vmem>> -> memref<64xi32, #tpu.memory_space<vmem>>
      %dma_wait3A_509 = arith.constant 0 : i32
      %dma_wait3A_510 = arith.constant 0 : i32
      %dma_wait3A_511 = tpu.memref_slice %arg3[%dma_wait3A_509, %dma_wait3A_510] : memref<10000x128xf32, #tpu.memory_space<hbm>> -> memref<10000x128xf32, #tpu.memory_space<hbm>>
      tpu.wait_indirect_dma semaphore(%arg15 : memref<!tpu.dma_semaphore, #tpu.memory_space<semaphore_mem>>) src(%dma_wait3A_511 : memref<10000x128xf32, #tpu.memory_space<hbm>>) dst(%arg10 : memref<64x128xf32, #tpu.memory_space<vmem>>)
      %dma_start3A_512 = arith.constant 7 : i32
      %dma_start3A_513 = arith.constant 64 : i32
      %dma_start3A_514 = tpu.memref_slice %arg5[%dma_start3A_512, %dma_start3A_513] : memref<8x128xi32, #tpu.memory_space<vmem>> -> memref<1x64xi32, #tpu.memory_space<vmem>>
      %dma_start3A_515 = tpu.memref_squeeze %dma_start3A_514 : memref<1x64xi32, #tpu.memory_space<vmem>> -> memref<64xi32, #tpu.memory_space<vmem>>
      %dma_start3A_516 = arith.constant 0 : i32
      %dma_start3A_517 = arith.constant 0 : i32
      %dma_start3A_518 = tpu.memref_slice %arg11[%dma_start3A_516, %dma_start3A_517] : memref<10240x128xf32, #tpu.memory_space<vmem_shared>> -> memref<10240x128xf32, #tpu.memory_space<vmem_shared>>
      tpu.enqueue_indirect_dma source(%arg10 : memref<64x128xf32, #tpu.memory_space<vmem>>) target(%dma_start3A_518 : memref<10240x128xf32, #tpu.memory_space<vmem_shared>>) offsets(%dma_start3A_515 : memref<64xi32, #tpu.memory_space<vmem>>) semaphore(%arg19 : memref<!tpu.dma_semaphore, #tpu.memory_space<semaphore_mem>>) {add = true}
      %dma_wait3A_519 = arith.constant 7 : i32
      %dma_wait3A_520 = arith.constant 0 : i32
      %dma_wait3A_521 = tpu.memref_slice %arg5[%dma_wait3A_519, %dma_wait3A_520] : memref<8x128xi32, #tpu.memory_space<vmem>> -> memref<1x64xi32, #tpu.memory_space<vmem>>
      %dma_wait3A_522 = tpu.memref_squeeze %dma_wait3A_521 : memref<1x64xi32, #tpu.memory_space<vmem>> -> memref<64xi32, #tpu.memory_space<vmem>>
      %dma_wait3A_523 = arith.constant 0 : i32
      %dma_wait3A_524 = arith.constant 0 : i32
      %dma_wait3A_525 = tpu.memref_slice %arg11[%dma_wait3A_523, %dma_wait3A_524] : memref<10240x128xf32, #tpu.memory_space<vmem_shared>> -> memref<10240x128xf32, #tpu.memory_space<vmem_shared>>
      tpu.wait_indirect_dma semaphore(%arg18 : memref<!tpu.dma_semaphore, #tpu.memory_space<semaphore_mem>>) src(%arg9 : memref<64x128xf32, #tpu.memory_space<vmem>>) dst(%dma_wait3A_525 : memref<10240x128xf32, #tpu.memory_space<vmem_shared>>)
      %dma_start3A_526 = arith.constant 2 : i32
      %dma_start3A_527 = arith.constant 0 : i32
      %dma_start3A_528 = tpu.memref_slice %arg6[%dma_start3A_526, %dma_start3A_527] : memref<8x128xi32, #tpu.memory_space<vmem>> -> memref<1x64xi32, #tpu.memory_space<vmem>>
      %dma_start3A_529 = tpu.memref_squeeze %dma_start3A_528 : memref<1x64xi32, #tpu.memory_space<vmem>> -> memref<64xi32, #tpu.memory_space<vmem>>
      %dma_start3A_530 = arith.constant 0 : i32
      %dma_start3A_531 = arith.constant 0 : i32
      %dma_start3A_532 = tpu.memref_slice %arg3[%dma_start3A_530, %dma_start3A_531] : memref<10000x128xf32, #tpu.memory_space<hbm>> -> memref<10000x128xf32, #tpu.memory_space<hbm>>
      tpu.enqueue_indirect_dma source(%dma_start3A_532 : memref<10000x128xf32, #tpu.memory_space<hbm>>) target(%arg9 : memref<64x128xf32, #tpu.memory_space<vmem>>) offsets(%dma_start3A_529 : memref<64xi32, #tpu.memory_space<vmem>>) semaphore(%arg14 : memref<!tpu.dma_semaphore, #tpu.memory_space<semaphore_mem>>)
      %mul3A_533 = arith.constant 2 : i32
      %mul3A_534 = arith.muli %mul3A_533, %scan3A_294 : i32
      %add3A_535 = arith.constant 1 : i32
      %add3A_536 = arith.addi %mul3A_534, %add3A_535 : i32
      %dma_wait3A_537 = arith.constant 0 : i32
      %dma_wait3A_538 = arith.constant 0 : i32
      %dma_wait3A_539 = tpu.memref_slice %arg6[%dma_wait3A_537, %dma_wait3A_538] : memref<8x128xi32, #tpu.memory_space<vmem>> -> memref<1x64xi32, #tpu.memory_space<vmem>>
      %dma_wait3A_540 = tpu.memref_squeeze %dma_wait3A_539 : memref<1x64xi32, #tpu.memory_space<vmem>> -> memref<64xi32, #tpu.memory_space<vmem>>
      %dma_wait3A_541 = arith.constant 0 : i32
      %dma_wait3A_542 = arith.constant 0 : i32
      %dma_wait3A_543 = tpu.memref_slice %arg3[%dma_wait3A_541, %dma_wait3A_542] : memref<10000x128xf32, #tpu.memory_space<hbm>> -> memref<10000x128xf32, #tpu.memory_space<hbm>>
      tpu.wait_indirect_dma semaphore(%arg12 : memref<!tpu.dma_semaphore, #tpu.memory_space<semaphore_mem>>) src(%dma_wait3A_543 : memref<10000x128xf32, #tpu.memory_space<hbm>>) dst(%arg7 : memref<64x128xf32, #tpu.memory_space<vmem>>)
      %dma_start3A_544 = arith.constant 1 : i32
      %dma_start3A_545 = arith.constant 0 : i32
      %dma_start3A_546 = tpu.memref_slice %arg6[%dma_start3A_544, %dma_start3A_545] : memref<8x128xi32, #tpu.memory_space<vmem>> -> memref<1x64xi32, #tpu.memory_space<vmem>>
      %dma_start3A_547 = tpu.memref_squeeze %dma_start3A_546 : memref<1x64xi32, #tpu.memory_space<vmem>> -> memref<64xi32, #tpu.memory_space<vmem>>
      %dma_start3A_548 = arith.constant 0 : i32
      %dma_start3A_549 = arith.constant 0 : i32
      %dma_start3A_550 = tpu.memref_slice %arg11[%dma_start3A_548, %dma_start3A_549] : memref<10240x128xf32, #tpu.memory_space<vmem_shared>> -> memref<10240x128xf32, #tpu.memory_space<vmem_shared>>
      tpu.enqueue_indirect_dma source(%arg7 : memref<64x128xf32, #tpu.memory_space<vmem>>) target(%dma_start3A_550 : memref<10240x128xf32, #tpu.memory_space<vmem_shared>>) offsets(%dma_start3A_547 : memref<64xi32, #tpu.memory_space<vmem>>) semaphore(%arg16 : memref<!tpu.dma_semaphore, #tpu.memory_space<semaphore_mem>>) {add = true}
      %dma_wait3A_551 = arith.constant 7 : i32
      %dma_wait3A_552 = arith.constant 64 : i32
      %dma_wait3A_553 = tpu.memref_slice %arg5[%dma_wait3A_551, %dma_wait3A_552] : memref<8x128xi32, #tpu.memory_space<vmem>> -> memref<1x64xi32, #tpu.memory_space<vmem>>
      %dma_wait3A_554 = tpu.memref_squeeze %dma_wait3A_553 : memref<1x64xi32, #tpu.memory_space<vmem>> -> memref<64xi32, #tpu.memory_space<vmem>>
      %dma_wait3A_555 = arith.constant 0 : i32
      %dma_wait3A_556 = arith.constant 0 : i32
      %dma_wait3A_557 = tpu.memref_slice %arg11[%dma_wait3A_555, %dma_wait3A_556] : memref<10240x128xf32, #tpu.memory_space<vmem_shared>> -> memref<10240x128xf32, #tpu.memory_space<vmem_shared>>
      tpu.wait_indirect_dma semaphore(%arg19 : memref<!tpu.dma_semaphore, #tpu.memory_space<semaphore_mem>>) src(%arg10 : memref<64x128xf32, #tpu.memory_space<vmem>>) dst(%dma_wait3A_557 : memref<10240x128xf32, #tpu.memory_space<vmem_shared>>)
      %dma_start3A_558 = arith.constant 2 : i32
      %dma_start3A_559 = arith.constant 64 : i32
      %dma_start3A_560 = tpu.memref_slice %arg6[%dma_start3A_558, %dma_start3A_559] : memref<8x128xi32, #tpu.memory_space<vmem>> -> memref<1x64xi32, #tpu.memory_space<vmem>>
      %dma_start3A_561 = tpu.memref_squeeze %dma_start3A_560 : memref<1x64xi32, #tpu.memory_space<vmem>> -> memref<64xi32, #tpu.memory_space<vmem>>
      %dma_start3A_562 = arith.constant 0 : i32
      %dma_start3A_563 = arith.constant 0 : i32
      %dma_start3A_564 = tpu.memref_slice %arg3[%dma_start3A_562, %dma_start3A_563] : memref<10000x128xf32, #tpu.memory_space<hbm>> -> memref<10000x128xf32, #tpu.memory_space<hbm>>
      tpu.enqueue_indirect_dma source(%dma_start3A_564 : memref<10000x128xf32, #tpu.memory_space<hbm>>) target(%arg10 : memref<64x128xf32, #tpu.memory_space<vmem>>) offsets(%dma_start3A_561 : memref<64xi32, #tpu.memory_space<vmem>>) semaphore(%arg15 : memref<!tpu.dma_semaphore, #tpu.memory_space<semaphore_mem>>)
      %dma_wait3A_565 = arith.constant 0 : i32
      %dma_wait3A_566 = arith.constant 64 : i32
      %dma_wait3A_567 = tpu.memref_slice %arg6[%dma_wait3A_565, %dma_wait3A_566] : memref<8x128xi32, #tpu.memory_space<vmem>> -> memref<1x64xi32, #tpu.memory_space<vmem>>
      %dma_wait3A_568 = tpu.memref_squeeze %dma_wait3A_567 : memref<1x64xi32, #tpu.memory_space<vmem>> -> memref<64xi32, #tpu.memory_space<vmem>>
      %dma_wait3A_569 = arith.constant 0 : i32
      %dma_wait3A_570 = arith.constant 0 : i32
      %dma_wait3A_571 = tpu.memref_slice %arg3[%dma_wait3A_569, %dma_wait3A_570] : memref<10000x128xf32, #tpu.memory_space<hbm>> -> memref<10000x128xf32, #tpu.memory_space<hbm>>
      tpu.wait_indirect_dma semaphore(%arg13 : memref<!tpu.dma_semaphore, #tpu.memory_space<semaphore_mem>>) src(%dma_wait3A_571 : memref<10000x128xf32, #tpu.memory_space<hbm>>) dst(%arg8 : memref<64x128xf32, #tpu.memory_space<vmem>>)
      %dma_start3A_572 = arith.constant 1 : i32
      %dma_start3A_573 = arith.constant 64 : i32
      %dma_start3A_574 = tpu.memref_slice %arg6[%dma_start3A_572, %dma_start3A_573] : memref<8x128xi32, #tpu.memory_space<vmem>> -> memref<1x64xi32, #tpu.memory_space<vmem>>
      %dma_start3A_575 = tpu.memref_squeeze %dma_start3A_574 : memref<1x64xi32, #tpu.memory_space<vmem>> -> memref<64xi32, #tpu.memory_space<vmem>>
      %dma_start3A_576 = arith.constant 0 : i32
      %dma_start3A_577 = arith.constant 0 : i32
      %dma_start3A_578 = tpu.memref_slice %arg11[%dma_start3A_576, %dma_start3A_577] : memref<10240x128xf32, #tpu.memory_space<vmem_shared>> -> memref<10240x128xf32, #tpu.memory_space<vmem_shared>>
      tpu.enqueue_indirect_dma source(%arg8 : memref<64x128xf32, #tpu.memory_space<vmem>>) target(%dma_start3A_578 : memref<10240x128xf32, #tpu.memory_space<vmem_shared>>) offsets(%dma_start3A_575 : memref<64xi32, #tpu.memory_space<vmem>>) semaphore(%arg17 : memref<!tpu.dma_semaphore, #tpu.memory_space<semaphore_mem>>) {add = true}
      %dma_wait3A_579 = arith.constant 1 : i32
      %dma_wait3A_580 = arith.constant 0 : i32
      %dma_wait3A_581 = tpu.memref_slice %arg6[%dma_wait3A_579, %dma_wait3A_580] : memref<8x128xi32, #tpu.memory_space<vmem>> -> memref<1x64xi32, #tpu.memory_space<vmem>>
      %dma_wait3A_582 = tpu.memref_squeeze %dma_wait3A_581 : memref<1x64xi32, #tpu.memory_space<vmem>> -> memref<64xi32, #tpu.memory_space<vmem>>
      %dma_wait3A_583 = arith.constant 0 : i32
      %dma_wait3A_584 = arith.constant 0 : i32
      %dma_wait3A_585 = tpu.memref_slice %arg11[%dma_wait3A_583, %dma_wait3A_584] : memref<10240x128xf32, #tpu.memory_space<vmem_shared>> -> memref<10240x128xf32, #tpu.memory_space<vmem_shared>>
      tpu.wait_indirect_dma semaphore(%arg16 : memref<!tpu.dma_semaphore, #tpu.memory_space<semaphore_mem>>) src(%arg7 : memref<64x128xf32, #tpu.memory_space<vmem>>) dst(%dma_wait3A_585 : memref<10240x128xf32, #tpu.memory_space<vmem_shared>>)
      %add3A_586 = arith.constant 1 : i32
      %add3A_587 = arith.addi %add3A_536, %add3A_586 : i32
      %mul3A_588 = arith.constant 2 : i32
      %mul3A_589 = arith.muli %add3A_587, %mul3A_588 : i32
      %mul3A_590 = arith.constant 4 : i32
      %mul3A_591 = arith.muli %mul3A_589, %mul3A_590 : i32
      %dma_start3A_592 = arith.constant 0 : i32
      %dma_start3A_593 = tpu.memref_slice %arg2[%add3A, %mul3A_591, %dma_start3A_592] : memref<32x168x128xi32, #tpu.memory_space<hbm>> -> memref<1x8x128xi32, #tpu.memory_space<hbm>>
      %dma_start3A_594 = tpu.memref_squeeze %dma_start3A_593 : memref<1x8x128xi32, #tpu.memory_space<hbm>> -> memref<8x128xi32, #tpu.memory_space<hbm>>
      %dma_start3A_595 = arith.constant 0 : i32
      %dma_start3A_596 = tpu.memref_slice %arg2[%add3A, %mul3A_591, %dma_start3A_595] : memref<32x168x128xi32, #tpu.memory_space<hbm>> -> memref<1x8x128xi32, #tpu.memory_space<hbm>>
      %dma_start3A_597 = tpu.memref_squeeze %dma_start3A_596 : memref<1x8x128xi32, #tpu.memory_space<hbm>> -> memref<8x128xi32, #tpu.memory_space<hbm>>
      tpu.enqueue_dma source(%dma_start3A_597 : memref<8x128xi32, #tpu.memory_space<hbm>>) target(%arg5 : memref<8x128xi32, #tpu.memory_space<vmem>>) target_semaphore(%arg20 : memref<!tpu.dma_semaphore, #tpu.memory_space<semaphore_mem>>)
      %dma_start3A_598 = arith.constant 4 : i32
      %dma_start3A_599 = arith.constant 0 : i32
      %dma_start3A_600 = tpu.memref_slice %arg6[%dma_start3A_598, %dma_start3A_599] : memref<8x128xi32, #tpu.memory_space<vmem>> -> memref<1x64xi32, #tpu.memory_space<vmem>>
      %dma_start3A_601 = tpu.memref_squeeze %dma_start3A_600 : memref<1x64xi32, #tpu.memory_space<vmem>> -> memref<64xi32, #tpu.memory_space<vmem>>
      %dma_start3A_602 = arith.constant 0 : i32
      %dma_start3A_603 = arith.constant 0 : i32
      %dma_start3A_604 = tpu.memref_slice %arg3[%dma_start3A_602, %dma_start3A_603] : memref<10000x128xf32, #tpu.memory_space<hbm>> -> memref<10000x128xf32, #tpu.memory_space<hbm>>
      tpu.enqueue_indirect_dma source(%dma_start3A_604 : memref<10000x128xf32, #tpu.memory_space<hbm>>) target(%arg7 : memref<64x128xf32, #tpu.memory_space<vmem>>) offsets(%dma_start3A_601 : memref<64xi32, #tpu.memory_space<vmem>>) semaphore(%arg12 : memref<!tpu.dma_semaphore, #tpu.memory_space<semaphore_mem>>)
      %dma_wait3A_605 = arith.constant 2 : i32
      %dma_wait3A_606 = arith.constant 0 : i32
      %dma_wait3A_607 = tpu.memref_slice %arg6[%dma_wait3A_605, %dma_wait3A_606] : memref<8x128xi32, #tpu.memory_space<vmem>> -> memref<1x64xi32, #tpu.memory_space<vmem>>
      %dma_wait3A_608 = tpu.memref_squeeze %dma_wait3A_607 : memref<1x64xi32, #tpu.memory_space<vmem>> -> memref<64xi32, #tpu.memory_space<vmem>>
      %dma_wait3A_609 = arith.constant 0 : i32
      %dma_wait3A_610 = arith.constant 0 : i32
      %dma_wait3A_611 = tpu.memref_slice %arg3[%dma_wait3A_609, %dma_wait3A_610] : memref<10000x128xf32, #tpu.memory_space<hbm>> -> memref<10000x128xf32, #tpu.memory_space<hbm>>
      tpu.wait_indirect_dma semaphore(%arg14 : memref<!tpu.dma_semaphore, #tpu.memory_space<semaphore_mem>>) src(%dma_wait3A_611 : memref<10000x128xf32, #tpu.memory_space<hbm>>) dst(%arg9 : memref<64x128xf32, #tpu.memory_space<vmem>>)
      %dma_start3A_612 = arith.constant 3 : i32
      %dma_start3A_613 = arith.constant 0 : i32
      %dma_start3A_614 = tpu.memref_slice %arg6[%dma_start3A_612, %dma_start3A_613] : memref<8x128xi32, #tpu.memory_space<vmem>> -> memref<1x64xi32, #tpu.memory_space<vmem>>
      %dma_start3A_615 = tpu.memref_squeeze %dma_start3A_614 : memref<1x64xi32, #tpu.memory_space<vmem>> -> memref<64xi32, #tpu.memory_space<vmem>>
      %dma_start3A_616 = arith.constant 0 : i32
      %dma_start3A_617 = arith.constant 0 : i32
      %dma_start3A_618 = tpu.memref_slice %arg11[%dma_start3A_616, %dma_start3A_617] : memref<10240x128xf32, #tpu.memory_space<vmem_shared>> -> memref<10240x128xf32, #tpu.memory_space<vmem_shared>>
      tpu.enqueue_indirect_dma source(%arg9 : memref<64x128xf32, #tpu.memory_space<vmem>>) target(%dma_start3A_618 : memref<10240x128xf32, #tpu.memory_space<vmem_shared>>) offsets(%dma_start3A_615 : memref<64xi32, #tpu.memory_space<vmem>>) semaphore(%arg18 : memref<!tpu.dma_semaphore, #tpu.memory_space<semaphore_mem>>) {add = true}
      %dma_wait3A_619 = arith.constant 1 : i32
      %dma_wait3A_620 = arith.constant 64 : i32
      %dma_wait3A_621 = tpu.memref_slice %arg6[%dma_wait3A_619, %dma_wait3A_620] : memref<8x128xi32, #tpu.memory_space<vmem>> -> memref<1x64xi32, #tpu.memory_space<vmem>>
      %dma_wait3A_622 = tpu.memref_squeeze %dma_wait3A_621 : memref<1x64xi32, #tpu.memory_space<vmem>> -> memref<64xi32, #tpu.memory_space<vmem>>
      %dma_wait3A_623 = arith.constant 0 : i32
      %dma_wait3A_624 = arith.constant 0 : i32
      %dma_wait3A_625 = tpu.memref_slice %arg11[%dma_wait3A_623, %dma_wait3A_624] : memref<10240x128xf32, #tpu.memory_space<vmem_shared>> -> memref<10240x128xf32, #tpu.memory_space<vmem_shared>>
      tpu.wait_indirect_dma semaphore(%arg17 : memref<!tpu.dma_semaphore, #tpu.memory_space<semaphore_mem>>) src(%arg8 : memref<64x128xf32, #tpu.memory_space<vmem>>) dst(%dma_wait3A_625 : memref<10240x128xf32, #tpu.memory_space<vmem_shared>>)
      %dma_start3A_626 = arith.constant 4 : i32
      %dma_start3A_627 = arith.constant 64 : i32
      %dma_start3A_628 = tpu.memref_slice %arg6[%dma_start3A_626, %dma_start3A_627] : memref<8x128xi32, #tpu.memory_space<vmem>> -> memref<1x64xi32, #tpu.memory_space<vmem>>
      %dma_start3A_629 = tpu.memref_squeeze %dma_start3A_628 : memref<1x64xi32, #tpu.memory_space<vmem>> -> memref<64xi32, #tpu.memory_space<vmem>>
      %dma_start3A_630 = arith.constant 0 : i32
      %dma_start3A_631 = arith.constant 0 : i32
      %dma_start3A_632 = tpu.memref_slice %arg3[%dma_start3A_630, %dma_start3A_631] : memref<10000x128xf32, #tpu.memory_space<hbm>> -> memref<10000x128xf32, #tpu.memory_space<hbm>>
      tpu.enqueue_indirect_dma source(%dma_start3A_632 : memref<10000x128xf32, #tpu.memory_space<hbm>>) target(%arg8 : memref<64x128xf32, #tpu.memory_space<vmem>>) offsets(%dma_start3A_629 : memref<64xi32, #tpu.memory_space<vmem>>) semaphore(%arg13 : memref<!tpu.dma_semaphore, #tpu.memory_space<semaphore_mem>>)
      %dma_wait3A_633 = arith.constant 2 : i32
      %dma_wait3A_634 = arith.constant 64 : i32
      %dma_wait3A_635 = tpu.memref_slice %arg6[%dma_wait3A_633, %dma_wait3A_634] : memref<8x128xi32, #tpu.memory_space<vmem>> -> memref<1x64xi32, #tpu.memory_space<vmem>>
      %dma_wait3A_636 = tpu.memref_squeeze %dma_wait3A_635 : memref<1x64xi32, #tpu.memory_space<vmem>> -> memref<64xi32, #tpu.memory_space<vmem>>
      %dma_wait3A_637 = arith.constant 0 : i32
      %dma_wait3A_638 = arith.constant 0 : i32
      %dma_wait3A_639 = tpu.memref_slice %arg3[%dma_wait3A_637, %dma_wait3A_638] : memref<10000x128xf32, #tpu.memory_space<hbm>> -> memref<10000x128xf32, #tpu.memory_space<hbm>>
      tpu.wait_indirect_dma semaphore(%arg15 : memref<!tpu.dma_semaphore, #tpu.memory_space<semaphore_mem>>) src(%dma_wait3A_639 : memref<10000x128xf32, #tpu.memory_space<hbm>>) dst(%arg10 : memref<64x128xf32, #tpu.memory_space<vmem>>)
      %dma_start3A_640 = arith.constant 3 : i32
      %dma_start3A_641 = arith.constant 64 : i32
      %dma_start3A_642 = tpu.memref_slice %arg6[%dma_start3A_640, %dma_start3A_641] : memref<8x128xi32, #tpu.memory_space<vmem>> -> memref<1x64xi32, #tpu.memory_space<vmem>>
      %dma_start3A_643 = tpu.memref_squeeze %dma_start3A_642 : memref<1x64xi32, #tpu.memory_space<vmem>> -> memref<64xi32, #tpu.memory_space<vmem>>
      %dma_start3A_644 = arith.constant 0 : i32
      %dma_start3A_645 = arith.constant 0 : i32
      %dma_start3A_646 = tpu.memref_slice %arg11[%dma_start3A_644, %dma_start3A_645] : memref<10240x128xf32, #tpu.memory_space<vmem_shared>> -> memref<10240x128xf32, #tpu.memory_space<vmem_shared>>
      tpu.enqueue_indirect_dma source(%arg10 : memref<64x128xf32, #tpu.memory_space<vmem>>) target(%dma_start3A_646 : memref<10240x128xf32, #tpu.memory_space<vmem_shared>>) offsets(%dma_start3A_643 : memref<64xi32, #tpu.memory_space<vmem>>) semaphore(%arg19 : memref<!tpu.dma_semaphore, #tpu.memory_space<semaphore_mem>>) {add = true}
      %dma_wait3A_647 = arith.constant 3 : i32
      %dma_wait3A_648 = arith.constant 0 : i32
      %dma_wait3A_649 = tpu.memref_slice %arg6[%dma_wait3A_647, %dma_wait3A_648] : memref<8x128xi32, #tpu.memory_space<vmem>> -> memref<1x64xi32, #tpu.memory_space<vmem>>
      %dma_wait3A_650 = tpu.memref_squeeze %dma_wait3A_649 : memref<1x64xi32, #tpu.memory_space<vmem>> -> memref<64xi32, #tpu.memory_space<vmem>>
      %dma_wait3A_651 = arith.constant 0 : i32
      %dma_wait3A_652 = arith.constant 0 : i32
      %dma_wait3A_653 = tpu.memref_slice %arg11[%dma_wait3A_651, %dma_wait3A_652] : memref<10240x128xf32, #tpu.memory_space<vmem_shared>> -> memref<10240x128xf32, #tpu.memory_space<vmem_shared>>
      tpu.wait_indirect_dma semaphore(%arg18 : memref<!tpu.dma_semaphore, #tpu.memory_space<semaphore_mem>>) src(%arg9 : memref<64x128xf32, #tpu.memory_space<vmem>>) dst(%dma_wait3A_653 : memref<10240x128xf32, #tpu.memory_space<vmem_shared>>)
      %dma_start3A_654 = arith.constant 6 : i32
      %dma_start3A_655 = arith.constant 0 : i32
      %dma_start3A_656 = tpu.memref_slice %arg6[%dma_start3A_654, %dma_start3A_655] : memref<8x128xi32, #tpu.memory_space<vmem>> -> memref<1x64xi32, #tpu.memory_space<vmem>>
      %dma_start3A_657 = tpu.memref_squeeze %dma_start3A_656 : memref<1x64xi32, #tpu.memory_space<vmem>> -> memref<64xi32, #tpu.memory_space<vmem>>
      %dma_start3A_658 = arith.constant 0 : i32
      %dma_start3A_659 = arith.constant 0 : i32
      %dma_start3A_660 = tpu.memref_slice %arg3[%dma_start3A_658, %dma_start3A_659] : memref<10000x128xf32, #tpu.memory_space<hbm>> -> memref<10000x128xf32, #tpu.memory_space<hbm>>
      tpu.enqueue_indirect_dma source(%dma_start3A_660 : memref<10000x128xf32, #tpu.memory_space<hbm>>) target(%arg9 : memref<64x128xf32, #tpu.memory_space<vmem>>) offsets(%dma_start3A_657 : memref<64xi32, #tpu.memory_space<vmem>>) semaphore(%arg14 : memref<!tpu.dma_semaphore, #tpu.memory_space<semaphore_mem>>)
      %dma_wait3A_661 = arith.constant 4 : i32
      %dma_wait3A_662 = arith.constant 0 : i32
      %dma_wait3A_663 = tpu.memref_slice %arg6[%dma_wait3A_661, %dma_wait3A_662] : memref<8x128xi32, #tpu.memory_space<vmem>> -> memref<1x64xi32, #tpu.memory_space<vmem>>
      %dma_wait3A_664 = tpu.memref_squeeze %dma_wait3A_663 : memref<1x64xi32, #tpu.memory_space<vmem>> -> memref<64xi32, #tpu.memory_space<vmem>>
      %dma_wait3A_665 = arith.constant 0 : i32
      %dma_wait3A_666 = arith.constant 0 : i32
      %dma_wait3A_667 = tpu.memref_slice %arg3[%dma_wait3A_665, %dma_wait3A_666] : memref<10000x128xf32, #tpu.memory_space<hbm>> -> memref<10000x128xf32, #tpu.memory_space<hbm>>
      tpu.wait_indirect_dma semaphore(%arg12 : memref<!tpu.dma_semaphore, #tpu.memory_space<semaphore_mem>>) src(%dma_wait3A_667 : memref<10000x128xf32, #tpu.memory_space<hbm>>) dst(%arg7 : memref<64x128xf32, #tpu.memory_space<vmem>>)
      %dma_start3A_668 = arith.constant 5 : i32
      %dma_start3A_669 = arith.constant 0 : i32
      %dma_start3A_670 = tpu.memref_slice %arg6[%dma_start3A_668, %dma_start3A_669] : memref<8x128xi32, #tpu.memory_space<vmem>> -> memref<1x64xi32, #tpu.memory_space<vmem>>
      %dma_start3A_671 = tpu.memref_squeeze %dma_start3A_670 : memref<1x64xi32, #tpu.memory_space<vmem>> -> memref<64xi32, #tpu.memory_space<vmem>>
      %dma_start3A_672 = arith.constant 0 : i32
      %dma_start3A_673 = arith.constant 0 : i32
      %dma_start3A_674 = tpu.memref_slice %arg11[%dma_start3A_672, %dma_start3A_673] : memref<10240x128xf32, #tpu.memory_space<vmem_shared>> -> memref<10240x128xf32, #tpu.memory_space<vmem_shared>>
      tpu.enqueue_indirect_dma source(%arg7 : memref<64x128xf32, #tpu.memory_space<vmem>>) target(%dma_start3A_674 : memref<10240x128xf32, #tpu.memory_space<vmem_shared>>) offsets(%dma_start3A_671 : memref<64xi32, #tpu.memory_space<vmem>>) semaphore(%arg16 : memref<!tpu.dma_semaphore, #tpu.memory_space<semaphore_mem>>) {add = true}
      %dma_wait3A_675 = arith.constant 3 : i32
      %dma_wait3A_676 = arith.constant 64 : i32
      %dma_wait3A_677 = tpu.memref_slice %arg6[%dma_wait3A_675, %dma_wait3A_676] : memref<8x128xi32, #tpu.memory_space<vmem>> -> memref<1x64xi32, #tpu.memory_space<vmem>>
      %dma_wait3A_678 = tpu.memref_squeeze %dma_wait3A_677 : memref<1x64xi32, #tpu.memory_space<vmem>> -> memref<64xi32, #tpu.memory_space<vmem>>
      %dma_wait3A_679 = arith.constant 0 : i32
      %dma_wait3A_680 = arith.constant 0 : i32
      %dma_wait3A_681 = tpu.memref_slice %arg11[%dma_wait3A_679, %dma_wait3A_680] : memref<10240x128xf32, #tpu.memory_space<vmem_shared>> -> memref<10240x128xf32, #tpu.memory_space<vmem_shared>>
      tpu.wait_indirect_dma semaphore(%arg19 : memref<!tpu.dma_semaphore, #tpu.memory_space<semaphore_mem>>) src(%arg10 : memref<64x128xf32, #tpu.memory_space<vmem>>) dst(%dma_wait3A_681 : memref<10240x128xf32, #tpu.memory_space<vmem_shared>>)
      %dma_start3A_682 = arith.constant 6 : i32
      %dma_start3A_683 = arith.constant 64 : i32
      %dma_start3A_684 = tpu.memref_slice %arg6[%dma_start3A_682, %dma_start3A_683] : memref<8x128xi32, #tpu.memory_space<vmem>> -> memref<1x64xi32, #tpu.memory_space<vmem>>
      %dma_start3A_685 = tpu.memref_squeeze %dma_start3A_684 : memref<1x64xi32, #tpu.memory_space<vmem>> -> memref<64xi32, #tpu.memory_space<vmem>>
      %dma_start3A_686 = arith.constant 0 : i32
      %dma_start3A_687 = arith.constant 0 : i32
      %dma_start3A_688 = tpu.memref_slice %arg3[%dma_start3A_686, %dma_start3A_687] : memref<10000x128xf32, #tpu.memory_space<hbm>> -> memref<10000x128xf32, #tpu.memory_space<hbm>>
      tpu.enqueue_indirect_dma source(%dma_start3A_688 : memref<10000x128xf32, #tpu.memory_space<hbm>>) target(%arg10 : memref<64x128xf32, #tpu.memory_space<vmem>>) offsets(%dma_start3A_685 : memref<64xi32, #tpu.memory_space<vmem>>) semaphore(%arg15 : memref<!tpu.dma_semaphore, #tpu.memory_space<semaphore_mem>>)
      %dma_wait3A_689 = arith.constant 4 : i32
      %dma_wait3A_690 = arith.constant 64 : i32
      %dma_wait3A_691 = tpu.memref_slice %arg6[%dma_wait3A_689, %dma_wait3A_690] : memref<8x128xi32, #tpu.memory_space<vmem>> -> memref<1x64xi32, #tpu.memory_space<vmem>>
      %dma_wait3A_692 = tpu.memref_squeeze %dma_wait3A_691 : memref<1x64xi32, #tpu.memory_space<vmem>> -> memref<64xi32, #tpu.memory_space<vmem>>
      %dma_wait3A_693 = arith.constant 0 : i32
      %dma_wait3A_694 = arith.constant 0 : i32
      %dma_wait3A_695 = tpu.memref_slice %arg3[%dma_wait3A_693, %dma_wait3A_694] : memref<10000x128xf32, #tpu.memory_space<hbm>> -> memref<10000x128xf32, #tpu.memory_space<hbm>>
      tpu.wait_indirect_dma semaphore(%arg13 : memref<!tpu.dma_semaphore, #tpu.memory_space<semaphore_mem>>) src(%dma_wait3A_695 : memref<10000x128xf32, #tpu.memory_space<hbm>>) dst(%arg8 : memref<64x128xf32, #tpu.memory_space<vmem>>)
      %dma_start3A_696 = arith.constant 5 : i32
      %dma_start3A_697 = arith.constant 64 : i32
      %dma_start3A_698 = tpu.memref_slice %arg6[%dma_start3A_696, %dma_start3A_697] : memref<8x128xi32, #tpu.memory_space<vmem>> -> memref<1x64xi32, #tpu.memory_space<vmem>>
      %dma_start3A_699 = tpu.memref_squeeze %dma_start3A_698 : memref<1x64xi32, #tpu.memory_space<vmem>> -> memref<64xi32, #tpu.memory_space<vmem>>
      %dma_start3A_700 = arith.constant 0 : i32
      %dma_start3A_701 = arith.constant 0 : i32
      %dma_start3A_702 = tpu.memref_slice %arg11[%dma_start3A_700, %dma_start3A_701] : memref<10240x128xf32, #tpu.memory_space<vmem_shared>> -> memref<10240x128xf32, #tpu.memory_space<vmem_shared>>
      tpu.enqueue_indirect_dma source(%arg8 : memref<64x128xf32, #tpu.memory_space<vmem>>) target(%dma_start3A_702 : memref<10240x128xf32, #tpu.memory_space<vmem_shared>>) offsets(%dma_start3A_699 : memref<64xi32, #tpu.memory_space<vmem>>) semaphore(%arg17 : memref<!tpu.dma_semaphore, #tpu.memory_space<semaphore_mem>>) {add = true}
      %dma_wait3A_703 = arith.constant 5 : i32
      %dma_wait3A_704 = arith.constant 0 : i32
      %dma_wait3A_705 = tpu.memref_slice %arg6[%dma_wait3A_703, %dma_wait3A_704] : memref<8x128xi32, #tpu.memory_space<vmem>> -> memref<1x64xi32, #tpu.memory_space<vmem>>
      %dma_wait3A_706 = tpu.memref_squeeze %dma_wait3A_705 : memref<1x64xi32, #tpu.memory_space<vmem>> -> memref<64xi32, #tpu.memory_space<vmem>>
      %dma_wait3A_707 = arith.constant 0 : i32
      %dma_wait3A_708 = arith.constant 0 : i32
      %dma_wait3A_709 = tpu.memref_slice %arg11[%dma_wait3A_707, %dma_wait3A_708] : memref<10240x128xf32, #tpu.memory_space<vmem_shared>> -> memref<10240x128xf32, #tpu.memory_space<vmem_shared>>
      tpu.wait_indirect_dma semaphore(%arg16 : memref<!tpu.dma_semaphore, #tpu.memory_space<semaphore_mem>>) src(%arg7 : memref<64x128xf32, #tpu.memory_space<vmem>>) dst(%dma_wait3A_709 : memref<10240x128xf32, #tpu.memory_space<vmem_shared>>)
      %add3A_710 = arith.constant 1 : i32
      %add3A_711 = arith.addi %add3A_536, %add3A_710 : i32
      %mul3A_712 = arith.constant 2 : i32
      %mul3A_713 = arith.muli %add3A_711, %mul3A_712 : i32
      %mul3A_714 = arith.constant 4 : i32
      %mul3A_715 = arith.muli %mul3A_713, %mul3A_714 : i32
      %dma_wait3A_716 = arith.constant 0 : i32
      %dma_wait3A_717 = tpu.memref_slice %arg2[%add3A, %mul3A_715, %dma_wait3A_716] : memref<32x168x128xi32, #tpu.memory_space<hbm>> -> memref<1x8x128xi32, #tpu.memory_space<hbm>>
      %dma_wait3A_718 = tpu.memref_squeeze %dma_wait3A_717 : memref<1x8x128xi32, #tpu.memory_space<hbm>> -> memref<8x128xi32, #tpu.memory_space<hbm>>
      %dma_wait3A_719 = arith.constant 0 : i32
      %dma_wait3A_720 = tpu.memref_slice %arg2[%add3A, %mul3A_715, %dma_wait3A_719] : memref<32x168x128xi32, #tpu.memory_space<hbm>> -> memref<1x8x128xi32, #tpu.memory_space<hbm>>
      %dma_wait3A_721 = tpu.memref_squeeze %dma_wait3A_720 : memref<1x8x128xi32, #tpu.memory_space<hbm>> -> memref<8x128xi32, #tpu.memory_space<hbm>>
      tpu.wait_dma2 semaphore(%arg20 : memref<!tpu.dma_semaphore, #tpu.memory_space<semaphore_mem>>) src(%dma_wait3A_721 : memref<8x128xi32, #tpu.memory_space<hbm>>) dst(%arg5 : memref<8x128xi32, #tpu.memory_space<vmem>>)
      %dma_start3A_722 = arith.constant 0 : i32
      %dma_start3A_723 = arith.constant 0 : i32
      %dma_start3A_724 = tpu.memref_slice %arg5[%dma_start3A_722, %dma_start3A_723] : memref<8x128xi32, #tpu.memory_space<vmem>> -> memref<1x64xi32, #tpu.memory_space<vmem>>
      %dma_start3A_725 = tpu.memref_squeeze %dma_start3A_724 : memref<1x64xi32, #tpu.memory_space<vmem>> -> memref<64xi32, #tpu.memory_space<vmem>>
      %dma_start3A_726 = arith.constant 0 : i32
      %dma_start3A_727 = arith.constant 0 : i32
      %dma_start3A_728 = tpu.memref_slice %arg3[%dma_start3A_726, %dma_start3A_727] : memref<10000x128xf32, #tpu.memory_space<hbm>> -> memref<10000x128xf32, #tpu.memory_space<hbm>>
      tpu.enqueue_indirect_dma source(%dma_start3A_728 : memref<10000x128xf32, #tpu.memory_space<hbm>>) target(%arg7 : memref<64x128xf32, #tpu.memory_space<vmem>>) offsets(%dma_start3A_725 : memref<64xi32, #tpu.memory_space<vmem>>) semaphore(%arg12 : memref<!tpu.dma_semaphore, #tpu.memory_space<semaphore_mem>>)
      %dma_wait3A_729 = arith.constant 6 : i32
      %dma_wait3A_730 = arith.constant 0 : i32
      %dma_wait3A_731 = tpu.memref_slice %arg6[%dma_wait3A_729, %dma_wait3A_730] : memref<8x128xi32, #tpu.memory_space<vmem>> -> memref<1x64xi32, #tpu.memory_space<vmem>>
      %dma_wait3A_732 = tpu.memref_squeeze %dma_wait3A_731 : memref<1x64xi32, #tpu.memory_space<vmem>> -> memref<64xi32, #tpu.memory_space<vmem>>
      %dma_wait3A_733 = arith.constant 0 : i32
      %dma_wait3A_734 = arith.constant 0 : i32
      %dma_wait3A_735 = tpu.memref_slice %arg3[%dma_wait3A_733, %dma_wait3A_734] : memref<10000x128xf32, #tpu.memory_space<hbm>> -> memref<10000x128xf32, #tpu.memory_space<hbm>>
      tpu.wait_indirect_dma semaphore(%arg14 : memref<!tpu.dma_semaphore, #tpu.memory_space<semaphore_mem>>) src(%dma_wait3A_735 : memref<10000x128xf32, #tpu.memory_space<hbm>>) dst(%arg9 : memref<64x128xf32, #tpu.memory_space<vmem>>)
      %dma_start3A_736 = arith.constant 7 : i32
      %dma_start3A_737 = arith.constant 0 : i32
      %dma_start3A_738 = tpu.memref_slice %arg6[%dma_start3A_736, %dma_start3A_737] : memref<8x128xi32, #tpu.memory_space<vmem>> -> memref<1x64xi32, #tpu.memory_space<vmem>>
      %dma_start3A_739 = tpu.memref_squeeze %dma_start3A_738 : memref<1x64xi32, #tpu.memory_space<vmem>> -> memref<64xi32, #tpu.memory_space<vmem>>
      %dma_start3A_740 = arith.constant 0 : i32
      %dma_start3A_741 = arith.constant 0 : i32
      %dma_start3A_742 = tpu.memref_slice %arg11[%dma_start3A_740, %dma_start3A_741] : memref<10240x128xf32, #tpu.memory_space<vmem_shared>> -> memref<10240x128xf32, #tpu.memory_space<vmem_shared>>
      tpu.enqueue_indirect_dma source(%arg9 : memref<64x128xf32, #tpu.memory_space<vmem>>) target(%dma_start3A_742 : memref<10240x128xf32, #tpu.memory_space<vmem_shared>>) offsets(%dma_start3A_739 : memref<64xi32, #tpu.memory_space<vmem>>) semaphore(%arg18 : memref<!tpu.dma_semaphore, #tpu.memory_space<semaphore_mem>>) {add = true}
      %dma_wait3A_743 = arith.constant 5 : i32
      %dma_wait3A_744 = arith.constant 64 : i32
      %dma_wait3A_745 = tpu.memref_slice %arg6[%dma_wait3A_743, %dma_wait3A_744] : memref<8x128xi32, #tpu.memory_space<vmem>> -> memref<1x64xi32, #tpu.memory_space<vmem>>
      %dma_wait3A_746 = tpu.memref_squeeze %dma_wait3A_745 : memref<1x64xi32, #tpu.memory_space<vmem>> -> memref<64xi32, #tpu.memory_space<vmem>>
      %dma_wait3A_747 = arith.constant 0 : i32
      %dma_wait3A_748 = arith.constant 0 : i32
      %dma_wait3A_749 = tpu.memref_slice %arg11[%dma_wait3A_747, %dma_wait3A_748] : memref<10240x128xf32, #tpu.memory_space<vmem_shared>> -> memref<10240x128xf32, #tpu.memory_space<vmem_shared>>
      tpu.wait_indirect_dma semaphore(%arg17 : memref<!tpu.dma_semaphore, #tpu.memory_space<semaphore_mem>>) src(%arg8 : memref<64x128xf32, #tpu.memory_space<vmem>>) dst(%dma_wait3A_749 : memref<10240x128xf32, #tpu.memory_space<vmem_shared>>)
      %dma_start3A_750 = arith.constant 0 : i32
      %dma_start3A_751 = arith.constant 64 : i32
      %dma_start3A_752 = tpu.memref_slice %arg5[%dma_start3A_750, %dma_start3A_751] : memref<8x128xi32, #tpu.memory_space<vmem>> -> memref<1x64xi32, #tpu.memory_space<vmem>>
      %dma_start3A_753 = tpu.memref_squeeze %dma_start3A_752 : memref<1x64xi32, #tpu.memory_space<vmem>> -> memref<64xi32, #tpu.memory_space<vmem>>
      %dma_start3A_754 = arith.constant 0 : i32
      %dma_start3A_755 = arith.constant 0 : i32
      %dma_start3A_756 = tpu.memref_slice %arg3[%dma_start3A_754, %dma_start3A_755] : memref<10000x128xf32, #tpu.memory_space<hbm>> -> memref<10000x128xf32, #tpu.memory_space<hbm>>
      tpu.enqueue_indirect_dma source(%dma_start3A_756 : memref<10000x128xf32, #tpu.memory_space<hbm>>) target(%arg8 : memref<64x128xf32, #tpu.memory_space<vmem>>) offsets(%dma_start3A_753 : memref<64xi32, #tpu.memory_space<vmem>>) semaphore(%arg13 : memref<!tpu.dma_semaphore, #tpu.memory_space<semaphore_mem>>)
      %dma_wait3A_757 = arith.constant 6 : i32
      %dma_wait3A_758 = arith.constant 64 : i32
      %dma_wait3A_759 = tpu.memref_slice %arg6[%dma_wait3A_757, %dma_wait3A_758] : memref<8x128xi32, #tpu.memory_space<vmem>> -> memref<1x64xi32, #tpu.memory_space<vmem>>
      %dma_wait3A_760 = tpu.memref_squeeze %dma_wait3A_759 : memref<1x64xi32, #tpu.memory_space<vmem>> -> memref<64xi32, #tpu.memory_space<vmem>>
      %dma_wait3A_761 = arith.constant 0 : i32
      %dma_wait3A_762 = arith.constant 0 : i32
      %dma_wait3A_763 = tpu.memref_slice %arg3[%dma_wait3A_761, %dma_wait3A_762] : memref<10000x128xf32, #tpu.memory_space<hbm>> -> memref<10000x128xf32, #tpu.memory_space<hbm>>
      tpu.wait_indirect_dma semaphore(%arg15 : memref<!tpu.dma_semaphore, #tpu.memory_space<semaphore_mem>>) src(%dma_wait3A_763 : memref<10000x128xf32, #tpu.memory_space<hbm>>) dst(%arg10 : memref<64x128xf32, #tpu.memory_space<vmem>>)
      %dma_start3A_764 = arith.constant 7 : i32
      %dma_start3A_765 = arith.constant 64 : i32
      %dma_start3A_766 = tpu.memref_slice %arg6[%dma_start3A_764, %dma_start3A_765] : memref<8x128xi32, #tpu.memory_space<vmem>> -> memref<1x64xi32, #tpu.memory_space<vmem>>
      %dma_start3A_767 = tpu.memref_squeeze %dma_start3A_766 : memref<1x64xi32, #tpu.memory_space<vmem>> -> memref<64xi32, #tpu.memory_space<vmem>>
      %dma_start3A_768 = arith.constant 0 : i32
      %dma_start3A_769 = arith.constant 0 : i32
      %dma_start3A_770 = tpu.memref_slice %arg11[%dma_start3A_768, %dma_start3A_769] : memref<10240x128xf32, #tpu.memory_space<vmem_shared>> -> memref<10240x128xf32, #tpu.memory_space<vmem_shared>>
      tpu.enqueue_indirect_dma source(%arg10 : memref<64x128xf32, #tpu.memory_space<vmem>>) target(%dma_start3A_770 : memref<10240x128xf32, #tpu.memory_space<vmem_shared>>) offsets(%dma_start3A_767 : memref<64xi32, #tpu.memory_space<vmem>>) semaphore(%arg19 : memref<!tpu.dma_semaphore, #tpu.memory_space<semaphore_mem>>) {add = true}
      %dma_wait3A_771 = arith.constant 7 : i32
      %dma_wait3A_772 = arith.constant 0 : i32
      %dma_wait3A_773 = tpu.memref_slice %arg6[%dma_wait3A_771, %dma_wait3A_772] : memref<8x128xi32, #tpu.memory_space<vmem>> -> memref<1x64xi32, #tpu.memory_space<vmem>>
      %dma_wait3A_774 = tpu.memref_squeeze %dma_wait3A_773 : memref<1x64xi32, #tpu.memory_space<vmem>> -> memref<64xi32, #tpu.memory_space<vmem>>
      %dma_wait3A_775 = arith.constant 0 : i32
      %dma_wait3A_776 = arith.constant 0 : i32
      %dma_wait3A_777 = tpu.memref_slice %arg11[%dma_wait3A_775, %dma_wait3A_776] : memref<10240x128xf32, #tpu.memory_space<vmem_shared>> -> memref<10240x128xf32, #tpu.memory_space<vmem_shared>>
      tpu.wait_indirect_dma semaphore(%arg18 : memref<!tpu.dma_semaphore, #tpu.memory_space<semaphore_mem>>) src(%arg9 : memref<64x128xf32, #tpu.memory_space<vmem>>) dst(%dma_wait3A_777 : memref<10240x128xf32, #tpu.memory_space<vmem_shared>>)
      %dma_start3A_778 = arith.constant 2 : i32
      %dma_start3A_779 = arith.constant 0 : i32
      %dma_start3A_780 = tpu.memref_slice %arg5[%dma_start3A_778, %dma_start3A_779] : memref<8x128xi32, #tpu.memory_space<vmem>> -> memref<1x64xi32, #tpu.memory_space<vmem>>
      %dma_start3A_781 = tpu.memref_squeeze %dma_start3A_780 : memref<1x64xi32, #tpu.memory_space<vmem>> -> memref<64xi32, #tpu.memory_space<vmem>>
      %dma_start3A_782 = arith.constant 0 : i32
      %dma_start3A_783 = arith.constant 0 : i32
      %dma_start3A_784 = tpu.memref_slice %arg3[%dma_start3A_782, %dma_start3A_783] : memref<10000x128xf32, #tpu.memory_space<hbm>> -> memref<10000x128xf32, #tpu.memory_space<hbm>>
      tpu.enqueue_indirect_dma source(%dma_start3A_784 : memref<10000x128xf32, #tpu.memory_space<hbm>>) target(%arg9 : memref<64x128xf32, #tpu.memory_space<vmem>>) offsets(%dma_start3A_781 : memref<64xi32, #tpu.memory_space<vmem>>) semaphore(%arg14 : memref<!tpu.dma_semaphore, #tpu.memory_space<semaphore_mem>>)
    }
    %scan3A_79 = arith.constant 10 : i32
    %dma_wait3A = arith.constant 0 : i32
    %dma_wait3A_80 = arith.constant 0 : i32
    %dma_wait3A_81 = tpu.memref_slice %arg5[%dma_wait3A, %dma_wait3A_80] : memref<8x128xi32, #tpu.memory_space<vmem>> -> memref<1x64xi32, #tpu.memory_space<vmem>>
    %dma_wait3A_82 = tpu.memref_squeeze %dma_wait3A_81 : memref<1x64xi32, #tpu.memory_space<vmem>> -> memref<64xi32, #tpu.memory_space<vmem>>
    %dma_wait3A_83 = arith.constant 0 : i32
    %dma_wait3A_84 = arith.constant 0 : i32
    %dma_wait3A_85 = tpu.memref_slice %arg3[%dma_wait3A_83, %dma_wait3A_84] : memref<10000x128xf32, #tpu.memory_space<hbm>> -> memref<10000x128xf32, #tpu.memory_space<hbm>>
    tpu.wait_indirect_dma semaphore(%arg12 : memref<!tpu.dma_semaphore, #tpu.memory_space<semaphore_mem>>) src(%dma_wait3A_85 : memref<10000x128xf32, #tpu.memory_space<hbm>>) dst(%arg7 : memref<64x128xf32, #tpu.memory_space<vmem>>)
    %dma_start3A_86 = arith.constant 1 : i32
    %dma_start3A_87 = arith.constant 0 : i32
    %dma_start3A_88 = tpu.memref_slice %arg5[%dma_start3A_86, %dma_start3A_87] : memref<8x128xi32, #tpu.memory_space<vmem>> -> memref<1x64xi32, #tpu.memory_space<vmem>>
    %dma_start3A_89 = tpu.memref_squeeze %dma_start3A_88 : memref<1x64xi32, #tpu.memory_space<vmem>> -> memref<64xi32, #tpu.memory_space<vmem>>
    %dma_start3A_90 = arith.constant 0 : i32
    %dma_start3A_91 = arith.constant 0 : i32
    %dma_start3A_92 = tpu.memref_slice %arg11[%dma_start3A_90, %dma_start3A_91] : memref<10240x128xf32, #tpu.memory_space<vmem_shared>> -> memref<10240x128xf32, #tpu.memory_space<vmem_shared>>
    tpu.enqueue_indirect_dma source(%arg7 : memref<64x128xf32, #tpu.memory_space<vmem>>) target(%dma_start3A_92 : memref<10240x128xf32, #tpu.memory_space<vmem_shared>>) offsets(%dma_start3A_89 : memref<64xi32, #tpu.memory_space<vmem>>) semaphore(%arg16 : memref<!tpu.dma_semaphore, #tpu.memory_space<semaphore_mem>>) {add = true}
    %dma_wait3A_93 = arith.constant 7 : i32
    %dma_wait3A_94 = arith.constant 64 : i32
    %dma_wait3A_95 = tpu.memref_slice %arg6[%dma_wait3A_93, %dma_wait3A_94] : memref<8x128xi32, #tpu.memory_space<vmem>> -> memref<1x64xi32, #tpu.memory_space<vmem>>
    %dma_wait3A_96 = tpu.memref_squeeze %dma_wait3A_95 : memref<1x64xi32, #tpu.memory_space<vmem>> -> memref<64xi32, #tpu.memory_space<vmem>>
    %dma_wait3A_97 = arith.constant 0 : i32
    %dma_wait3A_98 = arith.constant 0 : i32
    %dma_wait3A_99 = tpu.memref_slice %arg11[%dma_wait3A_97, %dma_wait3A_98] : memref<10240x128xf32, #tpu.memory_space<vmem_shared>> -> memref<10240x128xf32, #tpu.memory_space<vmem_shared>>
    tpu.wait_indirect_dma semaphore(%arg19 : memref<!tpu.dma_semaphore, #tpu.memory_space<semaphore_mem>>) src(%arg10 : memref<64x128xf32, #tpu.memory_space<vmem>>) dst(%dma_wait3A_99 : memref<10240x128xf32, #tpu.memory_space<vmem_shared>>)
    %dma_start3A_100 = arith.constant 2 : i32
    %dma_start3A_101 = arith.constant 64 : i32
    %dma_start3A_102 = tpu.memref_slice %arg5[%dma_start3A_100, %dma_start3A_101] : memref<8x128xi32, #tpu.memory_space<vmem>> -> memref<1x64xi32, #tpu.memory_space<vmem>>
    %dma_start3A_103 = tpu.memref_squeeze %dma_start3A_102 : memref<1x64xi32, #tpu.memory_space<vmem>> -> memref<64xi32, #tpu.memory_space<vmem>>
    %dma_start3A_104 = arith.constant 0 : i32
    %dma_start3A_105 = arith.constant 0 : i32
    %dma_start3A_106 = tpu.memref_slice %arg3[%dma_start3A_104, %dma_start3A_105] : memref<10000x128xf32, #tpu.memory_space<hbm>> -> memref<10000x128xf32, #tpu.memory_space<hbm>>
    tpu.enqueue_indirect_dma source(%dma_start3A_106 : memref<10000x128xf32, #tpu.memory_space<hbm>>) target(%arg10 : memref<64x128xf32, #tpu.memory_space<vmem>>) offsets(%dma_start3A_103 : memref<64xi32, #tpu.memory_space<vmem>>) semaphore(%arg15 : memref<!tpu.dma_semaphore, #tpu.memory_space<semaphore_mem>>)
    %dma_wait3A_107 = arith.constant 0 : i32
    %dma_wait3A_108 = arith.constant 64 : i32
    %dma_wait3A_109 = tpu.memref_slice %arg5[%dma_wait3A_107, %dma_wait3A_108] : memref<8x128xi32, #tpu.memory_space<vmem>> -> memref<1x64xi32, #tpu.memory_space<vmem>>
    %dma_wait3A_110 = tpu.memref_squeeze %dma_wait3A_109 : memref<1x64xi32, #tpu.memory_space<vmem>> -> memref<64xi32, #tpu.memory_space<vmem>>
    %dma_wait3A_111 = arith.constant 0 : i32
    %dma_wait3A_112 = arith.constant 0 : i32
    %dma_wait3A_113 = tpu.memref_slice %arg3[%dma_wait3A_111, %dma_wait3A_112] : memref<10000x128xf32, #tpu.memory_space<hbm>> -> memref<10000x128xf32, #tpu.memory_space<hbm>>
    tpu.wait_indirect_dma semaphore(%arg13 : memref<!tpu.dma_semaphore, #tpu.memory_space<semaphore_mem>>) src(%dma_wait3A_113 : memref<10000x128xf32, #tpu.memory_space<hbm>>) dst(%arg8 : memref<64x128xf32, #tpu.memory_space<vmem>>)
    %dma_start3A_114 = arith.constant 1 : i32
    %dma_start3A_115 = arith.constant 64 : i32
    %dma_start3A_116 = tpu.memref_slice %arg5[%dma_start3A_114, %dma_start3A_115] : memref<8x128xi32, #tpu.memory_space<vmem>> -> memref<1x64xi32, #tpu.memory_space<vmem>>
    %dma_start3A_117 = tpu.memref_squeeze %dma_start3A_116 : memref<1x64xi32, #tpu.memory_space<vmem>> -> memref<64xi32, #tpu.memory_space<vmem>>
    %dma_start3A_118 = arith.constant 0 : i32
    %dma_start3A_119 = arith.constant 0 : i32
    %dma_start3A_120 = tpu.memref_slice %arg11[%dma_start3A_118, %dma_start3A_119] : memref<10240x128xf32, #tpu.memory_space<vmem_shared>> -> memref<10240x128xf32, #tpu.memory_space<vmem_shared>>
    tpu.enqueue_indirect_dma source(%arg8 : memref<64x128xf32, #tpu.memory_space<vmem>>) target(%dma_start3A_120 : memref<10240x128xf32, #tpu.memory_space<vmem_shared>>) offsets(%dma_start3A_117 : memref<64xi32, #tpu.memory_space<vmem>>) semaphore(%arg17 : memref<!tpu.dma_semaphore, #tpu.memory_space<semaphore_mem>>) {add = true}
    %dma_wait3A_121 = arith.constant 1 : i32
    %dma_wait3A_122 = arith.constant 0 : i32
    %dma_wait3A_123 = tpu.memref_slice %arg5[%dma_wait3A_121, %dma_wait3A_122] : memref<8x128xi32, #tpu.memory_space<vmem>> -> memref<1x64xi32, #tpu.memory_space<vmem>>
    %dma_wait3A_124 = tpu.memref_squeeze %dma_wait3A_123 : memref<1x64xi32, #tpu.memory_space<vmem>> -> memref<64xi32, #tpu.memory_space<vmem>>
    %dma_wait3A_125 = arith.constant 0 : i32
    %dma_wait3A_126 = arith.constant 0 : i32
    %dma_wait3A_127 = tpu.memref_slice %arg11[%dma_wait3A_125, %dma_wait3A_126] : memref<10240x128xf32, #tpu.memory_space<vmem_shared>> -> memref<10240x128xf32, #tpu.memory_space<vmem_shared>>
    tpu.wait_indirect_dma semaphore(%arg16 : memref<!tpu.dma_semaphore, #tpu.memory_space<semaphore_mem>>) src(%arg7 : memref<64x128xf32, #tpu.memory_space<vmem>>) dst(%dma_wait3A_127 : memref<10240x128xf32, #tpu.memory_space<vmem_shared>>)
    %dma_start3A_128 = arith.constant 4 : i32
    %dma_start3A_129 = arith.constant 0 : i32
    %dma_start3A_130 = tpu.memref_slice %arg5[%dma_start3A_128, %dma_start3A_129] : memref<8x128xi32, #tpu.memory_space<vmem>> -> memref<1x64xi32, #tpu.memory_space<vmem>>
    %dma_start3A_131 = tpu.memref_squeeze %dma_start3A_130 : memref<1x64xi32, #tpu.memory_space<vmem>> -> memref<64xi32, #tpu.memory_space<vmem>>
    %dma_start3A_132 = arith.constant 0 : i32
    %dma_start3A_133 = arith.constant 0 : i32
    %dma_start3A_134 = tpu.memref_slice %arg3[%dma_start3A_132, %dma_start3A_133] : memref<10000x128xf32, #tpu.memory_space<hbm>> -> memref<10000x128xf32, #tpu.memory_space<hbm>>
    tpu.enqueue_indirect_dma source(%dma_start3A_134 : memref<10000x128xf32, #tpu.memory_space<hbm>>) target(%arg7 : memref<64x128xf32, #tpu.memory_space<vmem>>) offsets(%dma_start3A_131 : memref<64xi32, #tpu.memory_space<vmem>>) semaphore(%arg12 : memref<!tpu.dma_semaphore, #tpu.memory_space<semaphore_mem>>)
    %dma_wait3A_135 = arith.constant 2 : i32
    %dma_wait3A_136 = arith.constant 0 : i32
    %dma_wait3A_137 = tpu.memref_slice %arg5[%dma_wait3A_135, %dma_wait3A_136] : memref<8x128xi32, #tpu.memory_space<vmem>> -> memref<1x64xi32, #tpu.memory_space<vmem>>
    %dma_wait3A_138 = tpu.memref_squeeze %dma_wait3A_137 : memref<1x64xi32, #tpu.memory_space<vmem>> -> memref<64xi32, #tpu.memory_space<vmem>>
    %dma_wait3A_139 = arith.constant 0 : i32
    %dma_wait3A_140 = arith.constant 0 : i32
    %dma_wait3A_141 = tpu.memref_slice %arg3[%dma_wait3A_139, %dma_wait3A_140] : memref<10000x128xf32, #tpu.memory_space<hbm>> -> memref<10000x128xf32, #tpu.memory_space<hbm>>
    tpu.wait_indirect_dma semaphore(%arg14 : memref<!tpu.dma_semaphore, #tpu.memory_space<semaphore_mem>>) src(%dma_wait3A_141 : memref<10000x128xf32, #tpu.memory_space<hbm>>) dst(%arg9 : memref<64x128xf32, #tpu.memory_space<vmem>>)
    %dma_start3A_142 = arith.constant 3 : i32
    %dma_start3A_143 = arith.constant 0 : i32
    %dma_start3A_144 = tpu.memref_slice %arg5[%dma_start3A_142, %dma_start3A_143] : memref<8x128xi32, #tpu.memory_space<vmem>> -> memref<1x64xi32, #tpu.memory_space<vmem>>
    %dma_start3A_145 = tpu.memref_squeeze %dma_start3A_144 : memref<1x64xi32, #tpu.memory_space<vmem>> -> memref<64xi32, #tpu.memory_space<vmem>>
    %dma_start3A_146 = arith.constant 0 : i32
    %dma_start3A_147 = arith.constant 0 : i32
    %dma_start3A_148 = tpu.memref_slice %arg11[%dma_start3A_146, %dma_start3A_147] : memref<10240x128xf32, #tpu.memory_space<vmem_shared>> -> memref<10240x128xf32, #tpu.memory_space<vmem_shared>>
    tpu.enqueue_indirect_dma source(%arg9 : memref<64x128xf32, #tpu.memory_space<vmem>>) target(%dma_start3A_148 : memref<10240x128xf32, #tpu.memory_space<vmem_shared>>) offsets(%dma_start3A_145 : memref<64xi32, #tpu.memory_space<vmem>>) semaphore(%arg18 : memref<!tpu.dma_semaphore, #tpu.memory_space<semaphore_mem>>) {add = true}
    %dma_wait3A_149 = arith.constant 1 : i32
    %dma_wait3A_150 = arith.constant 64 : i32
    %dma_wait3A_151 = tpu.memref_slice %arg5[%dma_wait3A_149, %dma_wait3A_150] : memref<8x128xi32, #tpu.memory_space<vmem>> -> memref<1x64xi32, #tpu.memory_space<vmem>>
    %dma_wait3A_152 = tpu.memref_squeeze %dma_wait3A_151 : memref<1x64xi32, #tpu.memory_space<vmem>> -> memref<64xi32, #tpu.memory_space<vmem>>
    %dma_wait3A_153 = arith.constant 0 : i32
    %dma_wait3A_154 = arith.constant 0 : i32
    %dma_wait3A_155 = tpu.memref_slice %arg11[%dma_wait3A_153, %dma_wait3A_154] : memref<10240x128xf32, #tpu.memory_space<vmem_shared>> -> memref<10240x128xf32, #tpu.memory_space<vmem_shared>>
    tpu.wait_indirect_dma semaphore(%arg17 : memref<!tpu.dma_semaphore, #tpu.memory_space<semaphore_mem>>) src(%arg8 : memref<64x128xf32, #tpu.memory_space<vmem>>) dst(%dma_wait3A_155 : memref<10240x128xf32, #tpu.memory_space<vmem_shared>>)
    %dma_start3A_156 = arith.constant 4 : i32
    %dma_start3A_157 = arith.constant 64 : i32
    %dma_start3A_158 = tpu.memref_slice %arg5[%dma_start3A_156, %dma_start3A_157] : memref<8x128xi32, #tpu.memory_space<vmem>> -> memref<1x64xi32, #tpu.memory_space<vmem>>
    %dma_start3A_159 = tpu.memref_squeeze %dma_start3A_158 : memref<1x64xi32, #tpu.memory_space<vmem>> -> memref<64xi32, #tpu.memory_space<vmem>>
    %dma_start3A_160 = arith.constant 0 : i32
    %dma_start3A_161 = arith.constant 0 : i32
    %dma_start3A_162 = tpu.memref_slice %arg3[%dma_start3A_160, %dma_start3A_161] : memref<10000x128xf32, #tpu.memory_space<hbm>> -> memref<10000x128xf32, #tpu.memory_space<hbm>>
    tpu.enqueue_indirect_dma source(%dma_start3A_162 : memref<10000x128xf32, #tpu.memory_space<hbm>>) target(%arg8 : memref<64x128xf32, #tpu.memory_space<vmem>>) offsets(%dma_start3A_159 : memref<64xi32, #tpu.memory_space<vmem>>) semaphore(%arg13 : memref<!tpu.dma_semaphore, #tpu.memory_space<semaphore_mem>>)
    %dma_wait3A_163 = arith.constant 2 : i32
    %dma_wait3A_164 = arith.constant 64 : i32
    %dma_wait3A_165 = tpu.memref_slice %arg5[%dma_wait3A_163, %dma_wait3A_164] : memref<8x128xi32, #tpu.memory_space<vmem>> -> memref<1x64xi32, #tpu.memory_space<vmem>>
    %dma_wait3A_166 = tpu.memref_squeeze %dma_wait3A_165 : memref<1x64xi32, #tpu.memory_space<vmem>> -> memref<64xi32, #tpu.memory_space<vmem>>
    %dma_wait3A_167 = arith.constant 0 : i32
    %dma_wait3A_168 = arith.constant 0 : i32
    %dma_wait3A_169 = tpu.memref_slice %arg3[%dma_wait3A_167, %dma_wait3A_168] : memref<10000x128xf32, #tpu.memory_space<hbm>> -> memref<10000x128xf32, #tpu.memory_space<hbm>>
    tpu.wait_indirect_dma semaphore(%arg15 : memref<!tpu.dma_semaphore, #tpu.memory_space<semaphore_mem>>) src(%dma_wait3A_169 : memref<10000x128xf32, #tpu.memory_space<hbm>>) dst(%arg10 : memref<64x128xf32, #tpu.memory_space<vmem>>)
    %dma_start3A_170 = arith.constant 3 : i32
    %dma_start3A_171 = arith.constant 64 : i32
    %dma_start3A_172 = tpu.memref_slice %arg5[%dma_start3A_170, %dma_start3A_171] : memref<8x128xi32, #tpu.memory_space<vmem>> -> memref<1x64xi32, #tpu.memory_space<vmem>>
    %dma_start3A_173 = tpu.memref_squeeze %dma_start3A_172 : memref<1x64xi32, #tpu.memory_space<vmem>> -> memref<64xi32, #tpu.memory_space<vmem>>
    %dma_start3A_174 = arith.constant 0 : i32
    %dma_start3A_175 = arith.constant 0 : i32
    %dma_start3A_176 = tpu.memref_slice %arg11[%dma_start3A_174, %dma_start3A_175] : memref<10240x128xf32, #tpu.memory_space<vmem_shared>> -> memref<10240x128xf32, #tpu.memory_space<vmem_shared>>
    tpu.enqueue_indirect_dma source(%arg10 : memref<64x128xf32, #tpu.memory_space<vmem>>) target(%dma_start3A_176 : memref<10240x128xf32, #tpu.memory_space<vmem_shared>>) offsets(%dma_start3A_173 : memref<64xi32, #tpu.memory_space<vmem>>) semaphore(%arg19 : memref<!tpu.dma_semaphore, #tpu.memory_space<semaphore_mem>>) {add = true}
    %dma_wait3A_177 = arith.constant 3 : i32
    %dma_wait3A_178 = arith.constant 0 : i32
    %dma_wait3A_179 = tpu.memref_slice %arg5[%dma_wait3A_177, %dma_wait3A_178] : memref<8x128xi32, #tpu.memory_space<vmem>> -> memref<1x64xi32, #tpu.memory_space<vmem>>
    %dma_wait3A_180 = tpu.memref_squeeze %dma_wait3A_179 : memref<1x64xi32, #tpu.memory_space<vmem>> -> memref<64xi32, #tpu.memory_space<vmem>>
    %dma_wait3A_181 = arith.constant 0 : i32
    %dma_wait3A_182 = arith.constant 0 : i32
    %dma_wait3A_183 = tpu.memref_slice %arg11[%dma_wait3A_181, %dma_wait3A_182] : memref<10240x128xf32, #tpu.memory_space<vmem_shared>> -> memref<10240x128xf32, #tpu.memory_space<vmem_shared>>
    tpu.wait_indirect_dma semaphore(%arg18 : memref<!tpu.dma_semaphore, #tpu.memory_space<semaphore_mem>>) src(%arg9 : memref<64x128xf32, #tpu.memory_space<vmem>>) dst(%dma_wait3A_183 : memref<10240x128xf32, #tpu.memory_space<vmem_shared>>)
    %dma_start3A_184 = arith.constant 6 : i32
    %dma_start3A_185 = arith.constant 0 : i32
    %dma_start3A_186 = tpu.memref_slice %arg5[%dma_start3A_184, %dma_start3A_185] : memref<8x128xi32, #tpu.memory_space<vmem>> -> memref<1x64xi32, #tpu.memory_space<vmem>>
    %dma_start3A_187 = tpu.memref_squeeze %dma_start3A_186 : memref<1x64xi32, #tpu.memory_space<vmem>> -> memref<64xi32, #tpu.memory_space<vmem>>
    %dma_start3A_188 = arith.constant 0 : i32
    %dma_start3A_189 = arith.constant 0 : i32
    %dma_start3A_190 = tpu.memref_slice %arg3[%dma_start3A_188, %dma_start3A_189] : memref<10000x128xf32, #tpu.memory_space<hbm>> -> memref<10000x128xf32, #tpu.memory_space<hbm>>
    tpu.enqueue_indirect_dma source(%dma_start3A_190 : memref<10000x128xf32, #tpu.memory_space<hbm>>) target(%arg9 : memref<64x128xf32, #tpu.memory_space<vmem>>) offsets(%dma_start3A_187 : memref<64xi32, #tpu.memory_space<vmem>>) semaphore(%arg14 : memref<!tpu.dma_semaphore, #tpu.memory_space<semaphore_mem>>)
    %dma_wait3A_191 = arith.constant 4 : i32
    %dma_wait3A_192 = arith.constant 0 : i32
    %dma_wait3A_193 = tpu.memref_slice %arg5[%dma_wait3A_191, %dma_wait3A_192] : memref<8x128xi32, #tpu.memory_space<vmem>> -> memref<1x64xi32, #tpu.memory_space<vmem>>
    %dma_wait3A_194 = tpu.memref_squeeze %dma_wait3A_193 : memref<1x64xi32, #tpu.memory_space<vmem>> -> memref<64xi32, #tpu.memory_space<vmem>>
    %dma_wait3A_195 = arith.constant 0 : i32
    %dma_wait3A_196 = arith.constant 0 : i32
    %dma_wait3A_197 = tpu.memref_slice %arg3[%dma_wait3A_195, %dma_wait3A_196] : memref<10000x128xf32, #tpu.memory_space<hbm>> -> memref<10000x128xf32, #tpu.memory_space<hbm>>
    tpu.wait_indirect_dma semaphore(%arg12 : memref<!tpu.dma_semaphore, #tpu.memory_space<semaphore_mem>>) src(%dma_wait3A_197 : memref<10000x128xf32, #tpu.memory_space<hbm>>) dst(%arg7 : memref<64x128xf32, #tpu.memory_space<vmem>>)
    %dma_start3A_198 = arith.constant 5 : i32
    %dma_start3A_199 = arith.constant 0 : i32
    %dma_start3A_200 = tpu.memref_slice %arg5[%dma_start3A_198, %dma_start3A_199] : memref<8x128xi32, #tpu.memory_space<vmem>> -> memref<1x64xi32, #tpu.memory_space<vmem>>
    %dma_start3A_201 = tpu.memref_squeeze %dma_start3A_200 : memref<1x64xi32, #tpu.memory_space<vmem>> -> memref<64xi32, #tpu.memory_space<vmem>>
    %dma_start3A_202 = arith.constant 0 : i32
    %dma_start3A_203 = arith.constant 0 : i32
    %dma_start3A_204 = tpu.memref_slice %arg11[%dma_start3A_202, %dma_start3A_203] : memref<10240x128xf32, #tpu.memory_space<vmem_shared>> -> memref<10240x128xf32, #tpu.memory_space<vmem_shared>>
    tpu.enqueue_indirect_dma source(%arg7 : memref<64x128xf32, #tpu.memory_space<vmem>>) target(%dma_start3A_204 : memref<10240x128xf32, #tpu.memory_space<vmem_shared>>) offsets(%dma_start3A_201 : memref<64xi32, #tpu.memory_space<vmem>>) semaphore(%arg16 : memref<!tpu.dma_semaphore, #tpu.memory_space<semaphore_mem>>) {add = true}
    %dma_wait3A_205 = arith.constant 3 : i32
    %dma_wait3A_206 = arith.constant 64 : i32
    %dma_wait3A_207 = tpu.memref_slice %arg5[%dma_wait3A_205, %dma_wait3A_206] : memref<8x128xi32, #tpu.memory_space<vmem>> -> memref<1x64xi32, #tpu.memory_space<vmem>>
    %dma_wait3A_208 = tpu.memref_squeeze %dma_wait3A_207 : memref<1x64xi32, #tpu.memory_space<vmem>> -> memref<64xi32, #tpu.memory_space<vmem>>
    %dma_wait3A_209 = arith.constant 0 : i32
    %dma_wait3A_210 = arith.constant 0 : i32
    %dma_wait3A_211 = tpu.memref_slice %arg11[%dma_wait3A_209, %dma_wait3A_210] : memref<10240x128xf32, #tpu.memory_space<vmem_shared>> -> memref<10240x128xf32, #tpu.memory_space<vmem_shared>>
    tpu.wait_indirect_dma semaphore(%arg19 : memref<!tpu.dma_semaphore, #tpu.memory_space<semaphore_mem>>) src(%arg10 : memref<64x128xf32, #tpu.memory_space<vmem>>) dst(%dma_wait3A_211 : memref<10240x128xf32, #tpu.memory_space<vmem_shared>>)
    %dma_start3A_212 = arith.constant 6 : i32
    %dma_start3A_213 = arith.constant 64 : i32
    %dma_start3A_214 = tpu.memref_slice %arg5[%dma_start3A_212, %dma_start3A_213] : memref<8x128xi32, #tpu.memory_space<vmem>> -> memref<1x64xi32, #tpu.memory_space<vmem>>
    %dma_start3A_215 = tpu.memref_squeeze %dma_start3A_214 : memref<1x64xi32, #tpu.memory_space<vmem>> -> memref<64xi32, #tpu.memory_space<vmem>>
    %dma_start3A_216 = arith.constant 0 : i32
    %dma_start3A_217 = arith.constant 0 : i32
    %dma_start3A_218 = tpu.memref_slice %arg3[%dma_start3A_216, %dma_start3A_217] : memref<10000x128xf32, #tpu.memory_space<hbm>> -> memref<10000x128xf32, #tpu.memory_space<hbm>>
    tpu.enqueue_indirect_dma source(%dma_start3A_218 : memref<10000x128xf32, #tpu.memory_space<hbm>>) target(%arg10 : memref<64x128xf32, #tpu.memory_space<vmem>>) offsets(%dma_start3A_215 : memref<64xi32, #tpu.memory_space<vmem>>) semaphore(%arg15 : memref<!tpu.dma_semaphore, #tpu.memory_space<semaphore_mem>>)
    %dma_wait3A_219 = arith.constant 4 : i32
    %dma_wait3A_220 = arith.constant 64 : i32
    %dma_wait3A_221 = tpu.memref_slice %arg5[%dma_wait3A_219, %dma_wait3A_220] : memref<8x128xi32, #tpu.memory_space<vmem>> -> memref<1x64xi32, #tpu.memory_space<vmem>>
    %dma_wait3A_222 = tpu.memref_squeeze %dma_wait3A_221 : memref<1x64xi32, #tpu.memory_space<vmem>> -> memref<64xi32, #tpu.memory_space<vmem>>
    %dma_wait3A_223 = arith.constant 0 : i32
    %dma_wait3A_224 = arith.constant 0 : i32
    %dma_wait3A_225 = tpu.memref_slice %arg3[%dma_wait3A_223, %dma_wait3A_224] : memref<10000x128xf32, #tpu.memory_space<hbm>> -> memref<10000x128xf32, #tpu.memory_space<hbm>>
    tpu.wait_indirect_dma semaphore(%arg13 : memref<!tpu.dma_semaphore, #tpu.memory_space<semaphore_mem>>) src(%dma_wait3A_225 : memref<10000x128xf32, #tpu.memory_space<hbm>>) dst(%arg8 : memref<64x128xf32, #tpu.memory_space<vmem>>)
    %dma_start3A_226 = arith.constant 5 : i32
    %dma_start3A_227 = arith.constant 64 : i32
    %dma_start3A_228 = tpu.memref_slice %arg5[%dma_start3A_226, %dma_start3A_227] : memref<8x128xi32, #tpu.memory_space<vmem>> -> memref<1x64xi32, #tpu.memory_space<vmem>>
    %dma_start3A_229 = tpu.memref_squeeze %dma_start3A_228 : memref<1x64xi32, #tpu.memory_space<vmem>> -> memref<64xi32, #tpu.memory_space<vmem>>
    %dma_start3A_230 = arith.constant 0 : i32
    %dma_start3A_231 = arith.constant 0 : i32
    %dma_start3A_232 = tpu.memref_slice %arg11[%dma_start3A_230, %dma_start3A_231] : memref<10240x128xf32, #tpu.memory_space<vmem_shared>> -> memref<10240x128xf32, #tpu.memory_space<vmem_shared>>
    tpu.enqueue_indirect_dma source(%arg8 : memref<64x128xf32, #tpu.memory_space<vmem>>) target(%dma_start3A_232 : memref<10240x128xf32, #tpu.memory_space<vmem_shared>>) offsets(%dma_start3A_229 : memref<64xi32, #tpu.memory_space<vmem>>) semaphore(%arg17 : memref<!tpu.dma_semaphore, #tpu.memory_space<semaphore_mem>>) {add = true}
    %dma_wait3A_233 = arith.constant 5 : i32
    %dma_wait3A_234 = arith.constant 0 : i32
    %dma_wait3A_235 = tpu.memref_slice %arg5[%dma_wait3A_233, %dma_wait3A_234] : memref<8x128xi32, #tpu.memory_space<vmem>> -> memref<1x64xi32, #tpu.memory_space<vmem>>
    %dma_wait3A_236 = tpu.memref_squeeze %dma_wait3A_235 : memref<1x64xi32, #tpu.memory_space<vmem>> -> memref<64xi32, #tpu.memory_space<vmem>>
    %dma_wait3A_237 = arith.constant 0 : i32
    %dma_wait3A_238 = arith.constant 0 : i32
    %dma_wait3A_239 = tpu.memref_slice %arg11[%dma_wait3A_237, %dma_wait3A_238] : memref<10240x128xf32, #tpu.memory_space<vmem_shared>> -> memref<10240x128xf32, #tpu.memory_space<vmem_shared>>
    tpu.wait_indirect_dma semaphore(%arg16 : memref<!tpu.dma_semaphore, #tpu.memory_space<semaphore_mem>>) src(%arg7 : memref<64x128xf32, #tpu.memory_space<vmem>>) dst(%dma_wait3A_239 : memref<10240x128xf32, #tpu.memory_space<vmem_shared>>)
    %dma_wait3A_240 = arith.constant 6 : i32
    %dma_wait3A_241 = arith.constant 0 : i32
    %dma_wait3A_242 = tpu.memref_slice %arg5[%dma_wait3A_240, %dma_wait3A_241] : memref<8x128xi32, #tpu.memory_space<vmem>> -> memref<1x64xi32, #tpu.memory_space<vmem>>
    %dma_wait3A_243 = tpu.memref_squeeze %dma_wait3A_242 : memref<1x64xi32, #tpu.memory_space<vmem>> -> memref<64xi32, #tpu.memory_space<vmem>>
    %dma_wait3A_244 = arith.constant 0 : i32
    %dma_wait3A_245 = arith.constant 0 : i32
    %dma_wait3A_246 = tpu.memref_slice %arg3[%dma_wait3A_244, %dma_wait3A_245] : memref<10000x128xf32, #tpu.memory_space<hbm>> -> memref<10000x128xf32, #tpu.memory_space<hbm>>
    tpu.wait_indirect_dma semaphore(%arg14 : memref<!tpu.dma_semaphore, #tpu.memory_space<semaphore_mem>>) src(%dma_wait3A_246 : memref<10000x128xf32, #tpu.memory_space<hbm>>) dst(%arg9 : memref<64x128xf32, #tpu.memory_space<vmem>>)
    %dma_start3A_247 = arith.constant 7 : i32
    %dma_start3A_248 = arith.constant 0 : i32
    %dma_start3A_249 = tpu.memref_slice %arg5[%dma_start3A_247, %dma_start3A_248] : memref<8x128xi32, #tpu.memory_space<vmem>> -> memref<1x64xi32, #tpu.memory_space<vmem>>
    %dma_start3A_250 = tpu.memref_squeeze %dma_start3A_249 : memref<1x64xi32, #tpu.memory_space<vmem>> -> memref<64xi32, #tpu.memory_space<vmem>>
    %dma_start3A_251 = arith.constant 0 : i32
    %dma_start3A_252 = arith.constant 0 : i32
    %dma_start3A_253 = tpu.memref_slice %arg11[%dma_start3A_251, %dma_start3A_252] : memref<10240x128xf32, #tpu.memory_space<vmem_shared>> -> memref<10240x128xf32, #tpu.memory_space<vmem_shared>>
    tpu.enqueue_indirect_dma source(%arg9 : memref<64x128xf32, #tpu.memory_space<vmem>>) target(%dma_start3A_253 : memref<10240x128xf32, #tpu.memory_space<vmem_shared>>) offsets(%dma_start3A_250 : memref<64xi32, #tpu.memory_space<vmem>>) semaphore(%arg18 : memref<!tpu.dma_semaphore, #tpu.memory_space<semaphore_mem>>) {add = true}
    %dma_wait3A_254 = arith.constant 5 : i32
    %dma_wait3A_255 = arith.constant 64 : i32
    %dma_wait3A_256 = tpu.memref_slice %arg5[%dma_wait3A_254, %dma_wait3A_255] : memref<8x128xi32, #tpu.memory_space<vmem>> -> memref<1x64xi32, #tpu.memory_space<vmem>>
    %dma_wait3A_257 = tpu.memref_squeeze %dma_wait3A_256 : memref<1x64xi32, #tpu.memory_space<vmem>> -> memref<64xi32, #tpu.memory_space<vmem>>
    %dma_wait3A_258 = arith.constant 0 : i32
    %dma_wait3A_259 = arith.constant 0 : i32
    %dma_wait3A_260 = tpu.memref_slice %arg11[%dma_wait3A_258, %dma_wait3A_259] : memref<10240x128xf32, #tpu.memory_space<vmem_shared>> -> memref<10240x128xf32, #tpu.memory_space<vmem_shared>>
    tpu.wait_indirect_dma semaphore(%arg17 : memref<!tpu.dma_semaphore, #tpu.memory_space<semaphore_mem>>) src(%arg8 : memref<64x128xf32, #tpu.memory_space<vmem>>) dst(%dma_wait3A_260 : memref<10240x128xf32, #tpu.memory_space<vmem_shared>>)
    %dma_wait3A_261 = arith.constant 6 : i32
    %dma_wait3A_262 = arith.constant 64 : i32
    %dma_wait3A_263 = tpu.memref_slice %arg5[%dma_wait3A_261, %dma_wait3A_262] : memref<8x128xi32, #tpu.memory_space<vmem>> -> memref<1x64xi32, #tpu.memory_space<vmem>>
    %dma_wait3A_264 = tpu.memref_squeeze %dma_wait3A_263 : memref<1x64xi32, #tpu.memory_space<vmem>> -> memref<64xi32, #tpu.memory_space<vmem>>
    %dma_wait3A_265 = arith.constant 0 : i32
    %dma_wait3A_266 = arith.constant 0 : i32
    %dma_wait3A_267 = tpu.memref_slice %arg3[%dma_wait3A_265, %dma_wait3A_266] : memref<10000x128xf32, #tpu.memory_space<hbm>> -> memref<10000x128xf32, #tpu.memory_space<hbm>>
    tpu.wait_indirect_dma semaphore(%arg15 : memref<!tpu.dma_semaphore, #tpu.memory_space<semaphore_mem>>) src(%dma_wait3A_267 : memref<10000x128xf32, #tpu.memory_space<hbm>>) dst(%arg10 : memref<64x128xf32, #tpu.memory_space<vmem>>)
    %dma_start3A_268 = arith.constant 7 : i32
    %dma_start3A_269 = arith.constant 64 : i32
    %dma_start3A_270 = tpu.memref_slice %arg5[%dma_start3A_268, %dma_start3A_269] : memref<8x128xi32, #tpu.memory_space<vmem>> -> memref<1x64xi32, #tpu.memory_space<vmem>>
    %dma_start3A_271 = tpu.memref_squeeze %dma_start3A_270 : memref<1x64xi32, #tpu.memory_space<vmem>> -> memref<64xi32, #tpu.memory_space<vmem>>
    %dma_start3A_272 = arith.constant 0 : i32
    %dma_start3A_273 = arith.constant 0 : i32
    %dma_start3A_274 = tpu.memref_slice %arg11[%dma_start3A_272, %dma_start3A_273] : memref<10240x128xf32, #tpu.memory_space<vmem_shared>> -> memref<10240x128xf32, #tpu.memory_space<vmem_shared>>
    tpu.enqueue_indirect_dma source(%arg10 : memref<64x128xf32, #tpu.memory_space<vmem>>) target(%dma_start3A_274 : memref<10240x128xf32, #tpu.memory_space<vmem_shared>>) offsets(%dma_start3A_271 : memref<64xi32, #tpu.memory_space<vmem>>) semaphore(%arg19 : memref<!tpu.dma_semaphore, #tpu.memory_space<semaphore_mem>>) {add = true}
    %dma_wait3A_275 = arith.constant 7 : i32
    %dma_wait3A_276 = arith.constant 0 : i32
    %dma_wait3A_277 = tpu.memref_slice %arg5[%dma_wait3A_275, %dma_wait3A_276] : memref<8x128xi32, #tpu.memory_space<vmem>> -> memref<1x64xi32, #tpu.memory_space<vmem>>
    %dma_wait3A_278 = tpu.memref_squeeze %dma_wait3A_277 : memref<1x64xi32, #tpu.memory_space<vmem>> -> memref<64xi32, #tpu.memory_space<vmem>>
    %dma_wait3A_279 = arith.constant 0 : i32
    %dma_wait3A_280 = arith.constant 0 : i32
    %dma_wait3A_281 = tpu.memref_slice %arg11[%dma_wait3A_279, %dma_wait3A_280] : memref<10240x128xf32, #tpu.memory_space<vmem_shared>> -> memref<10240x128xf32, #tpu.memory_space<vmem_shared>>
    tpu.wait_indirect_dma semaphore(%arg18 : memref<!tpu.dma_semaphore, #tpu.memory_space<semaphore_mem>>) src(%arg9 : memref<64x128xf32, #tpu.memory_space<vmem>>) dst(%dma_wait3A_281 : memref<10240x128xf32, #tpu.memory_space<vmem_shared>>)
    %dma_wait3A_282 = arith.constant 7 : i32
    %dma_wait3A_283 = arith.constant 64 : i32
    %dma_wait3A_284 = tpu.memref_slice %arg5[%dma_wait3A_282, %dma_wait3A_283] : memref<8x128xi32, #tpu.memory_space<vmem>> -> memref<1x64xi32, #tpu.memory_space<vmem>>
    %dma_wait3A_285 = tpu.memref_squeeze %dma_wait3A_284 : memref<1x64xi32, #tpu.memory_space<vmem>> -> memref<64xi32, #tpu.memory_space<vmem>>
    %dma_wait3A_286 = arith.constant 0 : i32
    %dma_wait3A_287 = arith.constant 0 : i32
    %dma_wait3A_288 = tpu.memref_slice %arg11[%dma_wait3A_286, %dma_wait3A_287] : memref<10240x128xf32, #tpu.memory_space<vmem_shared>> -> memref<10240x128xf32, #tpu.memory_space<vmem_shared>>
    tpu.wait_indirect_dma semaphore(%arg19 : memref<!tpu.dma_semaphore, #tpu.memory_space<semaphore_mem>>) src(%arg10 : memref<64x128xf32, #tpu.memory_space<vmem>>) dst(%dma_wait3A_288 : memref<10240x128xf32, #tpu.memory_space<vmem_shared>>)
    %barrier3A_289 = arith.constant 0 : index
    tpu.barrier barrier_id(%barrier3A_289)
    %mul3A_290 = arith.constant 640 : i32
    %mul3A_291 = arith.muli %arg1, %mul3A_290 : i32
    %mul3A_292 = arith.constant 640 : i32
    %mul3A_293 = arith.muli %arg1, %mul3A_292 : i32
    "tpu.region"() ({
      %run_scoped3A = tpu.sem_alloc : memref<!tpu.dma_semaphore, #tpu.memory_space<semaphore_mem>>
      %dma_start3A_294 = arith.constant 0 : i32
      %dma_start3A_295 = arith.constant 0 : i32
      %dma_start3A_296 = tpu.memref_slice %arg4[%arg0, %dma_start3A_294, %dma_start3A_295] : memref<2x10240x128xf32, #tpu.memory_space<hbm>> -> memref<1x10240x128xf32, #tpu.memory_space<hbm>>
      %dma_start3A_297 = tpu.memref_squeeze %dma_start3A_296 : memref<1x10240x128xf32, #tpu.memory_space<hbm>> -> memref<10240x128xf32, #tpu.memory_space<hbm>>
      %dma_start3A_298 = arith.constant 0 : i32
      %dma_start3A_299 = tpu.memref_slice %dma_start3A_297[%mul3A_293, %dma_start3A_298] : memref<10240x128xf32, #tpu.memory_space<hbm>> -> memref<640x128xf32, #tpu.memory_space<hbm>>
      %dma_start3A_300 = arith.constant 0 : i32
      %dma_start3A_301 = tpu.memref_slice %arg11[%mul3A_291, %dma_start3A_300] : memref<10240x128xf32, #tpu.memory_space<vmem_shared>> -> memref<640x128xf32, #tpu.memory_space<vmem_shared>>
      tpu.enqueue_dma source(%dma_start3A_301 : memref<640x128xf32, #tpu.memory_space<vmem_shared>>) target(%dma_start3A_299 : memref<640x128xf32, #tpu.memory_space<hbm>>) target_semaphore(%run_scoped3A : memref<!tpu.dma_semaphore, #tpu.memory_space<semaphore_mem>>)
      %dma_wait3A_302 = arith.constant 0 : i32
      %dma_wait3A_303 = arith.constant 0 : i32
      %dma_wait3A_304 = tpu.memref_slice %arg4[%arg0, %dma_wait3A_302, %dma_wait3A_303] : memref<2x10240x128xf32, #tpu.memory_space<hbm>> -> memref<1x10240x128xf32, #tpu.memory_space<hbm>>
      %dma_wait3A_305 = tpu.memref_squeeze %dma_wait3A_304 : memref<1x10240x128xf32, #tpu.memory_space<hbm>> -> memref<10240x128xf32, #tpu.memory_space<hbm>>
      %dma_wait3A_306 = arith.constant 0 : i32
      %dma_wait3A_307 = tpu.memref_slice %dma_wait3A_305[%mul3A_293, %dma_wait3A_306] : memref<10240x128xf32, #tpu.memory_space<hbm>> -> memref<640x128xf32, #tpu.memory_space<hbm>>
      %dma_wait3A_308 = arith.constant 0 : i32
      %dma_wait3A_309 = tpu.memref_slice %arg11[%mul3A_291, %dma_wait3A_308] : memref<10240x128xf32, #tpu.memory_space<vmem_shared>> -> memref<640x128xf32, #tpu.memory_space<vmem_shared>>
      tpu.wait_dma2 semaphore(%run_scoped3A : memref<!tpu.dma_semaphore, #tpu.memory_space<semaphore_mem>>) src(%dma_wait3A_309 : memref<640x128xf32, #tpu.memory_space<vmem_shared>>) dst(%dma_wait3A_307 : memref<640x128xf32, #tpu.memory_space<hbm>>)
      tpu.yield
    }) : () -> ()
    return
  }
}

#map = affine_map<(d0, d1) -> (0, 0, 0)>
#map1 = affine_map<(d0, d1) -> (0, 0)>
module attributes {stable_mosaic.version = 14 : i64} {
  func.func @_deg_body(%arg0: i32, %arg1: i32, %arg2: memref<32x84x128xi32, #tpu.memory_space<hbm>>, %arg3: memref<32x10240xf32, #tpu.memory_space<hbm>>, %arg4: memref<84x128xi32, #tpu.memory_space<vmem>>, %arg5: memref<10240xf32, #tpu.memory_space<vmem>>) attributes {dimension_semantics = [#tpu.dimension_semantics<core_parallel>, #tpu.dimension_semantics<subcore_parallel>], iteration_bounds = array<i64: 2, 16>, scalar_prefetch = 0 : i64, scratch_operands = 2 : i64, tpu.core_type = #tpu.core_type<sc_vector_subcore>, window_params = [{transform_indices = #map}, {transform_indices = #map1}]} {
    %mul3A = arith.constant 2 : i32
    %mul3A_0 = arith.muli %arg1, %mul3A : i32
    %add3A = arith.addi %mul3A_0, %arg0 : i32
    "tpu.region"() ({
      %run_scoped3A = tpu.sem_alloc : memref<!tpu.dma_semaphore, #tpu.memory_space<semaphore_mem>>
      %dma_start3A = arith.constant 0 : i32
      %dma_start3A_13 = arith.constant 0 : i32
      %dma_start3A_14 = tpu.memref_slice %arg2[%add3A, %dma_start3A, %dma_start3A_13] : memref<32x84x128xi32, #tpu.memory_space<hbm>> -> memref<1x84x128xi32, #tpu.memory_space<hbm>>
      %dma_start3A_15 = tpu.memref_squeeze %dma_start3A_14 : memref<1x84x128xi32, #tpu.memory_space<hbm>> -> memref<84x128xi32, #tpu.memory_space<hbm>>
      %dma_start3A_16 = arith.constant 0 : i32
      %dma_start3A_17 = arith.constant 0 : i32
      %dma_start3A_18 = tpu.memref_slice %arg2[%add3A, %dma_start3A_16, %dma_start3A_17] : memref<32x84x128xi32, #tpu.memory_space<hbm>> -> memref<1x84x128xi32, #tpu.memory_space<hbm>>
      %dma_start3A_19 = tpu.memref_squeeze %dma_start3A_18 : memref<1x84x128xi32, #tpu.memory_space<hbm>> -> memref<84x128xi32, #tpu.memory_space<hbm>>
      tpu.enqueue_dma source(%dma_start3A_19 : memref<84x128xi32, #tpu.memory_space<hbm>>) target(%arg4 : memref<84x128xi32, #tpu.memory_space<vmem>>) target_semaphore(%run_scoped3A : memref<!tpu.dma_semaphore, #tpu.memory_space<semaphore_mem>>)
      %dma_wait3A = arith.constant 0 : i32
      %dma_wait3A_20 = arith.constant 0 : i32
      %dma_wait3A_21 = tpu.memref_slice %arg2[%add3A, %dma_wait3A, %dma_wait3A_20] : memref<32x84x128xi32, #tpu.memory_space<hbm>> -> memref<1x84x128xi32, #tpu.memory_space<hbm>>
      %dma_wait3A_22 = tpu.memref_squeeze %dma_wait3A_21 : memref<1x84x128xi32, #tpu.memory_space<hbm>> -> memref<84x128xi32, #tpu.memory_space<hbm>>
      %dma_wait3A_23 = arith.constant 0 : i32
      %dma_wait3A_24 = arith.constant 0 : i32
      %dma_wait3A_25 = tpu.memref_slice %arg2[%add3A, %dma_wait3A_23, %dma_wait3A_24] : memref<32x84x128xi32, #tpu.memory_space<hbm>> -> memref<1x84x128xi32, #tpu.memory_space<hbm>>
      %dma_wait3A_26 = tpu.memref_squeeze %dma_wait3A_25 : memref<1x84x128xi32, #tpu.memory_space<hbm>> -> memref<84x128xi32, #tpu.memory_space<hbm>>
      tpu.wait_dma2 semaphore(%run_scoped3A : memref<!tpu.dma_semaphore, #tpu.memory_space<semaphore_mem>>) src(%dma_wait3A_26 : memref<84x128xi32, #tpu.memory_space<hbm>>) dst(%arg4 : memref<84x128xi32, #tpu.memory_space<vmem>>)
      tpu.yield
    }) : () -> ()
    %scan3A = arith.constant 0 : i32
    %scan3A_1 = arith.constant 0 : i32
    %scan3A_2 = arith.constant 640 : i32
    %scan3A_3 = arith.addi %scan3A_1, %scan3A_2 : i32
    %scan3A_4 = arith.constant 1 : i32
    scf.for %scan3A_13 = %scan3A_1 to %scan3A_3 step %scan3A_4  : i32 {
      %broadcast_in_dim3A_14 = arith.constant 0.000000e+00 : f32
      %broadcast_in_dim3A_15 = vector.broadcast %broadcast_in_dim3A_14 : f32 to vector<16xf32>
      %mul3A_16 = arith.constant 16 : i32
      %mul3A_17 = arith.muli %scan3A_13, %mul3A_16 : i32
      %swap3A = arith.index_cast %mul3A_17 : i32 to index
      %swap3A_18 = tpu.vector_load %arg5[%swap3A] {strides = array<i32>} : memref<10240xf32, #tpu.memory_space<vmem>>, vector<16xf32>,
      tpu.vector_store %arg5[%swap3A], %broadcast_in_dim3A_15 {strides = array<i32>} : memref<10240xf32, #tpu.memory_space<vmem>>, vector<16xf32>,
    }
    %scan3A_5 = arith.constant 640 : i32
    %broadcast_in_dim3A = arith.constant 1.000000e+00 : f32
    %broadcast_in_dim3A_6 = vector.broadcast %broadcast_in_dim3A : f32 to vector<16xf32>
    %scan3A_7 = arith.constant 0 : i32
    %scan3A_8 = arith.constant 0 : i32
    %scan3A_9 = arith.constant 672 : i32
    %scan3A_10 = arith.addi %scan3A_8, %scan3A_9 : i32
    %scan3A_11 = arith.constant 1 : i32
    scf.for %scan3A_13 = %scan3A_8 to %scan3A_10 step %scan3A_11  : i32 {
      %jit3A = arith.constant 8 : i32
      %div3A = arith.divsi %scan3A_13, %jit3A : i32
      %sign3A = arith.constant 0 : i32
      %sign3A_14 = arith.cmpi sgt, %scan3A_13, %sign3A : i32
      %sign3A_15 = arith.extui %sign3A_14 : i1 to i32
      %sign3A_16 = arith.constant 0 : i32
      %sign3A_17 = arith.cmpi slt, %scan3A_13, %sign3A_16 : i32
      %sign3A_18 = arith.extui %sign3A_17 : i1 to i32
      %sign3A_19 = arith.subi %sign3A_15, %sign3A_18 : i32
      %sign3A_20 = arith.constant 0 : i32
      %sign3A_21 = arith.cmpi sgt, %jit3A, %sign3A_20 : i32
      %sign3A_22 = arith.extui %sign3A_21 : i1 to i32
      %sign3A_23 = arith.constant 0 : i32
      %sign3A_24 = arith.cmpi slt, %jit3A, %sign3A_23 : i32
      %sign3A_25 = arith.extui %sign3A_24 : i1 to i32
      %sign3A_26 = arith.subi %sign3A_22, %sign3A_25 : i32
      %ne3A = arith.cmpi ne, %sign3A_19, %sign3A_26 : i32
      %rem3A = arith.remsi %scan3A_13, %jit3A : i32
      %ne3A_27 = arith.constant 0 : i32
      %ne3A_28 = arith.cmpi ne, %rem3A, %ne3A_27 : i32
      %and3A = arith.andi %ne3A, %ne3A_28 : i1
      %sub3A = arith.constant 1 : i32
      %sub3A_29 = arith.subi %div3A, %sub3A : i32
      %select_n3A = arith.select %and3A, %sub3A_29, %div3A : i32
      %jit3A_30 = arith.constant 8 : i32
      %eq3A = arith.constant 0 : i32
      %eq3A_31 = arith.cmpi eq, %jit3A_30, %eq3A : i32
      %jit3A_32 = arith.constant 1 : i32
      %select_n3A_33 = arith.select %eq3A_31, %jit3A_32, %jit3A_30 : i32
      %rem3A_34 = arith.remsi %scan3A_13, %select_n3A_33 : i32
      %ne3A_35 = arith.constant 0 : i32
      %ne3A_36 = arith.cmpi ne, %rem3A_34, %ne3A_35 : i32
      %lt3A = arith.constant 0 : i32
      %lt3A_37 = arith.cmpi slt, %rem3A_34, %lt3A : i32
      %lt3A_38 = arith.constant 0 : i32
      %lt3A_39 = arith.cmpi slt, %select_n3A_33, %lt3A_38 : i32
      %ne3A_40 = arith.xori %lt3A_37, %lt3A_39 : i1
      %and3A_41 = arith.andi %ne3A_40, %ne3A_36 : i1
      %add3A_42 = arith.addi %rem3A_34, %select_n3A_33 : i32
      %select_n3A_43 = arith.select %and3A_41, %add3A_42, %rem3A_34 : i32
      %mul3A_44 = arith.constant 16 : i32
      %mul3A_45 = arith.muli %select_n3A_43, %mul3A_44 : i32
      %get3A = arith.index_cast %select_n3A : i32 to index
      %get3A_46 = arith.index_cast %mul3A_45 : i32 to index
      %get3A_47 = tpu.vector_load %arg4[%get3A, %get3A_46] {strides = array<i32>} : memref<84x128xi32, #tpu.memory_space<vmem>>, vector<16xi32>,
      tpu.vector_store_idx %arg5[%get3A_47], %broadcast_in_dim3A_6 {add = true} : memref<10240xf32, #tpu.memory_space<vmem>>[vector<16xi32>], vector<16xf32>,
    }
    %scan3A_12 = arith.constant 672 : i32
    "tpu.region"() ({
      %run_scoped3A = tpu.sem_alloc : memref<!tpu.dma_semaphore, #tpu.memory_space<semaphore_mem>>
      %dma_start3A = arith.constant 0 : i32
      %dma_start3A_13 = tpu.memref_slice %arg3[%add3A, %dma_start3A] : memref<32x10240xf32, #tpu.memory_space<hbm>> -> memref<1x10240xf32, #tpu.memory_space<hbm>>
      %dma_start3A_14 = tpu.memref_squeeze %dma_start3A_13 : memref<1x10240xf32, #tpu.memory_space<hbm>> -> memref<10240xf32, #tpu.memory_space<hbm>>
      %dma_start3A_15 = arith.constant 0 : i32
      %dma_start3A_16 = tpu.memref_slice %arg3[%add3A, %dma_start3A_15] : memref<32x10240xf32, #tpu.memory_space<hbm>> -> memref<1x10240xf32, #tpu.memory_space<hbm>>
      %dma_start3A_17 = tpu.memref_squeeze %dma_start3A_16 : memref<1x10240xf32, #tpu.memory_space<hbm>> -> memref<10240xf32, #tpu.memory_space<hbm>>
      tpu.enqueue_dma source(%arg5 : memref<10240xf32, #tpu.memory_space<vmem>>) target(%dma_start3A_17 : memref<10240xf32, #tpu.memory_space<hbm>>) target_semaphore(%run_scoped3A : memref<!tpu.dma_semaphore, #tpu.memory_space<semaphore_mem>>)
      %dma_wait3A = arith.constant 0 : i32
      %dma_wait3A_18 = tpu.memref_slice %arg3[%add3A, %dma_wait3A] : memref<32x10240xf32, #tpu.memory_space<hbm>> -> memref<1x10240xf32, #tpu.memory_space<hbm>>
      %dma_wait3A_19 = tpu.memref_squeeze %dma_wait3A_18 : memref<1x10240xf32, #tpu.memory_space<hbm>> -> memref<10240xf32, #tpu.memory_space<hbm>>
      %dma_wait3A_20 = arith.constant 0 : i32
      %dma_wait3A_21 = tpu.memref_slice %arg3[%add3A, %dma_wait3A_20] : memref<32x10240xf32, #tpu.memory_space<hbm>> -> memref<1x10240xf32, #tpu.memory_space<hbm>>
      %dma_wait3A_22 = tpu.memref_squeeze %dma_wait3A_21 : memref<1x10240xf32, #tpu.memory_space<hbm>> -> memref<10240xf32, #tpu.memory_space<hbm>>
      tpu.wait_dma2 semaphore(%run_scoped3A : memref<!tpu.dma_semaphore, #tpu.memory_space<semaphore_mem>>) src(%arg5 : memref<10240xf32, #tpu.memory_space<vmem>>) dst(%dma_wait3A_22 : memref<10240xf32, #tpu.memory_space<hbm>>)
      tpu.yield
    }) : () -> ()
    return
  }
}

module attributes {stable_mosaic.version = 14 : i64} {
  func.func @_mm_body(%arg0: i32, %arg1: memref<1000x128xf32, #tpu.memory_space<vmem>>, %arg2: memref<128x128xf32, #tpu.memory_space<vmem>>, %arg3: memref<1000x32xf32, #tpu.memory_space<vmem>>, %arg4: memref<1000x128xf32, #tpu.memory_space<vmem>>) attributes {dimension_semantics = [#tpu.dimension_semantics<arbitrary>], iteration_bounds = array<i64: 10>, scalar_prefetch = 0 : i64, scratch_operands = 0 : i64, tpu.core_type = #tpu.core_type<tc>, window_params = [{transform_indices = @transform_0, window_bounds = array<i64: 1000, 128>}, {pipeline_mode = #tpu.pipeline_mode<synchronous>, transform_indices = @transform_1, window_bounds = array<i64: 128, 128>}, {transform_indices = @transform_2, window_bounds = array<i64: 1000, 32>}, {transform_indices = @transform_3, window_bounds = array<i64: 1000, 128>}]} {
    %get3A = arith.constant 0 : index
    %get3A_0 = arith.constant 0 : index
    %get3A_1 = vector.load %arg3[%get3A, %get3A_0] : memref<1000x32xf32, #tpu.memory_space<vmem>>, vector<1000x32xf32>
    %reduce_sum3A = arith.constant dense<0.000000e+00> : vector<1000xf32>
    %reduce_sum3A_2 = vector.multi_reduction <add>, %get3A_1, %reduce_sum3A [1] : vector<1000x32xf32> to vector<1000xf32>
    %rsqrt3A = math.rsqrt %reduce_sum3A_2 : vector<1000xf32>
    %get3A_3 = arith.constant 0 : index
    %get3A_4 = arith.constant 0 : index
    %get3A_5 = vector.load %arg1[%get3A_3, %get3A_4] : memref<1000x128xf32, #tpu.memory_space<vmem>>, vector<1000x128xf32>
    %get3A_6 = arith.constant 0 : index
    %get3A_7 = arith.constant 0 : index
    %get3A_8 = vector.load %arg2[%get3A_6, %get3A_7] : memref<128x128xf32, #tpu.memory_space<vmem>>, vector<128x128xf32>
    %dot_general3A = arith.constant dense<0.000000e+00> : vector<1000x128xf32>
    %dot_general3A_9 = tpu.matmul %get3A_5, %get3A_8, %dot_general3A {dimension_numbers = #tpu.dot_dimension_numbers<[1], [0], [0], [1], [0, 0, 1, 1], [], []>, transpose_lhs_hint = false} : vector<1000x128xf32>, vector<128x128xf32>, vector<1000x128xf32> -> vector<1000x128xf32>
    %broadcast_in_dim3A = vector.shape_cast %rsqrt3A : vector<1000xf32> to vector<1000x1xf32>
    %mul3A = vector.broadcast %broadcast_in_dim3A : vector<1000x1xf32> to vector<1000x128xf32>
    %mul3A_10 = arith.mulf %dot_general3A_9, %mul3A : vector<1000x128xf32>
    %swap3A = arith.constant 0 : index
    %swap3A_11 = arith.constant 0 : index
    %swap3A_12 = vector.load %arg4[%swap3A, %swap3A_11] : memref<1000x128xf32, #tpu.memory_space<vmem>>, vector<1000x128xf32>
    tpu.vector_store %arg4[%swap3A, %swap3A_11], %mul3A_10 {strides = array<i32>} : memref<1000x128xf32, #tpu.memory_space<vmem>>, vector<1000x128xf32>,
    return
  }
  func.func @transform_0(%arg0: i32) -> (i32, i32) {
    %c0_i32 = arith.constant 0 : i32
    %c0_i32_0 = arith.constant 0 : i32
    return %arg0, %c0_i32 : i32, i32
  }
  func.func @transform_1(%arg0: i32) -> (i32, i32) {
    %c0_i32 = arith.constant 0 : i32
    %c0_i32_0 = arith.constant 0 : i32
    %c0_i32_1 = arith.constant 0 : i32
    return %c0_i32, %c0_i32_0 : i32, i32
  }
  func.func @transform_2(%arg0: i32) -> (i32, i32) {
    %c0_i32 = arith.constant 0 : i32
    %c0_i32_0 = arith.constant 0 : i32
    return %arg0, %c0_i32 : i32, i32
  }
  func.func @transform_3(%arg0: i32) -> (i32, i32) {
    %c0_i32 = arith.constant 0 : i32
    %c0_i32_0 = arith.constant 0 : i32
    return %arg0, %c0_i32 : i32, i32
  }
}

module attributes {stable_mosaic.version = 14 : i64} {
  func.func @_fin_body(%arg0: i32, %arg1: memref<2x1000x128xf32, #tpu.memory_space<vmem>>, %arg2: memref<1000x32xf32, #tpu.memory_space<vmem>>, %arg3: memref<1x128xf32, #tpu.memory_space<vmem>>, %arg4: memref<1000x128xf32, #tpu.memory_space<vmem>>) attributes {dimension_semantics = [#tpu.dimension_semantics<arbitrary>], iteration_bounds = array<i64: 10>, scalar_prefetch = 0 : i64, scratch_operands = 0 : i64, tpu.core_type = #tpu.core_type<tc>, window_params = [{transform_indices = @transform_0, window_bounds = array<i64: 2, 1000, 128>}, {transform_indices = @transform_1, window_bounds = array<i64: 1000, 32>}, {pipeline_mode = #tpu.pipeline_mode<synchronous>, transform_indices = @transform_2, window_bounds = array<i64: 1, 128>}, {transform_indices = @transform_3, window_bounds = array<i64: 1000, 128>}]} {
    %get3A = arith.constant 0 : index
    %get3A_0 = arith.constant 0 : index
    %get3A_1 = vector.load %arg2[%get3A, %get3A_0] : memref<1000x32xf32, #tpu.memory_space<vmem>>, vector<1000x32xf32>
    %reduce_sum3A = arith.constant dense<0.000000e+00> : vector<1000xf32>
    %reduce_sum3A_2 = vector.multi_reduction <add>, %get3A_1, %reduce_sum3A [1] : vector<1000x32xf32> to vector<1000xf32>
    %rsqrt3A = math.rsqrt %reduce_sum3A_2 : vector<1000xf32>
    %get3A_3 = arith.constant 0 : index
    %get3A_4 = arith.constant 0 : index
    %get3A_5 = arith.constant 0 : index
    %get3A_6 = vector.load %arg1[%get3A_3, %get3A_4, %get3A_5] : memref<2x1000x128xf32, #tpu.memory_space<vmem>>, vector<1x1000x128xf32>
    %get3A_7 = vector.shape_cast %get3A_6 : vector<1x1000x128xf32> to vector<1000x128xf32>
    %get3A_8 = arith.constant 1 : index
    %get3A_9 = arith.constant 0 : index
    %get3A_10 = arith.constant 0 : index
    %get3A_11 = vector.load %arg1[%get3A_8, %get3A_9, %get3A_10] : memref<2x1000x128xf32, #tpu.memory_space<vmem>>, vector<1x1000x128xf32>
    %get3A_12 = vector.shape_cast %get3A_11 : vector<1x1000x128xf32> to vector<1000x128xf32>
    %add3A = arith.addf %get3A_7, %get3A_12 : vector<1000x128xf32>
    %broadcast_in_dim3A = vector.shape_cast %rsqrt3A : vector<1000xf32> to vector<1000x1xf32>
    %mul3A = vector.broadcast %broadcast_in_dim3A : vector<1000x1xf32> to vector<1000x128xf32>
    %mul3A_13 = arith.mulf %add3A, %mul3A : vector<1000x128xf32>
    %get3A_14 = arith.constant 0 : index
    %get3A_15 = arith.constant 0 : index
    %get3A_16 = vector.load %arg3[%get3A_14, %get3A_15] : memref<1x128xf32, #tpu.memory_space<vmem>>, vector<1x128xf32>
    %add3A_17 = vector.broadcast %get3A_16 : vector<1x128xf32> to vector<1000x128xf32>
    %add3A_18 = arith.addf %mul3A_13, %add3A_17 : vector<1000x128xf32>
    %max3A = arith.constant 0.000000e+00 : f32
    %max3A_19 = vector.broadcast %max3A : f32 to vector<1000x128xf32>
    %max3A_20 = arith.maximumf %add3A_18, %max3A_19 : vector<1000x128xf32>
    %swap3A = arith.constant 0 : index
    %swap3A_21 = arith.constant 0 : index
    %swap3A_22 = vector.load %arg4[%swap3A, %swap3A_21] : memref<1000x128xf32, #tpu.memory_space<vmem>>, vector<1000x128xf32>
    tpu.vector_store %arg4[%swap3A, %swap3A_21], %max3A_20 {strides = array<i32>} : memref<1000x128xf32, #tpu.memory_space<vmem>>, vector<1000x128xf32>,
    return
  }
  func.func @transform_0(%arg0: i32) -> (i32, i32, i32) {
    %c0_i32 = arith.constant 0 : i32
    %c0_i32_0 = arith.constant 0 : i32
    %c0_i32_1 = arith.constant 0 : i32
    return %c0_i32, %arg0, %c0_i32_0 : i32, i32, i32
  }
  func.func @transform_1(%arg0: i32) -> (i32, i32) {
    %c0_i32 = arith.constant 0 : i32
    %c0_i32_0 = arith.constant 0 : i32
    return %arg0, %c0_i32 : i32, i32
  }
  func.func @transform_2(%arg0: i32) -> (i32, i32) {
    %c0_i32 = arith.constant 0 : i32
    %c0_i32_0 = arith.constant 0 : i32
    %c0_i32_1 = arith.constant 0 : i32
    return %c0_i32, %c0_i32_0 : i32, i32
  }
  func.func @transform_3(%arg0: i32) -> (i32, i32) {
    %c0_i32 = arith.constant 0 : i32
    %c0_i32_0 = arith.constant 0 : i32
    return %arg0, %c0_i32 : i32, i32
  }
}

</mosaic_0001>

<sc_bundles>
// kernel: kernel.6.cloned.1.call-start
scs
__scs_entry_jumppad:
0x0: {  	(pc) =	sbr.rel $0x88, $3  }
0x1: {  	(tag) =	ssettag $0x0;
	lr =	simm.s32 $0x1  }
0x2: {  	[smem:$0x3F9D] =	sst lr;
	_ =	strace $0xD0000000  }
0x3: {  	_ = 	snop  }
0x4: {  	_ = 	snop  }
0x5: {  	_ = 	snop  }
0x6: {  	_ = 	snop  }
0x7: {  	_ = 	snop  }
__scs_overlays_trampoline_lowered:
0x8: {  	[smem:$0x3FAC] =	sst s0  }
0x9: {  	[smem:$0x3FAD] =	sst s1  }
0xa: {  	[smem:$0x3FAE] =	sst s2  }
0xb: {  	[smem:$0x3FAF] =	sst s3  }
0xc: {  	[smem:$0x3FB0] =	sst s4  }
0xd: {  	[smem:$0x3FB1] =	sst s5  }
0xe: {  	[smem:$0x3FB2] =	sst s6  }
0xf: {  	[smem:$0x3FB3] =	sst s7  }
0x10: {  	[smem:$0x3FB4] =	sst s8  }
0x11: {  	[smem:$0x3FB5] =	sst s9;
	s0 =	simm.s32 @!p0 $0x0  }
0x12: {  	s1 =	sld [smem:$0x3F9B];
	s0 =	simm.s32 @p0 $0x1  }
0x13: {  	[smem:$0x3FB6] =	sst s0;
	s0 =	simm.s32 @!p1 $0x0  }
0x14: {  	s2 =	sld [smem:$0x3F9A];
	s0 =	simm.s32 @p1 $0x1  }
0x15: {  	[smem:$0x3FB7] =	sst s0;
	s0 =	simm.s32 @!p2 $0x0  }
0x16: {  	s3 =	sld [smem:$0x3FDB];
	s0 =	simm.s32 @p2 $0x1  }
0x17: {  	s4 =	simm.s32 $0x1BF5;
	[smem:$0x3FB9] =	sst s0  }
0x18: {  	s0 =	sld [smem:$0x3F9C];
	_ =	swait.ge [sflag:s4], $0x0  }
0x19: {  	s7 =	sld [smem:$0x3F9D]  }
0x1a: {  	s8 =	sadd.s32 $0xFFFFE003, lr  }
0x1b: {  	s9 =	sadd.s32 $0xFFFFFEF7, lr;
	s5 =	simm.s32 $0xFFFFFFFF;
	p2 =	slt.u32 s8, $0xFFFFF086  }
0x1c: {  	p1 =	slt.u32 s9, $0xF7A;
	s5 =	simm.s32 @!p2 $0x0  }
0x1d: {  	s5 =	simm.s32 @p1 $0x1;
	p0 =	seq.s32 s7, s2  }
0x1e: {  	s7 =	smul.u32 @!p0 $0xF7A, s2;
	p2 =	seq.s32 @!p0 s5, $0x0  }
0x1f: {  	s9 =	smul.u32 $0xF7A, s1;
	s8 =	simm.s32 @!p0 $0x1BF5;
	p2 =	por !p2, p0  }
0x20: {  	[sflag:s8] =	ssyncset.s32 @!p0 $0xFFFFF086;
	s6 =	sadd.s32 @!p0 s3, s7;
	s7 =	simm.s32 @!p0 $0x108  }
0x21: {  	s3 =	sadd.s32 s3, s9;
	s6 =	sadd.s32 @!p0 $0x88, s6;
	s7 =	simm.s32 @p2 $0x1082  }
0x22: {  	[simem:s7], [sflag:s8] =	dma.local @!p0 [hbm:s6], $0xF7A  }
0x23: {  	s9 =	sor.u32 $0xD0000000, s2;
	s6 =	simm.s32 $0x108;
	_ =	swait.ge @!p0 [sflag:s8], $0x0  }
0x24: {  	s3 =	sadd.s32 $0x88, s3;
	s6 =	simm.s32 @!p1 $0x1082;
	[sflag:s4] =	ssyncset.s32 $0xFFFFF086  }
0x25: {  	[simem:s6], [sflag:s4] =	dma.local [hbm:s3], $0xF7A  }
0x26: {  	[smem:$0x3F9D] =	sst s1;
	(tag) =	ssettag s2;
	_ =	strace s9  }
0x27: {  	s1 =	sld [smem:$0x3FAD]  }
0x28: {  	s2 =	sld [smem:$0x3FAE]  }
0x29: {  	s4 =	sld [smem:$0x3FB0]  }
0x2a: {  	p0 =	seq.s32 s5, $0x0;
	s5 =	sld [smem:$0x3FB1]  }
0x2b: {  	s6 =	sld [smem:$0x3FB2]  }
0x2c: {  	s7 =	sld [smem:$0x3FB3]  }
0x2d: {  	s3 =	simm.s32 $0x108;
	s8 =	sld [smem:$0x3FB4]  }
0x2e: {  	s3 =	simm.s32 @!p0 $0x1082;
	s9 =	sld [smem:$0x3FB5]  }
0x2f: {  	lr =	sadd.s32 s0, s3;
	s0 =	sld [smem:$0x3FAC]  }
0x30: {  	s3 =	sld [smem:$0x3FAF]  }
0x31: {  	[smem:$0x3FB8] =	sst s10  }
0x32: {  	s10 =	sld [smem:$0x3FB6];
	_ =	sdelay $0x3  }
0x33: {  	p0 =	seq.s32 s10, $0x1;
	s10 =	sld [smem:$0x3FB8];
	_ =	sdelay $0x3  }
0x34: {  	[smem:$0x3FB8] =	sst s10  }
0x35: {  	s10 =	sld [smem:$0x3FB7];
	_ =	sdelay $0x3  }
0x36: {  	p1 =	seq.s32 s10, $0x1;
	s10 =	sld [smem:$0x3FB8];
	_ =	sdelay $0x3  }
0x37: {  	[smem:$0x3FB8] =	sst s10  }
0x38: {  	s10 =	sld [smem:$0x3FB9]  }
0x39: {  	_ = 	snop;
	(pc) =	sbr.ind lr, $3  }
0x3a: {  	_ = 	snop  }
0x3b: {  	_ = 	snop  }
0x3c: {  	p2 =	seq.s32 s10, $0x1;
	s10 =	sld [smem:$0x3FB8]  }
0x3d: {  	_ =	shalt  }
0x3e: {  	_ =	shalt  }
0x3f: {  	_ =	shalt  }
0x40: {  	_ =	shalt  }
0x41: {  	_ =	shalt  }
0x42: {  	_ =	shalt  }
0x43: {  	_ =	shalt  }
0x44: {  	_ =	shalt  }
0x45: {  	_ =	shalt  }
0x46: {  	_ =	shalt  }
0x47: {  	_ =	shalt  }
0x48: {  	_ =	shalt  }
0x49: {  	_ =	shalt  }
0x4a: {  	_ =	shalt  }
0x4b: {  	_ =	shalt  }
0x4c: {  	_ =	shalt  }
0x4d: {  	_ =	shalt  }
0x4e: {  	_ =	shalt  }
0x4f: {  	_ =	shalt  }
0x50: {  	_ =	shalt  }
0x51: {  	_ =	shalt  }
0x52: {  	_ =	shalt  }
0x53: {  	_ =	shalt  }
0x54: {  	_ =	shalt  }
0x55: {  	_ =	shalt  }
0x56: {  	_ =	shalt  }
0x57: {  	_ =	shalt  }
0x58: {  	_ =	shalt  }
0x59: {  	_ =	shalt  }
0x5a: {  	_ =	shalt  }
0x5b: {  	_ =	shalt  }
0x5c: {  	_ =	shalt  }
0x5d: {  	_ =	shalt  }
0x5e: {  	_ =	shalt  }
0x5f: {  	_ =	shalt  }
0x60: {  	_ =	shalt  }
0x61: {  	_ =	shalt  }
0x62: {  	_ =	shalt  }
0x63: {  	_ =	shalt  }
0x64: {  	_ =	shalt  }
0x65: {  	_ =	shalt  }
0x66: {  	_ =	shalt  }
0x67: {  	_ =	shalt  }
0x68: {  	_ =	shalt  }
0x69: {  	_ =	shalt  }
0x6a: {  	_ =	shalt  }
0x6b: {  	_ =	shalt  }
0x6c: {  	_ =	shalt  }
0x6d: {  	_ =	shalt  }
0x6e: {  	_ =	shalt  }
0x6f: {  	_ =	shalt  }
0x70: {  	_ =	shalt  }
0x71: {  	_ =	shalt  }
0x72: {  	_ =	shalt  }
0x73: {  	_ =	shalt  }
0x74: {  	_ =	shalt  }
0x75: {  	_ =	shalt  }
0x76: {  	_ =	shalt  }
0x77: {  	_ =	shalt  }
0x78: {  	_ =	shalt  }
0x79: {  	_ =	shalt  }
0x7a: {  	_ =	shalt  }
0x7b: {  	_ =	shalt  }
0x7c: {  	_ =	shalt  }
0x7d: {  	_ =	shalt  }
0x7e: {  	_ =	shalt  }
0x7f: {  	_ =	shalt  }
0x80: {  	_ =	shalt  }
0x81: {  	_ =	shalt  }
0x82: {  	_ =	shalt  }
0x83: {  	_ =	shalt  }
0x84: {  	_ =	shalt  }
0x85: {  	_ =	shalt  }
0x86: {  	_ =	shalt  }
0x87: {  	_ =	shalt  }
.Lfunc_end0:
.L_simem_size_0:
called_computation_lowered:
.L_overlay_start_0:
0x88: {  	s2 =	sld [smem:$0x3FD9]  }
0x89: {  	s3 =	sld [smem:$0x3FFE];
	_ =	sdelay $0x1  }
0x8a: {  	s1 =	srdreg.scid  }
0x8b: {  	s0 =	sand.u32 $0x1, s1  }
0x8c: {  	s17 =	sshll.u32 s0, $0xA;
	s2 =	sadd.s32 s3, s2  }
0x8d: {  	s2 =	sadd.s32 s2, s17  }
0x8e: {  	[smem:$0x3FC4] =	sst s2  }
0x8f: {  	_ = 	snop  }
0x90: {  	s2 =	sld [smem:$0x3FD0];
	(tm) =	ssettm $0x1  }
0x91: {  	s18 =	sld [smem:$0x3FFB];
	_ =	sdelay $0x3  }
0x92: {  	_ =	strace s18  }
0x93: {  	s3 =	sld [smem:$0x3FFC];
	_ =	sdelay $0x3  }
0x94: {  	_ =	strace s3  }
0x95: {  	s3 =	sld [smem:$0x3FFD];
	_ =	sdelay $0x3  }
0x96: {  	_ =	strace s3  }
0x97: {  	_ =	strace $0x8FFFFFFF  }
0x98: {  	s19 =	sld [smem:$0x3FDB];
	_ =	sdelay $0x1  }
0x99: {  	s4 =	simm.s32 $_scs_section_size  }
0x9a: {  	s5 =	simm.s32 $_size__tile_overlayer_lowered;
	s6 =	simm.s32 $_tile_overlayer_lowered  }
0x9b: {  	s22 =	simm.s32 $0x1BFF;
	s21 =	sshll.u32 s6, $0x1;
	s3 =	sadd.s32 s4, s19  }
0x9c: {  	s7 =	simm.s32 $0x0;
	s20 =	sshll.u32 s5, $0x1;
	s5 =	sadd.s32 s21, s3  }
0x9d: {  	[timem:s7], [sflag:s22] =	dma.local [hbm:s5], s20  }
0x9e: {  	_ =	swait.ge [sflag:s22], s20  }
0x9f: {  	s4 =	ssub.s32 $0x0, s20;
	[sflag:s22] =	ssyncset.done $0x0  }
0xa0: {  	[sflag:s22] =	ssyncadd.s32 s4;
	_ =	sdelay $0x1  }
0xa1: {  	s23 =	simm.s32 $0x1B8B  }
0xa2: {  	_ =	swait.ge [sflag:s23], $0x1  }
0xa3: {  	[sflag:s23] =	ssyncset.done $0x0  }
0xa4: {  	s25 =	simm.s32 $0x1B8E;
	s24 =	sld [smem:$0x3FFE];
	[sflag:s23] =	ssyncadd.s32 $0xFFFFFFFF  }
0xa5: {  	s26 =	simm.s32 $execute0_lowered;
	[smem:$0x3FD2] =	sst s25  }
0xa6: {  	s5 =	sshll.u32 s26, $0x1;
	_ =	strace $0x80000046;
	[dreg:$0x1] =	wrdreg $0xFFFFFFFF  }
0xa7: {  	s28 =	simm.s32 $_size_execute0_lowered;
	s3 =	sadd.s32 s3, s5;
	[dreg:$0x0] =	wrdreg $0x0  }
0xa8: {  	s5 =	sshll.u32 s28, $0x1;
	[dreg:$0x2] =	wrdreg s3  }
0xa9: {  	[dreg:$0x3] =	wrdreg s5  }
0xaa: {  	[dreg:$0x4] =	wrdreg $0xC0  }
0xab: {  	_ =	task [dreg:s7], $0x5FFFF  }
0xac: {  	[dreg:$0x1] =	wrdreg $0xFFFFFFFF  }
0xad: {  	[dreg:$0x0] =	wrdreg $0x60  }
0xae: {  	[dreg:$0x2] =	wrdreg s2  }
0xaf: {  	[dreg:$0x3] =	wrdreg s24  }
0xb0: {  	[dreg:$0x4] =	wrdreg $0x9  }
0xb1: {  	_ =	task.clear_ibuf [dreg:s7], $0x5FFFF;
	_ =	strace $0x90000046  }
0xb2: {  	s29 =	simm.s32 $0x9;
	_ =	strace $0x80000048  }
0xb3: {  	_ =	swait.ge [sflag:s29], $0x1  }
0xb4: {  	[sflag:s29] =	ssyncadd.s32 $0xFFFFFFFF  }
0xb5: {  	_ =	strace $0x90000048  }
0xb6: {  	_ =	sfence  }
0xb7: {  	s30 =	sld [smem:$0x0];
	_ =	sdelay $0x2  }
0xb8: {  	s31 =	sshll.u32 s1, $0xD;
	s1 =	sshrl.u32 s1, $0x2  }
0xb9: {  	s3 =	sand.u32 $0x4000, s31;
	s1 =	sadd.s32 s1, s30  }
0xba: {  	s0 =	sor.u32 s3, s0;
	s1 =	sshll.u32 s1, $0x11  }
0xbb: {  	s0 =	sor.u32 s1, s0  }
0xbc: {  	s0 =	sadd.s32 $0x8F2B, s0  }
0xbd: {  	[sflag:s0] =	ssyncadd.remote.s32 $0x1  }
0xbe: {  	_ =	sfence.sel $0xFFFF  }
0xbf: {  	[dreg:$0x0] =	wrdreg $0xFFFFFFFF;
	(pc) =	sbr.abs _section_cstart, $3  }
0xc0: {  	[dreg:$0x1] =	wrdreg $0xFFFFFFFF  }
0xc1: {  	_ =	task.clear_ibuf [dreg:s7], $0x2FFFF;
	_ =	strace $0x9FFFFFFF  }
0xc2: {  	(tm) =	ssettm $0x7FFFFFFF  }
0xc3: {  	_ =	shalt  }
tec
execute0_lowered:
.L_overlay_start_1:
0x0: {  	(tag) =	ssettag $0x1  }
0x1: {  	s1 =	srdreg.scid  }
0x2: {  	s0 =	stileid.u32;
	s4 =	rddreg [dreg:$0x0]  }
0x3: {  	s6 =	rddreg [dreg:$0x1];
	s3 =	sand.u32 $0x1, s1;
	s29 =	sshll.u32 s0, $0x1  }
0x4: {  	s2 =	simm.s32 $0x0;
	s30 =	sshrl.u32 s0, $0x2;
	s5 =	sor.u32 s3, s29  }
0x5: {  	s9 =	simm.s32 $0x400;
	s7 =	smul.u32 $0x14000, s30;
	s8 =	sshll.u32 s5, $0x7  }
0x6: {  	s10 =	simm.s32 $0x0;
	s1 =	rddreg [dreg:$0x2];
	s8 =	sand.u32 $0x380, s8  }
0x7: {  	[smem:$0x7FF] =	sst s2;
	s3 =	ssub.s32 $0x2, s3;
	s7 =	sor.u32 s7, s8  }
0x8: {  	_ =	strace $0x80000047;
	s5 =	smul.u32 $0x580, s5;
	s7 =	sshrl.u32 s7, $0x3  }
0x9: {  	s31 =	sshrl.u32 s3, $0x1;
	s8 =	simm.s32 $0x80;
	s6 =	sadd.s32 s7, s6  }
0xa: {  	s7 =	ssub.s32 s3, s31;
	s3 =	sadd.s32 s4, s5;
	s4 =	sadd.s32 $0x1000, s6  }
0xb: {  	v0 =	vimm.f32 $0.0e+00;
	v1 =	vimm.f32 $1.000000000e+00;
	s5 =	smax.u32 s7, $0x1;
	s6 =	simm.s32 $0x1;
	s7 =	simm.s32 $0x2C00  }
.LBB2_1:
0xc: {  	[tilespmem:s2], [sflag:$0x1] =	stream.linear.gather [hbm4b:s3+s2], $0x2A00, $0x38;
	[tilespmem:$0x5400] =	vst v63  }
0xd: {  	_ =	swait.ge [sflag:s6], $0x2A00  }
0xe: {  	[sflag:s6] =	ssyncset.done $0x0  }
0xf: {  	s11 =	simm.s32 $0x0;
	[sflag:s6] =	ssyncadd.s32 $0xFFFFD600  }
.LBB2_2:
0x10: {  	p0 =	sne.s32 s11, $0x9FC0  }
.Ltmp0:
0x11: {  	_ = 	snop;
	(pc) =	sbr.rel @p0 .LBB2_2-.Ltmp0, $3  }
0x12: {  	_ =	sdelay $0x1  }
0x13: {  	s12 =	sshra.s32 s11, $0x2  }
0x14: {  	s11 =	sadd.s32 $0x40, s11;
	[tilespmem:s12+$0x2C00] =	vst v0  }
0x15: {  	s11 =	simm.s32 $0x0  }
0x16: {  	s12 =	sand.u32 $0xFE00, s11  }
0x17: {  	s11 =	sand.u32 $0x70, s11;
	s12 =	sshrl.u32 s12, $0x2  }
0x18: {  	s11 =	sor.u32 s11, s12  }
0x19: {  	v2 =	vld [tilespmem:s11+$0x0];
	_ =	sdelay $0x4  }
0x1a: {  	s13 =	simm.s32 $0x40  }
0x1b: {  	s13 =	sand.u32 $0xFE00, s13;
	s12 =	simm.s32 $0x80;
	s11 =	simm.s32 $0x10  }
.LBB2_4:
0x1c: {  	p0 =	sne.s32 s12, $0xA7C0;
	s14 =	sand.u32 $0x70, s11;
	s13 =	sshrl.u32 s13, $0x2  }
0x1d: {  	s13 =	sor.u32 s14, s13;
	[tilespmem:v2+s7+$0x0] =	vst.idx.add.f32.msk $0xffff, v1  }
0x1e: {  	v2 =	vld [tilespmem:s13+$0x0];
	_ =	sdelay $0x1  }
.Ltmp1:
0x1f: {  	(pc) =	sbr.rel @p0 .LBB2_4-.Ltmp1, $2  }
0x20: {  	_ =	sdelay $0x2  }
0x21: {  	s11 =	sadd.s32 $0x10, s11;
	s13 =	sand.u32 $0xFE00, s12;
	s12 =	sadd.s32 $0x40, s12  }
0x22: {  	_ =	sdelay $0x2  }
0x23: {  	s11 =	sand.u32 $0x70, s11;
	s12 =	sshrl.u32 s13, $0x2  }
0x24: {  	[tilespmem:v2+s7+$0x0] =	vst.idx.add.f32.msk $0xffff, v1;
	s11 =	sor.u32 s11, s12  }
0x25: {  	v2 =	vld [tilespmem:s11+$0x0];
	_ =	sdelay $0x5  }
0x26: {  	s10 =	sadd.s32 $0x1, s10  }
0x27: {  	p0 =	sne.s32 s10, s5  }
.Ltmp2:
0x28: {  	[tilespmem:v2+s7+$0x0] =	vst.idx.add.f32.msk $0xffff, v1;
	(pc) =	sbr.rel @p0 .LBB2_1-.Ltmp2, $4  }
0x29: {  	[hbm4b:s4+s8] =	stream.strided.scatter [tilespmem:s7], [sflag:$0x1], $0x2800, s9, s8, $0x38;
	[tilespmem:$0x5400] =	vst v63  }
0x2a: {  	_ =	swait.ge [sflag:s6], $0x2800  }
0x2b: {  	[sflag:s6] =	ssyncset.done $0x0  }
0x2c: {  	[sflag:s6] =	ssyncadd.s32 $0xFFFFD800  }
0x2d: {  	_ =	sfence.sel $0x180000  }
0x2e: {  	[bflag:$0x0] =	sbarrier.arrive $0xFFFF  }
0x2f: {  	p0 =	sne.s32 s0, $0x0;
	_ =	strace $0x90000047  }
0x30: {  	s0 =	sadd.s32 @!p0 $0x100000, s1;
	[bflag:$0x2] =	sbarrier.arrive $0xFFFF  }
0x31: {  	[sflag:s0] =	ssyncadd.tile.s32 @!p0 $0x1;
	_ =	shalt  }
.Lfunc_end2:
_tile_overlayer_lowered:
.L_overlay_start_2:
0x32: {  	(tag) =	ssettag $0x2  }
0x33: {  	s0 =	rddreg [dreg:$0x0];
	s2 =	stileid.u32  }
0x34: {  	s1 =	rddreg [dreg:$0x1];
	p0 =	sne.s32 s2, $0x0  }
0x35: {  	s3 =	rddreg [dreg:$0x2];
	[bflag:$0x3] =	sbarrier.arrive $0xFFFF;
	s2 =	simm.s32 @!p0 $0x1C01  }
0x36: {  	[timem:s3], [sflag:s2] =	dma.local @!p0 [hbm:s0], s1  }
0x37: {  	s0 =	simm.s32 @!p0 $0x1  }
0x38: {  	_ =	swait.ge @!p0 [sflag:s0], s1  }
0x39: {  	s1 =	ssub.s32 @!p0 $0x0, s1;
	[sflag:s0] =	ssyncset.done @!p0 $0x0  }
0x3a: {  	[sflag:s0] =	ssyncadd.s32 @!p0 s1  }
0x3b: {  	[bflag:$0x3] =	sbarrier.arrive $0xFFFF  }
0x3c: {  	_ =	shalt  }

// kernel: kernel.9.cloned.1.call-start
scs
__scs_entry_jumppad:
0x0: {  	(pc) =	sbr.rel $0x88, $3  }
0x1: {  	(tag) =	ssettag $0x0;
	lr =	simm.s32 $0x1  }
0x2: {  	[smem:$0x3F9D] =	sst lr;
	_ =	strace $0xD0000000  }
0x3: {  	_ = 	snop  }
0x4: {  	_ = 	snop  }
0x5: {  	_ = 	snop  }
0x6: {  	_ = 	snop  }
0x7: {  	_ = 	snop  }
__scs_overlays_trampoline_lowered:
0x8: {  	[smem:$0x3FAC] =	sst s0  }
0x9: {  	[smem:$0x3FAD] =	sst s1  }
0xa: {  	[smem:$0x3FAE] =	sst s2  }
0xb: {  	[smem:$0x3FAF] =	sst s3  }
0xc: {  	[smem:$0x3FB0] =	sst s4  }
0xd: {  	[smem:$0x3FB1] =	sst s5  }
0xe: {  	[smem:$0x3FB2] =	sst s6  }
0xf: {  	[smem:$0x3FB3] =	sst s7  }
0x10: {  	[smem:$0x3FB4] =	sst s8  }
0x11: {  	[smem:$0x3FB5] =	sst s9;
	s0 =	simm.s32 @!p0 $0x0  }
0x12: {  	s1 =	sld [smem:$0x3F9B];
	s0 =	simm.s32 @p0 $0x1  }
0x13: {  	[smem:$0x3FB6] =	sst s0;
	s0 =	simm.s32 @!p1 $0x0  }
0x14: {  	s2 =	sld [smem:$0x3F9A];
	s0 =	simm.s32 @p1 $0x1  }
0x15: {  	[smem:$0x3FB7] =	sst s0;
	s0 =	simm.s32 @!p2 $0x0  }
0x16: {  	s3 =	sld [smem:$0x3FDB];
	s0 =	simm.s32 @p2 $0x1  }
0x17: {  	s4 =	simm.s32 $0x1BF5;
	[smem:$0x3FB9] =	sst s0  }
0x18: {  	s0 =	sld [smem:$0x3F9C];
	_ =	swait.ge [sflag:s4], $0x0  }
0x19: {  	s7 =	sld [smem:$0x3F9D]  }
0x1a: {  	s8 =	sadd.s32 $0xFFFFE003, lr  }
0x1b: {  	s9 =	sadd.s32 $0xFFFFFEF7, lr;
	s5 =	simm.s32 $0xFFFFFFFF;
	p2 =	slt.u32 s8, $0xFFFFF086  }
0x1c: {  	p1 =	slt.u32 s9, $0xF7A;
	s5 =	simm.s32 @!p2 $0x0  }
0x1d: {  	s5 =	simm.s32 @p1 $0x1;
	p0 =	seq.s32 s7, s2  }
0x1e: {  	s7 =	smul.u32 @!p0 $0xF7A, s2;
	p2 =	seq.s32 @!p0 s5, $0x0  }
0x1f: {  	s9 =	smul.u32 $0xF7A, s1;
	s8 =	simm.s32 @!p0 $0x1BF5;
	p2 =	por !p2, p0  }
0x20: {  	[sflag:s8] =	ssyncset.s32 @!p0 $0xFFFFF086;
	s6 =	sadd.s32 @!p0 s3, s7;
	s7 =	simm.s32 @!p0 $0x108  }
0x21: {  	s3 =	sadd.s32 s3, s9;
	s6 =	sadd.s32 @!p0 $0x88, s6;
	s7 =	simm.s32 @p2 $0x1082  }
0x22: {  	[simem:s7], [sflag:s8] =	dma.local @!p0 [hbm:s6], $0xF7A  }
0x23: {  	s9 =	sor.u32 $0xD0000000, s2;
	s6 =	simm.s32 $0x108;
	_ =	swait.ge @!p0 [sflag:s8], $0x0  }
0x24: {  	s3 =	sadd.s32 $0x88, s3;
	s6 =	simm.s32 @!p1 $0x1082;
	[sflag:s4] =	ssyncset.s32 $0xFFFFF086  }
0x25: {  	[simem:s6], [sflag:s4] =	dma.local [hbm:s3], $0xF7A  }
0x26: {  	[smem:$0x3F9D] =	sst s1;
	(tag) =	ssettag s2;
	_ =	strace s9  }
0x27: {  	s1 =	sld [smem:$0x3FAD]  }
0x28: {  	s2 =	sld [smem:$0x3FAE]  }
0x29: {  	s4 =	sld [smem:$0x3FB0]  }
0x2a: {  	p0 =	seq.s32 s5, $0x0;
	s5 =	sld [smem:$0x3FB1]  }
0x2b: {  	s6 =	sld [smem:$0x3FB2]  }
0x2c: {  	s7 =	sld [smem:$0x3FB3]  }
0x2d: {  	s3 =	simm.s32 $0x108;
	s8 =	sld [smem:$0x3FB4]  }
0x2e: {  	s3 =	simm.s32 @!p0 $0x1082;
	s9 =	sld [smem:$0x3FB5]  }
0x2f: {  	lr =	sadd.s32 s0, s3;
	s0 =	sld [smem:$0x3FAC]  }
0x30: {  	s3 =	sld [smem:$0x3FAF]  }
0x31: {  	[smem:$0x3FB8] =	sst s10  }
0x32: {  	s10 =	sld [smem:$0x3FB6];
	_ =	sdelay $0x3  }
0x33: {  	p0 =	seq.s32 s10, $0x1;
	s10 =	sld [smem:$0x3FB8];
	_ =	sdelay $0x3  }
0x34: {  	[smem:$0x3FB8] =	sst s10  }
0x35: {  	s10 =	sld [smem:$0x3FB7];
	_ =	sdelay $0x3  }
0x36: {  	p1 =	seq.s32 s10, $0x1;
	s10 =	sld [smem:$0x3FB8];
	_ =	sdelay $0x3  }
0x37: {  	[smem:$0x3FB8] =	sst s10  }
0x38: {  	s10 =	sld [smem:$0x3FB9]  }
0x39: {  	_ = 	snop;
	(pc) =	sbr.ind lr, $3  }
0x3a: {  	_ = 	snop  }
0x3b: {  	_ = 	snop  }
0x3c: {  	p2 =	seq.s32 s10, $0x1;
	s10 =	sld [smem:$0x3FB8]  }
0x3d: {  	_ =	shalt  }
0x3e: {  	_ =	shalt  }
0x3f: {  	_ =	shalt  }
0x40: {  	_ =	shalt  }
0x41: {  	_ =	shalt  }
0x42: {  	_ =	shalt  }
0x43: {  	_ =	shalt  }
0x44: {  	_ =	shalt  }
0x45: {  	_ =	shalt  }
0x46: {  	_ =	shalt  }
0x47: {  	_ =	shalt  }
0x48: {  	_ =	shalt  }
0x49: {  	_ =	shalt  }
0x4a: {  	_ =	shalt  }
0x4b: {  	_ =	shalt  }
0x4c: {  	_ =	shalt  }
0x4d: {  	_ =	shalt  }
0x4e: {  	_ =	shalt  }
0x4f: {  	_ =	shalt  }
0x50: {  	_ =	shalt  }
0x51: {  	_ =	shalt  }
0x52: {  	_ =	shalt  }
0x53: {  	_ =	shalt  }
0x54: {  	_ =	shalt  }
0x55: {  	_ =	shalt  }
0x56: {  	_ =	shalt  }
0x57: {  	_ =	shalt  }
0x58: {  	_ =	shalt  }
0x59: {  	_ =	shalt  }
0x5a: {  	_ =	shalt  }
0x5b: {  	_ =	shalt  }
0x5c: {  	_ =	shalt  }
0x5d: {  	_ =	shalt  }
0x5e: {  	_ =	shalt  }
0x5f: {  	_ =	shalt  }
0x60: {  	_ =	shalt  }
0x61: {  	_ =	shalt  }
0x62: {  	_ =	shalt  }
0x63: {  	_ =	shalt  }
0x64: {  	_ =	shalt  }
0x65: {  	_ =	shalt  }
0x66: {  	_ =	shalt  }
0x67: {  	_ =	shalt  }
0x68: {  	_ =	shalt  }
0x69: {  	_ =	shalt  }
0x6a: {  	_ =	shalt  }
0x6b: {  	_ =	shalt  }
0x6c: {  	_ =	shalt  }
0x6d: {  	_ =	shalt  }
0x6e: {  	_ =	shalt  }
0x6f: {  	_ =	shalt  }
0x70: {  	_ =	shalt  }
0x71: {  	_ =	shalt  }
0x72: {  	_ =	shalt  }
0x73: {  	_ =	shalt  }
0x74: {  	_ =	shalt  }
0x75: {  	_ =	shalt  }
0x76: {  	_ =	shalt  }
0x77: {  	_ =	shalt  }
0x78: {  	_ =	shalt  }
0x79: {  	_ =	shalt  }
0x7a: {  	_ =	shalt  }
0x7b: {  	_ =	shalt  }
0x7c: {  	_ =	shalt  }
0x7d: {  	_ =	shalt  }
0x7e: {  	_ =	shalt  }
0x7f: {  	_ =	shalt  }
0x80: {  	_ =	shalt  }
0x81: {  	_ =	shalt  }
0x82: {  	_ =	shalt  }
0x83: {  	_ =	shalt  }
0x84: {  	_ =	shalt  }
0x85: {  	_ =	shalt  }
0x86: {  	_ =	shalt  }
0x87: {  	_ =	shalt  }
.Lfunc_end0:
.L_simem_size_0:
called_computation.1_lowered:
.L_overlay_start_0:
0x88: {  	s2 =	sld [smem:$0x3FD9]  }
0x89: {  	s3 =	sld [smem:$0x3FFE];
	_ =	sdelay $0x1  }
0x8a: {  	s1 =	srdreg.scid  }
0x8b: {  	s0 =	sand.u32 $0x1, s1  }
0x8c: {  	s17 =	sshll.u32 s0, $0xA;
	s2 =	sadd.s32 s3, s2  }
0x8d: {  	s2 =	sadd.s32 s2, s17  }
0x8e: {  	[smem:$0x3FC4] =	sst s2  }
0x8f: {  	_ = 	snop  }
0x90: {  	s2 =	sld [smem:$0x3FD0];
	(tm) =	ssettm $0x1  }
0x91: {  	s18 =	sld [smem:$0x3FFB];
	_ =	sdelay $0x3  }
0x92: {  	_ =	strace s18  }
0x93: {  	s3 =	sld [smem:$0x3FFC];
	_ =	sdelay $0x3  }
0x94: {  	_ =	strace s3  }
0x95: {  	s3 =	sld [smem:$0x3FFD];
	_ =	sdelay $0x3  }
0x96: {  	_ =	strace s3  }
0x97: {  	_ =	strace $0x8FFFFFFF  }
0x98: {  	s19 =	sld [smem:$0x3FDB];
	_ =	sdelay $0x1  }
0x99: {  	s4 =	simm.s32 $_scs_section_size  }
0x9a: {  	s5 =	simm.s32 $_size__tile_overlayer_lowered;
	s6 =	simm.s32 $_tile_overlayer_lowered  }
0x9b: {  	s22 =	simm.s32 $0x1BFF;
	s21 =	sshll.u32 s6, $0x1;
	s3 =	sadd.s32 s4, s19  }
0x9c: {  	s7 =	simm.s32 $0x0;
	s20 =	sshll.u32 s5, $0x1;
	s5 =	sadd.s32 s21, s3  }
0x9d: {  	[timem:s7], [sflag:s22] =	dma.local [hbm:s5], s20  }
0x9e: {  	_ =	swait.ge [sflag:s22], s20  }
0x9f: {  	s4 =	ssub.s32 $0x0, s20;
	[sflag:s22] =	ssyncset.done $0x0  }
0xa0: {  	[sflag:s22] =	ssyncadd.s32 s4;
	_ =	sdelay $0x1  }
0xa1: {  	s23 =	simm.s32 $0x1B8B  }
0xa2: {  	_ =	swait.ge [sflag:s23], $0x1  }
0xa3: {  	[sflag:s23] =	ssyncset.done $0x0  }
0xa4: {  	s25 =	simm.s32 $0x1B8E;
	s24 =	sld [smem:$0x3FFE];
	[sflag:s23] =	ssyncadd.s32 $0xFFFFFFFF  }
0xa5: {  	s26 =	simm.s32 $execute0_lowered;
	[smem:$0x3FD2] =	sst s25  }
0xa6: {  	s5 =	sshll.u32 s26, $0x1;
	_ =	strace $0x80000049;
	[dreg:$0x1] =	wrdreg $0xFFFFFFFF  }
0xa7: {  	s28 =	simm.s32 $_size_execute0_lowered;
	s3 =	sadd.s32 s3, s5;
	[dreg:$0x0] =	wrdreg $0x0  }
0xa8: {  	s5 =	sshll.u32 s28, $0x1;
	[dreg:$0x2] =	wrdreg s3  }
0xa9: {  	[dreg:$0x3] =	wrdreg s5  }
0xaa: {  	[dreg:$0x4] =	wrdreg $0xC0  }
0xab: {  	_ =	task [dreg:s7], $0x5FFFF  }
0xac: {  	[dreg:$0x1] =	wrdreg $0xFFFFFFFF  }
0xad: {  	[dreg:$0x0] =	wrdreg $0x60  }
0xae: {  	[dreg:$0x2] =	wrdreg s24  }
0xaf: {  	[dreg:$0x3] =	wrdreg s2  }
0xb0: {  	[dreg:$0x4] =	wrdreg $0x88000  }
0xb1: {  	[dreg:$0x5] =	wrdreg $0x9  }
0xb2: {  	_ =	task.clear_ibuf [dreg:s7], $0x6FFFF;
	_ =	strace $0x90000049  }
0xb3: {  	s29 =	simm.s32 $0x9;
	_ =	strace $0x8000004B  }
0xb4: {  	_ =	swait.ge [sflag:s29], $0x1  }
0xb5: {  	[sflag:s29] =	ssyncadd.s32 $0xFFFFFFFF  }
0xb6: {  	_ =	strace $0x9000004B  }
0xb7: {  	_ =	sfence  }
0xb8: {  	s30 =	sld [smem:$0x0];
	_ =	sdelay $0x2  }
0xb9: {  	s31 =	sshll.u32 s1, $0xD;
	s1 =	sshrl.u32 s1, $0x2  }
0xba: {  	s3 =	sand.u32 $0x4000, s31;
	s1 =	sadd.s32 s1, s30  }
0xbb: {  	s0 =	sor.u32 s3, s0;
	s1 =	sshll.u32 s1, $0x11  }
0xbc: {  	s0 =	sor.u32 s1, s0  }
0xbd: {  	s0 =	sadd.s32 $0x8F2B, s0  }
0xbe: {  	[sflag:s0] =	ssyncadd.remote.s32 $0x1  }
0xbf: {  	_ =	sfence.sel $0xFFFF  }
0xc0: {  	[dreg:$0x0] =	wrdreg $0xFFFFFFFF;
	(pc) =	sbr.abs _section_cstart, $3  }
0xc1: {  	[dreg:$0x1] =	wrdreg $0xFFFFFFFF  }
0xc2: {  	_ =	task.clear_ibuf [dreg:s7], $0x2FFFF;
	_ =	strace $0x9FFFFFFF  }
0xc3: {  	(tm) =	ssettm $0x7FFFFFFF  }
tec
execute0_lowered:
.L_overlay_start_1:
0x0: {  	(tag) =	ssettag $0x1  }
0x1: {  	s0 =	rddreg [dreg:$0x0]  }
0x2: {  	s1 =	rddreg [dreg:$0x1]  }
0x3: {  	s2 =	rddreg [dreg:$0x2]  }
0x4: {  	s3 =	simm.s32 $0x0;
	s4 =	srdreg.scid;
	s10 =	stileid.u32  }
0x5: {  	s30 =	simm.s32 $0x440;
	s11 =	simm.s32 $0x480;
	s14 =	simm.s32 $0x540  }
0x6: {  	[smem:$0x7FF] =	sst s3;
	s4 =	sand.u32 $0x1, s4;
	s7 =	smul.u32 $0x50000, s10  }
0x7: {  	s5 =	sadd.s32 $0xB000, s0;
	s9 =	sshll.u32 s10, $0x1;
	s6 =	smul.u32 $0x28000, s4  }
0x8: {  	_ =	strace $0x8000004A;
	s16 =	ssub.s32 $0x2, s4;
	[dreg:$0x5] =	wrdreg s30  }
0x9: {  	s17 =	sor.u32 s4, s9;
	s9 =	simm.s32 $0x500;
	[dreg:$0x7] =	wrdreg s11  }
0xa: {  	[dreg:$0x8] =	wrdreg s14;
	s30 =	simm.s32 $0x780;
	s8 =	sshrl.u32 s16, $0x1  }
0xb: {  	s7 =	sshrl.u32 s7, $0x2;
	s19 =	smul.u32 $0x5400, s17;
	[dreg:$0x6] =	wrdreg s9  }
0xc: {  	s17 =	simm.s32 $0x600;
	[dreg:$0x12] =	wrdreg s30;
	s0 =	sadd.s32 s6, s0  }
0xd: {  	s6 =	ssub.s32 s16, s8;
	s16 =	simm.s32 $0x4C0;
	[dreg:$0xa] =	wrdreg s17  }
0xe: {  	s13 =	sadd.s32 s7, s2;
	[dreg:$0x9] =	wrdreg s16  }
0xf: {  	s7 =	sadd.s32 $0x2000, s13;
	[dreg:$0x14] =	wrdreg s13  }
0x10: {  	s18 =	sadd.s32 $0x4000, s13;
	[dreg:$0x15] =	wrdreg s7  }
0x11: {  	s20 =	sadd.s32 $0x6000, s13;
	[dreg:$0x16] =	wrdreg s18  }
0x12: {  	s21 =	sadd.s32 $0x8000, s13;
	[dreg:$0x17] =	wrdreg s20  }
0x13: {  	s22 =	sadd.s32 $0xA000, s13;
	[dreg:$0x18] =	wrdreg s21  }
0x14: {  	s28 =	simm.s32 $0x4800;
	s23 =	sadd.s32 $0xC000, s13;
	[dreg:$0x19] =	wrdreg s22  }
0x15: {  	s29 =	simm.s32 $0x1;
	s24 =	sadd.s32 $0xE000, s13;
	[dreg:$0x1a] =	wrdreg s23  }
0x16: {  	s4 =	smul.u32 $0x5400, s4;
	s26 =	sadd.s32 $0x10000, s13;
	[dreg:$0x1b] =	wrdreg s24  }
0x17: {  	s11 =	simm.s32 $0x6800;
	s25 =	sadd.s32 $0x800, s19;
	[dreg:$0x1c] =	wrdreg s26  }
0x18: {  	s14 =	simm.s32 $0x3C0;
	s31 =	sadd.s32 $0x12000, s13;
	[dreg:$0x4] =	wrdreg s25  }
0x19: {  	s9 =	simm.s32 $0x4;
	s6 =	smax.u32 s6, $0x1;
	[dreg:$0x1d] =	wrdreg s31  }
0x1a: {  	s7 =	sshrl.u32 s19, $0x3;
	s19 =	simm.s32 $0x580;
	[smem:$0x7FB] =	sst s6  }
0x1b: {  	s17 =	simm.s32 $0x200;
	s21 =	simm.s32 $0x640;
	[dreg:$0xb] =	wrdreg s19  }
0x1c: {  	s0 =	sadd.s32 $0x20000, s0;
	s22 =	simm.s32 $0x5C0;
	[dreg:$0xc] =	wrdreg s21  }
0x1d: {  	s16 =	simm.s32 $0x400;
	s23 =	simm.s32 $0x700;
	[dreg:$0xd] =	wrdreg s22  }
0x1e: {  	s18 =	smul.u32 $0x2800, s10;
	s24 =	simm.s32 $0x680;
	[dreg:$0xe] =	wrdreg s23  }
0x1f: {  	s20 =	smul.u32 $0xA800, s10;
	s25 =	simm.s32 $0x740;
	[dreg:$0xf] =	wrdreg s24  }
0x20: {  	s26 =	simm.s32 $0x6C0;
	s31 =	simm.s32 $0x7C0;
	[dreg:$0x10] =	wrdreg s25  }
0x21: {  	s10 =	simm.s32 $0xB;
	s6 =	simm.s32 $0x0;
	[dreg:$0x11] =	wrdreg s26  }
0x22: {  	s12 =	sadd.s32 s5, s7;
	[dreg:$0x13] =	wrdreg s31;
	s23 =	simm.s32 $0x40  }
0x23: {  	s25 =	simm.s32 $0x2800;
	s7 =	simm.s32 $0x6;
	s24 =	simm.s32 $0x5  }
0x24: {  	s19 =	simm.s32 $0xA;
	s22 =	simm.s32 $0x9;
	s21 =	simm.s32 $0x1C0  }
0x25: {  	[dreg:$0x1e] =	wrdreg s12;
	s15 =	sadd.s32 $0x80, s12;
	s4 =	sadd.s32 s4, s20  }
0x26: {  	s20 =	simm.s32 $0x800;
	s0 =	sadd.s32 s18, s0;
	s4 =	sadd.s32 $0x400, s4  }
0x27: {  	s12 =	simm.s32 $0x7;
	[dreg:$0x1f] =	wrdreg s15;
	s4 =	sshrl.u32 s4, $0x3  }
0x28: {  	s18 =	simm.s32 $0x2;
	[smem:$0x7FD] =	sst s0;
	s4 =	sadd.s32 s4, s5  }
0x29: {  	v0 =	vimm.f32 $0.0e+00;
	s0 =	simm.s32 $0x3;
	s15 =	simm.s32 $0x8;
	[smem:$0x7FC] =	sst s4  }
.LBB2_1:
0x2a: {  	s26 =	sand.u32 $0x7E00, s3  }
0x2b: {  	[smem:$0x7FA] =	sst s6;
	s30 =	sand.u32 $0x70, s3;
	s31 =	sshrl.u32 s26, $0x2  }
0x2c: {  	s26 =	simm.s32 $0x40;
	s31 =	sor.u32 s30, s31;
	s30 =	simm.s32 $0x0  }
.LBB2_2:
0x2d: {  	p0 =	sne.s32 s26, $0x7FC0  }
0x2e: {  	[tilespmem:s31+$0x800] =	vst v0;
	s30 =	sadd.s32 $0x10, s30;
	s31 =	smov.u32 s26;
	s26 =	sadd.s32 $0x40, s26  }
.Ltmp0:
0x2f: {  	(pc) =	sbr.rel @p0 .LBB2_2-.Ltmp0, $4  }
0x30: {  	_ = 	snop  }
0x31: {  	s31 =	sand.u32 $0x7E00, s31  }
0x32: {  	s4 =	sand.u32 $0x70, s30;
	s31 =	sshrl.u32 s31, $0x2  }
0x33: {  	s31 =	sor.u32 s4, s31  }
0x34: {  	[tilespmem:s31+$0x800] =	vst v0  }
0x35: {  	[spmem:s13] =	stream.linear.scatter [tilespmem:s20], [sflag:$0xB], $0x2000, $0x38;
	[tilespmem:$0x1C800] =	vst v63  }
0x36: {  	_ =	swait.ge [sflag:s10], $0x2000  }
0x37: {  	[sflag:s10] =	ssyncset.done $0x0  }
0x38: {  	s4 =	rddreg [dreg:$0x15];
	[sflag:s10] =	ssyncadd.s32 $0xFFFFE000  }
0x39: {  	[spmem:s4] =	stream.linear.scatter [tilespmem:s20], [sflag:$0xB], $0x2000, $0x38;
	[tilespmem:$0x1C800] =	vst v63  }
0x3a: {  	_ =	swait.ge [sflag:s10], $0x2000  }
0x3b: {  	[sflag:s10] =	ssyncset.done $0x0  }
0x3c: {  	s26 =	rddreg [dreg:$0x16];
	[sflag:s10] =	ssyncadd.s32 $0xFFFFE000  }
0x3d: {  	[spmem:s26] =	stream.linear.scatter [tilespmem:s20], [sflag:$0xB], $0x2000, $0x38;
	[tilespmem:$0x1C800] =	vst v63  }
0x3e: {  	_ =	swait.ge [sflag:s10], $0x2000  }
0x3f: {  	[sflag:s10] =	ssyncset.done $0x0  }
0x40: {  	s31 =	rddreg [dreg:$0x17];
	[sflag:s10] =	ssyncadd.s32 $0xFFFFE000  }
0x41: {  	[spmem:s31] =	stream.linear.scatter [tilespmem:s20], [sflag:$0xB], $0x2000, $0x38;
	[tilespmem:$0x1C800] =	vst v63  }
0x42: {  	_ =	swait.ge [sflag:s10], $0x2000  }
0x43: {  	[sflag:s10] =	ssyncset.done $0x0  }
0x44: {  	s6 =	rddreg [dreg:$0x18];
	[sflag:s10] =	ssyncadd.s32 $0xFFFFE000  }
0x45: {  	[spmem:s6] =	stream.linear.scatter [tilespmem:s20], [sflag:$0xB], $0x2000, $0x38;
	[tilespmem:$0x1C800] =	vst v63  }
0x46: {  	_ =	swait.ge [sflag:s10], $0x2000  }
0x47: {  	[sflag:s10] =	ssyncset.done $0x0  }
0x48: {  	s8 =	rddreg [dreg:$0x19];
	[sflag:s10] =	ssyncadd.s32 $0xFFFFE000  }
0x49: {  	[spmem:s8] =	stream.linear.scatter [tilespmem:s20], [sflag:$0xB], $0x2000, $0x38;
	[tilespmem:$0x1C800] =	vst v63  }
0x4a: {  	_ =	swait.ge [sflag:s10], $0x2000  }
0x4b: {  	[sflag:s10] =	ssyncset.done $0x0  }
0x4c: {  	s13 =	rddreg [dreg:$0x1a];
	[sflag:s10] =	ssyncadd.s32 $0xFFFFE000  }
0x4d: {  	[spmem:s13] =	stream.linear.scatter [tilespmem:s20], [sflag:$0xB], $0x2000, $0x38;
	[tilespmem:$0x1C800] =	vst v63  }
0x4e: {  	_ =	swait.ge [sflag:s10], $0x2000  }
0x4f: {  	[sflag:s10] =	ssyncset.done $0x0  }
0x50: {  	s26 =	rddreg [dreg:$0x1b];
	[sflag:s10] =	ssyncadd.s32 $0xFFFFE000  }
0x51: {  	[spmem:s26] =	stream.linear.scatter [tilespmem:s20], [sflag:$0xB], $0x2000, $0x38;
	[tilespmem:$0x1C800] =	vst v63  }
0x52: {  	_ =	swait.ge [sflag:s10], $0x2000  }
0x53: {  	[sflag:s10] =	ssyncset.done $0x0  }
0x54: {  	s31 =	rddreg [dreg:$0x1c];
	[sflag:s10] =	ssyncadd.s32 $0xFFFFE000  }
0x55: {  	[spmem:s31] =	stream.linear.scatter [tilespmem:s20], [sflag:$0xB], $0x2000, $0x38;
	[tilespmem:$0x1C800] =	vst v63  }
0x56: {  	_ =	swait.ge [sflag:s10], $0x2000  }
0x57: {  	[sflag:s10] =	ssyncset.done $0x0  }
0x58: {  	s6 =	rddreg [dreg:$0x1d];
	[sflag:s10] =	ssyncadd.s32 $0xFFFFE000  }
0x59: {  	[spmem:s6] =	stream.linear.scatter [tilespmem:s20], [sflag:$0xB], $0x2000, $0x38;
	[tilespmem:$0x1C800] =	vst v63  }
0x5a: {  	_ =	swait.ge [sflag:s10], $0x2000  }
0x5b: {  	[sflag:s10] =	ssyncset.done $0x0  }
0x5c: {  	[sflag:s10] =	ssyncadd.s32 $0xFFFFE000  }
0x5d: {  	[bflag:$0x0] =	sbarrier.arrive $0xFFFF  }
0x5e: {  	s26 =	simm.s32 $0x0;
	s8 =	rddreg [dreg:$0x1e]  }
0x5f: {  	[tilespmem:s26], [sflag:$0xB] =	stream.linear.gather [hbm4b:s8+s26], $0x400, $0x38;
	[tilespmem:$0x1C800] =	vst v63  }
0x60: {  	_ =	swait.ge [sflag:s10], $0x400  }
0x61: {  	[sflag:s10] =	ssyncset.done $0x0  }
0x62: {  	s6 =	simm.s32 $0x400;
	s13 =	rddreg [dreg:$0x1f];
	[sflag:s10] =	ssyncadd.s32 $0xFFFFFC00  }
0x63: {  	[tilespmem:s6], [sflag:$0xA] =	stream.linear.gather [hbm4b:s13+s26], $0x400, $0x38;
	[tilespmem:$0x1C800] =	vst v63  }
0x64: {  	_ = 	snop  }
0x65: {  	[tilespmem:s20], [sflag:$0x1] =	stream.indirect.gather [hbm4b:s1+s23], $0x80, s26, s23, $0xb8;
	[tilespmem:$0x1C800] =	vst v63  }
0x66: {  	_ = 	snop  }
0x67: {  	[tilespmem:s25], [sflag:$0x2] =	stream.indirect.gather [hbm4b:s1+s23], $0x80, s23, s23, $0xb8;
	[tilespmem:$0x1C800] =	vst v63  }
0x68: {  	s10 =	simm.s32 $0x100  }
0x69: {  	[tilespmem:s28], [sflag:$0x3] =	stream.indirect.gather [hbm4b:s1+s23], $0x80, s10, s23, $0xb8;
	[tilespmem:$0x1C800] =	vst v63  }
0x6a: {  	_ =	swait.ge [sflag:s29], $0x2000  }
0x6b: {  	[sflag:s29] =	ssyncset.done $0x0  }
0x6c: {  	p0 =	por $0x1, $0x1;
	s13 =	simm.s32 $0x80;
	[sflag:s29] =	ssyncadd.s32 $0xFFFFE000  }
0x6d: {  	[spmem:s2] =	stream.indirect.scatter.add.f32 [tilespmem:s20], [sflag:$0x5], $0x80, s13, s23, $0xb8;
	[tilespmem:$0x1C800] =	vst v63  }
0x6e: {  	s30 =	simm.s32 @p0 $0x6800;
	s4 =	simm.s32 @p0 $0x140;
	s31 =	simm.s32 @p0 $0x40  }
0x6f: {  	[tilespmem:s30], [sflag:$0x4] =	stream.indirect.gather @p0 [hbm4b:s1+s31], $0x80, s4, s31, $0xb8;
	[tilespmem:$0x1C800] =	vst v63  }
0x70: {  	s4 =	simm.s32 @p0 $0x2  }
0x71: {  	_ =	swait.ge @p0 [sflag:s4], $0x2000  }
0x72: {  	[sflag:s4] =	ssyncset.done @p0 $0x0  }
0x73: {  	s30 =	simm.s32 @p0 $0xC0;
	[sflag:s4] =	ssyncadd.s32 @p0 $0xFFFFE000;
	s4 =	simm.s32 @p0 $0x2800  }
0x74: {  	[spmem:s2] =	stream.indirect.scatter.add.f32 @p0 [tilespmem:s4], [sflag:$0x6], $0x80, s30, s31, $0xb8;
	[tilespmem:$0x1C800] =	vst v63  }
0x75: {  	s4 =	simm.s32 @p0 $0x5  }
0x76: {  	_ =	swait.ge @p0 [sflag:s4], $0x2000  }
0x77: {  	[sflag:s4] =	ssyncset.done @p0 $0x0  }
0x78: {  	s30 =	simm.s32 @!p0 $0x8;
	[sflag:s4] =	ssyncadd.s32 @p0 $0xFFFFE000  }
0x79: {  	_ =	swait.ge @!p0 [sflag:s30], $0x2000  }
0x7a: {  	s31 =	simm.s32 @!p0 $0x40;
	[sflag:s30] =	ssyncset.done @!p0 $0x0  }
0x7b: {  	s4 =	simm.s32 @!p0 $0x6800;
	[sflag:s30] =	ssyncadd.s32 @!p0 $0xFFFFE000;
	s30 =	simm.s32 @!p0 $0x140  }
0x7c: {  	[tilespmem:s4], [sflag:$0x4] =	stream.indirect.gather @!p0 [hbm4b:s1+s31], $0x80, s30, s31, $0xb8;
	[tilespmem:$0x1C800] =	vst v63  }
0x7d: {  	s4 =	simm.s32 @!p0 $0x2  }
0x7e: {  	_ =	swait.ge @!p0 [sflag:s4], $0x2000  }
0x7f: {  	[sflag:s4] =	ssyncset.done @!p0 $0x0  }
0x80: {  	s30 =	simm.s32 @!p0 $0xC0;
	[sflag:s4] =	ssyncadd.s32 @!p0 $0xFFFFE000;
	s4 =	simm.s32 @!p0 $0x2800  }
0x81: {  	[spmem:s2] =	stream.indirect.scatter.add.f32 @!p0 [tilespmem:s4], [sflag:$0x6], $0x80, s30, s31, $0xb8;
	[tilespmem:$0x1C800] =	vst v63  }
0x82: {  	s4 =	simm.s32 @!p0 $0x5  }
0x83: {  	_ =	swait.ge @!p0 [sflag:s4], $0x2000  }
0x84: {  	s8 =	sld [smem:$0x7FC]  }
0x85: {  	[sflag:s4] =	ssyncset.done @!p0 $0x0  }
0x86: {  	s30 =	simm.s32 @!p0 $0x0;
	[sflag:s4] =	ssyncadd.s32 @!p0 $0xFFFFE000;
	s4 =	simm.s32 @!p0 $0x400  }
0x87: {  	[tilespmem:s4], [sflag:$0xA] =	stream.linear.gather @!p0 [hbm4b:s8+s30], $0x400, $0x38;
	[tilespmem:$0x1C800] =	vst v63  }
0x88: {  	_ = 	snop  }
0x89: {  	[tilespmem:s20], [sflag:$0x1] =	stream.indirect.gather [hbm4b:s1+s23], $0x80, s17, s23, $0xb8;
	[tilespmem:$0x1C800] =	vst v63  }
0x8a: {  	_ =	swait.ge [sflag:s0], $0x2000  }
0x8b: {  	[sflag:s0] =	ssyncset.done $0x0  }
0x8c: {  	s31 =	simm.s32 $0x180;
	[sflag:s0] =	ssyncadd.s32 $0xFFFFE000  }
0x8d: {  	[spmem:s2] =	stream.indirect.scatter.add.f32 [tilespmem:s28], [sflag:$0x7], $0x80, s31, s23, $0xb8;
	[tilespmem:$0x1C800] =	vst v63  }
0x8e: {  	_ =	swait.ge [sflag:s7], $0x2000  }
0x8f: {  	[sflag:s7] =	ssyncset.done $0x0  }
0x90: {  	s31 =	simm.s32 $0x240;
	[sflag:s7] =	ssyncadd.s32 $0xFFFFE000  }
0x91: {  	[tilespmem:s25], [sflag:$0x2] =	stream.indirect.gather [hbm4b:s1+s23], $0x80, s31, s23, $0xb8;
	[tilespmem:$0x1C800] =	vst v63  }
0x92: {  	_ =	swait.ge [sflag:s9], $0x2000  }
0x93: {  	[sflag:s9] =	ssyncset.done $0x0  }
0x94: {  	[sflag:s9] =	ssyncadd.s32 $0xFFFFE000  }
0x95: {  	[spmem:s2] =	stream.indirect.scatter.add.f32 [tilespmem:s11], [sflag:$0x8], $0x80, s21, s23, $0xb8;
	[tilespmem:$0x1C800] =	vst v63  }
0x96: {  	_ =	swait.ge [sflag:s12], $0x2000  }
0x97: {  	[sflag:s12] =	ssyncset.done $0x0  }
0x98: {  	s31 =	simm.s32 $0x300;
	[sflag:s12] =	ssyncadd.s32 $0xFFFFE000  }
0x99: {  	[tilespmem:s28], [sflag:$0x3] =	stream.indirect.gather [hbm4b:s1+s23], $0x80, s31, s23, $0xb8;
	[tilespmem:$0x1C800] =	vst v63  }
0x9a: {  	_ =	swait.ge [sflag:s29], $0x2000  }
0x9b: {  	[sflag:s29] =	ssyncset.done $0x0  }
0x9c: {  	s31 =	simm.s32 $0x280;
	[sflag:s29] =	ssyncadd.s32 $0xFFFFE000  }
0x9d: {  	[spmem:s2] =	stream.indirect.scatter.add.f32 [tilespmem:s20], [sflag:$0x5], $0x80, s31, s23, $0xb8;
	[tilespmem:$0x1C800] =	vst v63  }
0x9e: {  	_ =	swait.ge [sflag:s15], $0x2000  }
0x9f: {  	[sflag:s15] =	ssyncset.done $0x0  }
0xa0: {  	s31 =	simm.s32 $0x340;
	[sflag:s15] =	ssyncadd.s32 $0xFFFFE000  }
0xa1: {  	[tilespmem:s11], [sflag:$0x4] =	stream.indirect.gather [hbm4b:s1+s23], $0x80, s31, s23, $0xb8;
	[tilespmem:$0x1C800] =	vst v63  }
0xa2: {  	_ =	swait.ge [sflag:s18], $0x2000  }
0xa3: {  	[sflag:s18] =	ssyncset.done $0x0  }
0xa4: {  	s31 =	simm.s32 $0x2C0;
	[sflag:s18] =	ssyncadd.s32 $0xFFFFE000  }
0xa5: {  	[spmem:s2] =	stream.indirect.scatter.add.f32 [tilespmem:s25], [sflag:$0x6], $0x80, s31, s23, $0xb8;
	[tilespmem:$0x1C800] =	vst v63  }
0xa6: {  	_ =	swait.ge [sflag:s24], $0x2000  }
0xa7: {  	[sflag:s24] =	ssyncset.done $0x0  }
0xa8: {  	[sflag:s24] =	ssyncadd.s32 $0xFFFFE000  }
0xa9: {  	_ =	swait.ge [sflag:s19], $0x400  }
0xaa: {  	[sflag:s19] =	ssyncset.done $0x0  }
0xab: {  	[sflag:s19] =	ssyncadd.s32 $0xFFFFFC00  }
0xac: {  	[tilespmem:s20], [sflag:$0x1] =	stream.indirect.gather [hbm4b:s1+s23], $0x80, s6, s23, $0xb8;
	[tilespmem:$0x1C800] =	vst v63  }
0xad: {  	_ =	swait.ge [sflag:s0], $0x2000  }
0xae: {  	[sflag:s0] =	ssyncset.done $0x0  }
0xaf: {  	s6 =	simm.s32 $0x380;
	[sflag:s0] =	ssyncadd.s32 $0xFFFFE000  }
0xb0: {  	[spmem:s2] =	stream.indirect.scatter.add.f32 [tilespmem:s28], [sflag:$0x7], $0x80, s6, s23, $0xb8;
	[tilespmem:$0x1C800] =	vst v63  }
0xb1: {  	_ =	swait.ge [sflag:s7], $0x2000  }
0xb2: {  	[sflag:s7] =	ssyncset.done $0x0  }
0xb3: {  	s31 =	rddreg [dreg:$0x5];
	[sflag:s7] =	ssyncadd.s32 $0xFFFFE000  }
0xb4: {  	[tilespmem:s25], [sflag:$0x2] =	stream.indirect.gather [hbm4b:s1+s23], $0x80, s31, s23, $0xb8;
	[tilespmem:$0x1C800] =	vst v63  }
0xb5: {  	_ =	swait.ge [sflag:s9], $0x2000  }
0xb6: {  	[sflag:s9] =	ssyncset.done $0x0  }
0xb7: {  	[sflag:s9] =	ssyncadd.s32 $0xFFFFE000  }
0xb8: {  	[spmem:s2] =	stream.indirect.scatter.add.f32 [tilespmem:s11], [sflag:$0x8], $0x80, s14, s23, $0xb8;
	[tilespmem:$0x1C800] =	vst v63  }
0xb9: {  	_ =	swait.ge [sflag:s12], $0x2000  }
0xba: {  	[sflag:s12] =	ssyncset.done $0x0  }
0xbb: {  	s31 =	rddreg [dreg:$0x6];
	[sflag:s12] =	ssyncadd.s32 $0xFFFFE000  }
0xbc: {  	[tilespmem:s28], [sflag:$0x3] =	stream.indirect.gather [hbm4b:s1+s23], $0x80, s31, s23, $0xb8;
	[tilespmem:$0x1C800] =	vst v63  }
0xbd: {  	_ =	swait.ge [sflag:s29], $0x2000  }
0xbe: {  	[sflag:s29] =	ssyncset.done $0x0  }
0xbf: {  	s31 =	rddreg [dreg:$0x7];
	[sflag:s29] =	ssyncadd.s32 $0xFFFFE000  }
0xc0: {  	[spmem:s2] =	stream.indirect.scatter.add.f32 [tilespmem:s20], [sflag:$0x5], $0x80, s31, s23, $0xb8;
	[tilespmem:$0x1C800] =	vst v63  }
0xc1: {  	_ =	swait.ge [sflag:s15], $0x2000  }
0xc2: {  	[sflag:s15] =	ssyncset.done $0x0  }
0xc3: {  	s31 =	rddreg [dreg:$0x8];
	[sflag:s15] =	ssyncadd.s32 $0xFFFFE000  }
0xc4: {  	[tilespmem:s11], [sflag:$0x4] =	stream.indirect.gather [hbm4b:s1+s23], $0x80, s31, s23, $0xb8;
	[tilespmem:$0x1C800] =	vst v63  }
0xc5: {  	_ =	swait.ge [sflag:s18], $0x2000  }
0xc6: {  	[sflag:s18] =	ssyncset.done $0x0  }
0xc7: {  	s31 =	rddreg [dreg:$0x9];
	[sflag:s18] =	ssyncadd.s32 $0xFFFFE000  }
0xc8: {  	[spmem:s2] =	stream.indirect.scatter.add.f32 [tilespmem:s25], [sflag:$0x6], $0x80, s31, s23, $0xb8;
	[tilespmem:$0x1C800] =	vst v63  }
0xc9: {  	_ =	swait.ge [sflag:s24], $0x2000  }
0xca: {  	s26 =	simm.s32 @p0 $0x0;
	s31 =	rddreg [dreg:$0x4]  }
0xcb: {  	s4 =	sadd.s32 s26, s31  }
0xcc: {  	[sflag:s24] =	ssyncset.done $0x0;
	s4 =	sshrl.u32 s4, $0x3  }
0xcd: {  	[sflag:s24] =	ssyncadd.s32 $0xFFFFE000;
	s4 =	sadd.s32 s5, s4  }
0xce: {  	[tilespmem:s3], [sflag:$0x9] =	stream.linear.gather [hbm4b:s4+s3], $0x400, $0x38;
	[tilespmem:$0x1C800] =	vst v63  }
0xcf: {  	s31 =	rddreg [dreg:$0xa]  }
0xd0: {  	[tilespmem:s20], [sflag:$0x1] =	stream.indirect.gather [hbm4b:s1+s23], $0x80, s31, s23, $0xb8;
	[tilespmem:$0x1C800] =	vst v63  }
0xd1: {  	_ =	swait.ge [sflag:s0], $0x2000  }
0xd2: {  	[sflag:s0] =	ssyncset.done $0x0  }
0xd3: {  	s31 =	rddreg [dreg:$0xb];
	[sflag:s0] =	ssyncadd.s32 $0xFFFFE000  }
0xd4: {  	[spmem:s2] =	stream.indirect.scatter.add.f32 [tilespmem:s28], [sflag:$0x7], $0x80, s31, s23, $0xb8;
	[tilespmem:$0x1C800] =	vst v63  }
0xd5: {  	_ =	swait.ge [sflag:s7], $0x2000  }
0xd6: {  	[sflag:s7] =	ssyncset.done $0x0  }
0xd7: {  	s26 =	rddreg [dreg:$0xc];
	[sflag:s7] =	ssyncadd.s32 $0xFFFFE000  }
0xd8: {  	[tilespmem:s25], [sflag:$0x2] =	stream.indirect.gather [hbm4b:s1+s23], $0x80, s26, s23, $0xb8;
	[tilespmem:$0x1C800] =	vst v63  }
0xd9: {  	_ =	swait.ge [sflag:s9], $0x2000  }
0xda: {  	[sflag:s9] =	ssyncset.done $0x0  }
0xdb: {  	s31 =	rddreg [dreg:$0xd];
	[sflag:s9] =	ssyncadd.s32 $0xFFFFE000  }
0xdc: {  	[spmem:s2] =	stream.indirect.scatter.add.f32 [tilespmem:s11], [sflag:$0x8], $0x80, s31, s23, $0xb8;
	[tilespmem:$0x1C800] =	vst v63  }
0xdd: {  	_ =	swait.ge [sflag:s12], $0x2000  }
0xde: {  	[sflag:s12] =	ssyncset.done $0x0  }
0xdf: {  	s26 =	rddreg [dreg:$0xe];
	[sflag:s12] =	ssyncadd.s32 $0xFFFFE000  }
0xe0: {  	[tilespmem:s28], [sflag:$0x3] =	stream.indirect.gather [hbm4b:s1+s23], $0x80, s26, s23, $0xb8;
	[tilespmem:$0x1C800] =	vst v63  }
0xe1: {  	_ =	swait.ge [sflag:s29], $0x2000  }
0xe2: {  	[sflag:s29] =	ssyncset.done $0x0  }
0xe3: {  	s31 =	rddreg [dreg:$0xf];
	[sflag:s29] =	ssyncadd.s32 $0xFFFFE000  }
0xe4: {  	[spmem:s2] =	stream.indirect.scatter.add.f32 [tilespmem:s20], [sflag:$0x5], $0x80, s31, s23, $0xb8;
	[tilespmem:$0x1C800] =	vst v63  }
0xe5: {  	_ =	swait.ge [sflag:s15], $0x2000  }
0xe6: {  	[sflag:s15] =	ssyncset.done $0x0  }
0xe7: {  	s26 =	rddreg [dreg:$0x10];
	[sflag:s15] =	ssyncadd.s32 $0xFFFFE000  }
0xe8: {  	[tilespmem:s11], [sflag:$0x4] =	stream.indirect.gather [hbm4b:s1+s23], $0x80, s26, s23, $0xb8;
	[tilespmem:$0x1C800] =	vst v63  }
0xe9: {  	_ =	swait.ge [sflag:s18], $0x2000  }
0xea: {  	[sflag:s18] =	ssyncset.done $0x0  }
0xeb: {  	s31 =	rddreg [dreg:$0x11];
	[sflag:s18] =	ssyncadd.s32 $0xFFFFE000  }
0xec: {  	[spmem:s2] =	stream.indirect.scatter.add.f32 [tilespmem:s25], [sflag:$0x6], $0x80, s31, s23, $0xb8;
	[tilespmem:$0x1C800] =	vst v63  }
0xed: {  	_ =	swait.ge [sflag:s24], $0x2000  }
0xee: {  	[sflag:s24] =	ssyncset.done $0x0  }
0xef: {  	[sflag:s24] =	ssyncadd.s32 $0xFFFFE000  }
0xf0: {  	_ =	swait.ge [sflag:s22], $0x400  }
0xf1: {  	[sflag:s22] =	ssyncset.done $0x0  }
0xf2: {  	[sflag:s22] =	ssyncadd.s32 $0xFFFFFC00  }
0xf3: {  	[tilespmem:s20], [sflag:$0x1] =	stream.indirect.gather [hbm4b:s1+s23], $0x80, s3, s23, $0xb8;
	[tilespmem:$0x1C800] =	vst v63  }
0xf4: {  	_ =	swait.ge [sflag:s0], $0x2000  }
0xf5: {  	[sflag:s0] =	ssyncset.done $0x0  }
0xf6: {  	s26 =	rddreg [dreg:$0x12];
	[sflag:s0] =	ssyncadd.s32 $0xFFFFE000  }
0xf7: {  	[spmem:s2] =	stream.indirect.scatter.add.f32 [tilespmem:s28], [sflag:$0x7], $0x80, s26, s23, $0xb8;
	[tilespmem:$0x1C800] =	vst v63  }
0xf8: {  	_ =	swait.ge [sflag:s7], $0x2000  }
0xf9: {  	[sflag:s7] =	ssyncset.done $0x0  }
0xfa: {  	[sflag:s7] =	ssyncadd.s32 $0xFFFFE000  }
0xfb: {  	[tilespmem:s25], [sflag:$0x2] =	stream.indirect.gather [hbm4b:s1+s23], $0x80, s23, s23, $0xb8;
	[tilespmem:$0x1C800] =	vst v63  }
0xfc: {  	_ =	swait.ge [sflag:s9], $0x2000  }
0xfd: {  	[sflag:s9] =	ssyncset.done $0x0  }
0xfe: {  	s31 =	rddreg [dreg:$0x13];
	[sflag:s9] =	ssyncadd.s32 $0xFFFFE000  }
0xff: {  	[spmem:s2] =	stream.indirect.scatter.add.f32 [tilespmem:s11], [sflag:$0x8], $0x80, s31, s23, $0xb8;
	[tilespmem:$0x1C800] =	vst v63  }
0x100: {  	_ =	swait.ge [sflag:s12], $0x2000  }
0x101: {  	s30 =	smov.u32 s8;
	s26 =	simm.s32 $0x800;
	[sflag:s12] =	ssyncset.done $0x0  }
.LBB2_4:
0x102: {  	[sflag:s12] =	ssyncadd.s32 $0xFFFFE000  }
0x103: {  	[tilespmem:s28], [sflag:$0x3] =	stream.indirect.gather [hbm4b:s1+s23], $0x80, s10, s23, $0xb8;
	[tilespmem:$0x1C800] =	vst v63  }
0x104: {  	s31 =	smov.u32 s26;
	_ =	swait.ge [sflag:s29], $0x2000  }
0x105: {  	p1 =	seq.s32 s31, $0x0;
	[sflag:s29] =	ssyncset.done $0x0  }
0x106: {  	s4 =	simm.s32 @p1 $0x140;
	[sflag:s29] =	ssyncadd.s32 $0xFFFFE000  }
0x107: {  	[spmem:s2] =	stream.indirect.scatter.add.f32 [tilespmem:s20], [sflag:$0x5], $0x80, s13, s23, $0xb8;
	[tilespmem:$0x1C800] =	vst v63  }
0x108: {  	s8 =	simm.s32 @p1 $0x6800;
	s10 =	simm.s32 @p1 $0x40;
	s13 =	simm.s32 @p1 $0x2  }
0x109: {  	[tilespmem:s8], [sflag:$0x4] =	stream.indirect.gather @p1 [hbm4b:s1+s10], $0x80, s4, s10, $0xb8;
	[tilespmem:$0x1C800] =	vst v63  }
0x10a: {  	_ =	swait.ge @p1 [sflag:s13], $0x2000  }
0x10b: {  	s4 =	simm.s32 @p1 $0xC0;
	[sflag:s13] =	ssyncset.done @p1 $0x0  }
0x10c: {  	s8 =	simm.s32 @p1 $0x2800;
	[sflag:s13] =	ssyncadd.s32 @p1 $0xFFFFE000;
	s13 =	simm.s32 @p1 $0x5  }
0x10d: {  	[spmem:s2] =	stream.indirect.scatter.add.f32 @p1 [tilespmem:s8], [sflag:$0x6], $0x80, s4, s10, $0xb8;
	[tilespmem:$0x1C800] =	vst v63  }
0x10e: {  	_ =	swait.ge @p1 [sflag:s13], $0x2000  }
0x10f: {  	[sflag:s13] =	ssyncset.done @p1 $0x0  }
0x110: {  	s4 =	simm.s32 @!p1 $0x8;
	[sflag:s13] =	ssyncadd.s32 @p1 $0xFFFFE000  }
0x111: {  	_ =	swait.ge @!p1 [sflag:s4], $0x2000  }
0x112: {  	s8 =	simm.s32 @!p1 $0x6800;
	s10 =	simm.s32 @!p1 $0x40;
	[sflag:s4] =	ssyncset.done @!p1 $0x0  }
0x113: {  	s13 =	simm.s32 @!p1 $0x140;
	[sflag:s4] =	ssyncadd.s32 @!p1 $0xFFFFE000;
	s4 =	simm.s32 @!p1 $0x2  }
0x114: {  	[tilespmem:s8], [sflag:$0x4] =	stream.indirect.gather @!p1 [hbm4b:s1+s10], $0x80, s13, s10, $0xb8;
	[tilespmem:$0x1C800] =	vst v63  }
0x115: {  	_ =	swait.ge @!p1 [sflag:s4], $0x2000  }
0x116: {  	s8 =	simm.s32 @!p1 $0xC0;
	[sflag:s4] =	ssyncset.done @!p1 $0x0  }
0x117: {  	s13 =	simm.s32 @!p1 $0x2800;
	[sflag:s4] =	ssyncadd.s32 @!p1 $0xFFFFE000;
	s4 =	simm.s32 @!p1 $0x5  }
0x118: {  	[spmem:s2] =	stream.indirect.scatter.add.f32 @!p1 [tilespmem:s13], [sflag:$0x6], $0x80, s8, s10, $0xb8;
	[tilespmem:$0x1C800] =	vst v63  }
0x119: {  	_ =	swait.ge @!p1 [sflag:s4], $0x2000  }
0x11a: {  	s30 =	sadd.s32 $0x100, s30;
	[sflag:s4] =	ssyncset.done @!p1 $0x0  }
0x11b: {  	s8 =	simm.s32 @!p1 $0x0;
	s10 =	simm.s32 @!p1 $0x400;
	[sflag:s4] =	ssyncadd.s32 @!p1 $0xFFFFE000  }
0x11c: {  	[tilespmem:s10], [sflag:$0xA] =	stream.linear.gather @!p1 [hbm4b:s30+s8], $0x400, $0x38;
	[tilespmem:$0x1C800] =	vst v63  }
0x11d: {  	_ = 	snop  }
0x11e: {  	[tilespmem:s20], [sflag:$0x1] =	stream.indirect.gather [hbm4b:s1+s23], $0x80, s17, s23, $0xb8;
	[tilespmem:$0x1C800] =	vst v63  }
0x11f: {  	_ =	swait.ge [sflag:s0], $0x2000  }
0x120: {  	[sflag:s0] =	ssyncset.done $0x0  }
0x121: {  	s8 =	simm.s32 $0x180;
	[sflag:s0] =	ssyncadd.s32 $0xFFFFE000  }
0x122: {  	[spmem:s2] =	stream.indirect.scatter.add.f32 [tilespmem:s28], [sflag:$0x7], $0x80, s8, s23, $0xb8;
	[tilespmem:$0x1C800] =	vst v63  }
0x123: {  	_ =	swait.ge [sflag:s7], $0x2000  }
0x124: {  	[sflag:s7] =	ssyncset.done $0x0  }
0x125: {  	s8 =	simm.s32 $0x240;
	[sflag:s7] =	ssyncadd.s32 $0xFFFFE000  }
0x126: {  	[tilespmem:s25], [sflag:$0x2] =	stream.indirect.gather [hbm4b:s1+s23], $0x80, s8, s23, $0xb8;
	[tilespmem:$0x1C800] =	vst v63  }
0x127: {  	_ =	swait.ge [sflag:s9], $0x2000  }
0x128: {  	[sflag:s9] =	ssyncset.done $0x0  }
0x129: {  	[sflag:s9] =	ssyncadd.s32 $0xFFFFE000  }
0x12a: {  	[spmem:s2] =	stream.indirect.scatter.add.f32 [tilespmem:s11], [sflag:$0x8], $0x80, s21, s23, $0xb8;
	[tilespmem:$0x1C800] =	vst v63  }
0x12b: {  	_ =	swait.ge [sflag:s12], $0x2000  }
0x12c: {  	[sflag:s12] =	ssyncset.done $0x0  }
0x12d: {  	s8 =	simm.s32 $0x300;
	[sflag:s12] =	ssyncadd.s32 $0xFFFFE000  }
0x12e: {  	[tilespmem:s28], [sflag:$0x3] =	stream.indirect.gather [hbm4b:s1+s23], $0x80, s8, s23, $0xb8;
	[tilespmem:$0x1C800] =	vst v63  }
0x12f: {  	_ =	swait.ge [sflag:s29], $0x2000  }
0x130: {  	[sflag:s29] =	ssyncset.done $0x0  }
0x131: {  	s8 =	simm.s32 $0x280;
	[sflag:s29] =	ssyncadd.s32 $0xFFFFE000  }
0x132: {  	[spmem:s2] =	stream.indirect.scatter.add.f32 [tilespmem:s20], [sflag:$0x5], $0x80, s8, s23, $0xb8;
	[tilespmem:$0x1C800] =	vst v63  }
0x133: {  	_ =	swait.ge [sflag:s15], $0x2000  }
0x134: {  	[sflag:s15] =	ssyncset.done $0x0  }
0x135: {  	s8 =	simm.s32 $0x340;
	[sflag:s15] =	ssyncadd.s32 $0xFFFFE000  }
0x136: {  	[tilespmem:s11], [sflag:$0x4] =	stream.indirect.gather [hbm4b:s1+s23], $0x80, s8, s23, $0xb8;
	[tilespmem:$0x1C800] =	vst v63  }
0x137: {  	_ =	swait.ge [sflag:s18], $0x2000  }
0x138: {  	[sflag:s18] =	ssyncset.done $0x0  }
0x139: {  	s8 =	simm.s32 $0x2C0;
	[sflag:s18] =	ssyncadd.s32 $0xFFFFE000  }
0x13a: {  	[spmem:s2] =	stream.indirect.scatter.add.f32 [tilespmem:s25], [sflag:$0x6], $0x80, s8, s23, $0xb8;
	[tilespmem:$0x1C800] =	vst v63  }
0x13b: {  	_ =	swait.ge [sflag:s24], $0x2000  }
0x13c: {  	[sflag:s24] =	ssyncset.done $0x0  }
0x13d: {  	[sflag:s24] =	ssyncadd.s32 $0xFFFFE000  }
0x13e: {  	_ =	swait.ge [sflag:s19], $0x400  }
0x13f: {  	[sflag:s19] =	ssyncset.done $0x0  }
0x140: {  	[sflag:s19] =	ssyncadd.s32 $0xFFFFFC00  }
0x141: {  	[tilespmem:s20], [sflag:$0x1] =	stream.indirect.gather [hbm4b:s1+s23], $0x80, s16, s23, $0xb8;
	[tilespmem:$0x1C800] =	vst v63  }
0x142: {  	_ =	swait.ge [sflag:s0], $0x2000  }
0x143: {  	[sflag:s0] =	ssyncset.done $0x0  }
0x144: {  	[sflag:s0] =	ssyncadd.s32 $0xFFFFE000  }
0x145: {  	[spmem:s2] =	stream.indirect.scatter.add.f32 [tilespmem:s28], [sflag:$0x7], $0x80, s6, s23, $0xb8;
	[tilespmem:$0x1C800] =	vst v63  }
0x146: {  	_ =	swait.ge [sflag:s7], $0x2000  }
0x147: {  	[sflag:s7] =	ssyncset.done $0x0  }
0x148: {  	s8 =	rddreg [dreg:$0x5];
	[sflag:s7] =	ssyncadd.s32 $0xFFFFE000  }
0x149: {  	[tilespmem:s25], [sflag:$0x2] =	stream.indirect.gather [hbm4b:s1+s23], $0x80, s8, s23, $0xb8;
	[tilespmem:$0x1C800] =	vst v63  }
0x14a: {  	_ =	swait.ge [sflag:s9], $0x2000  }
0x14b: {  	[sflag:s9] =	ssyncset.done $0x0  }
0x14c: {  	[sflag:s9] =	ssyncadd.s32 $0xFFFFE000  }
0x14d: {  	[spmem:s2] =	stream.indirect.scatter.add.f32 [tilespmem:s11], [sflag:$0x8], $0x80, s14, s23, $0xb8;
	[tilespmem:$0x1C800] =	vst v63  }
0x14e: {  	_ =	swait.ge [sflag:s12], $0x2000  }
0x14f: {  	[sflag:s12] =	ssyncset.done $0x0  }
0x150: {  	s8 =	rddreg [dreg:$0x6];
	[sflag:s12] =	ssyncadd.s32 $0xFFFFE000  }
0x151: {  	[tilespmem:s28], [sflag:$0x3] =	stream.indirect.gather [hbm4b:s1+s23], $0x80, s8, s23, $0xb8;
	[tilespmem:$0x1C800] =	vst v63  }
0x152: {  	_ =	swait.ge [sflag:s29], $0x2000  }
0x153: {  	[sflag:s29] =	ssyncset.done $0x0  }
0x154: {  	s8 =	rddreg [dreg:$0x7];
	[sflag:s29] =	ssyncadd.s32 $0xFFFFE000  }
0x155: {  	[spmem:s2] =	stream.indirect.scatter.add.f32 [tilespmem:s20], [sflag:$0x5], $0x80, s8, s23, $0xb8;
	[tilespmem:$0x1C800] =	vst v63  }
0x156: {  	_ =	swait.ge [sflag:s15], $0x2000  }
0x157: {  	[sflag:s15] =	ssyncset.done $0x0  }
0x158: {  	s8 =	rddreg [dreg:$0x8];
	[sflag:s15] =	ssyncadd.s32 $0xFFFFE000  }
0x159: {  	[tilespmem:s11], [sflag:$0x4] =	stream.indirect.gather [hbm4b:s1+s23], $0x80, s8, s23, $0xb8;
	[tilespmem:$0x1C800] =	vst v63  }
0x15a: {  	_ =	swait.ge [sflag:s18], $0x2000  }
0x15b: {  	[sflag:s18] =	ssyncset.done $0x0  }
0x15c: {  	s8 =	rddreg [dreg:$0x9];
	[sflag:s18] =	ssyncadd.s32 $0xFFFFE000  }
0x15d: {  	[spmem:s2] =	stream.indirect.scatter.add.f32 [tilespmem:s25], [sflag:$0x6], $0x80, s8, s23, $0xb8;
	[tilespmem:$0x1C800] =	vst v63  }
0x15e: {  	_ =	swait.ge [sflag:s24], $0x2000  }
0x15f: {  	s31 =	simm.s32 @p1 $0x0;
	s8 =	rddreg [dreg:$0x4]  }
0x160: {  	s4 =	sadd.s32 s31, s8  }
0x161: {  	[sflag:s24] =	ssyncset.done $0x0;
	s4 =	sshrl.u32 s4, $0x3  }
0x162: {  	[sflag:s24] =	ssyncadd.s32 $0xFFFFE000;
	s4 =	sadd.s32 s5, s4  }
0x163: {  	[tilespmem:s3], [sflag:$0x9] =	stream.linear.gather [hbm4b:s4+s3], $0x400, $0x38;
	[tilespmem:$0x1C800] =	vst v63  }
0x164: {  	s31 =	rddreg [dreg:$0xa]  }
0x165: {  	[tilespmem:s20], [sflag:$0x1] =	stream.indirect.gather [hbm4b:s1+s23], $0x80, s31, s23, $0xb8;
	[tilespmem:$0x1C800] =	vst v63  }
0x166: {  	_ =	swait.ge [sflag:s0], $0x2000  }
0x167: {  	[sflag:s0] =	ssyncset.done $0x0  }
0x168: {  	s31 =	rddreg [dreg:$0xb];
	[sflag:s0] =	ssyncadd.s32 $0xFFFFE000  }
0x169: {  	[spmem:s2] =	stream.indirect.scatter.add.f32 [tilespmem:s28], [sflag:$0x7], $0x80, s31, s23, $0xb8;
	[tilespmem:$0x1C800] =	vst v63  }
0x16a: {  	_ =	swait.ge [sflag:s7], $0x2000  }
0x16b: {  	[sflag:s7] =	ssyncset.done $0x0  }
0x16c: {  	s8 =	rddreg [dreg:$0xc];
	[sflag:s7] =	ssyncadd.s32 $0xFFFFE000  }
0x16d: {  	[tilespmem:s25], [sflag:$0x2] =	stream.indirect.gather [hbm4b:s1+s23], $0x80, s8, s23, $0xb8;
	[tilespmem:$0x1C800] =	vst v63  }
0x16e: {  	_ =	swait.ge [sflag:s9], $0x2000  }
0x16f: {  	[sflag:s9] =	ssyncset.done $0x0  }
0x170: {  	s31 =	rddreg [dreg:$0xd];
	[sflag:s9] =	ssyncadd.s32 $0xFFFFE000  }
0x171: {  	[spmem:s2] =	stream.indirect.scatter.add.f32 [tilespmem:s11], [sflag:$0x8], $0x80, s31, s23, $0xb8;
	[tilespmem:$0x1C800] =	vst v63  }
0x172: {  	_ =	swait.ge [sflag:s12], $0x2000  }
0x173: {  	[sflag:s12] =	ssyncset.done $0x0  }
0x174: {  	s8 =	rddreg [dreg:$0xe];
	[sflag:s12] =	ssyncadd.s32 $0xFFFFE000  }
0x175: {  	[tilespmem:s28], [sflag:$0x3] =	stream.indirect.gather [hbm4b:s1+s23], $0x80, s8, s23, $0xb8;
	[tilespmem:$0x1C800] =	vst v63  }
0x176: {  	_ =	swait.ge [sflag:s29], $0x2000  }
0x177: {  	[sflag:s29] =	ssyncset.done $0x0  }
0x178: {  	s31 =	rddreg [dreg:$0xf];
	[sflag:s29] =	ssyncadd.s32 $0xFFFFE000  }
0x179: {  	[spmem:s2] =	stream.indirect.scatter.add.f32 [tilespmem:s20], [sflag:$0x5], $0x80, s31, s23, $0xb8;
	[tilespmem:$0x1C800] =	vst v63  }
0x17a: {  	_ =	swait.ge [sflag:s15], $0x2000  }
0x17b: {  	[sflag:s15] =	ssyncset.done $0x0  }
0x17c: {  	s8 =	rddreg [dreg:$0x10];
	[sflag:s15] =	ssyncadd.s32 $0xFFFFE000  }
0x17d: {  	[tilespmem:s11], [sflag:$0x4] =	stream.indirect.gather [hbm4b:s1+s23], $0x80, s8, s23, $0xb8;
	[tilespmem:$0x1C800] =	vst v63  }
0x17e: {  	_ =	swait.ge [sflag:s18], $0x2000  }
0x17f: {  	[sflag:s18] =	ssyncset.done $0x0  }
0x180: {  	s31 =	rddreg [dreg:$0x11];
	[sflag:s18] =	ssyncadd.s32 $0xFFFFE000  }
0x181: {  	[spmem:s2] =	stream.indirect.scatter.add.f32 [tilespmem:s25], [sflag:$0x6], $0x80, s31, s23, $0xb8;
	[tilespmem:$0x1C800] =	vst v63  }
0x182: {  	_ =	swait.ge [sflag:s24], $0x2000  }
0x183: {  	[sflag:s24] =	ssyncset.done $0x0  }
0x184: {  	[sflag:s24] =	ssyncadd.s32 $0xFFFFE000  }
0x185: {  	_ =	swait.ge [sflag:s22], $0x400  }
0x186: {  	[sflag:s22] =	ssyncset.done $0x0  }
0x187: {  	[sflag:s22] =	ssyncadd.s32 $0xFFFFFC00  }
0x188: {  	[tilespmem:s20], [sflag:$0x1] =	stream.indirect.gather [hbm4b:s1+s23], $0x80, s3, s23, $0xb8;
	[tilespmem:$0x1C800] =	vst v63  }
0x189: {  	_ =	swait.ge [sflag:s0], $0x2000  }
0x18a: {  	[sflag:s0] =	ssyncset.done $0x0  }
0x18b: {  	s8 =	rddreg [dreg:$0x12];
	[sflag:s0] =	ssyncadd.s32 $0xFFFFE000  }
0x18c: {  	[spmem:s2] =	stream.indirect.scatter.add.f32 [tilespmem:s28], [sflag:$0x7], $0x80, s8, s23, $0xb8;
	[tilespmem:$0x1C800] =	vst v63  }
0x18d: {  	_ =	swait.ge [sflag:s7], $0x2000  }
0x18e: {  	[sflag:s7] =	ssyncset.done $0x0  }
0x18f: {  	s26 =	sadd.s32 $0x800, s26;
	[sflag:s7] =	ssyncadd.s32 $0xFFFFE000  }
0x190: {  	[tilespmem:s25], [sflag:$0x2] =	stream.indirect.gather [hbm4b:s1+s23], $0x80, s23, s23, $0xb8;
	[tilespmem:$0x1C800] =	vst v63  }
0x191: {  	p0 =	sne.s32 s26, $0x5000;
	_ =	swait.ge [sflag:s9], $0x2000  }
.Ltmp1:
0x192: {  	[sflag:s9] =	ssyncset.done $0x0;
	(pc) =	sbr.rel @p0 .LBB2_4-.Ltmp1, $4  }
0x193: {  	s31 =	rddreg [dreg:$0x13];
	[sflag:s9] =	ssyncadd.s32 $0xFFFFE000  }
0x194: {  	[spmem:s2] =	stream.indirect.scatter.add.f32 [tilespmem:s11], [sflag:$0x8], $0x80, s31, s23, $0xb8;
	[tilespmem:$0x1C800] =	vst v63  }
0x195: {  	_ =	swait.ge [sflag:s12], $0x2000  }
0x196: {  	s13 =	simm.s32 $0x80;
	s10 =	simm.s32 $0x100;
	[sflag:s12] =	ssyncset.done $0x0  }
0x197: {  	[sflag:s12] =	ssyncadd.s32 $0xFFFFE000  }
0x198: {  	[tilespmem:s28], [sflag:$0x3] =	stream.indirect.gather [hbm4b:s1+s23], $0x80, s10, s23, $0xb8;
	[tilespmem:$0x1C800] =	vst v63  }
0x199: {  	_ =	swait.ge [sflag:s29], $0x2000  }
0x19a: {  	[sflag:s29] =	ssyncset.done $0x0  }
0x19b: {  	[sflag:s29] =	ssyncadd.s32 $0xFFFFE000  }
0x19c: {  	[spmem:s2] =	stream.indirect.scatter.add.f32 [tilespmem:s20], [sflag:$0x5], $0x80, s13, s23, $0xb8;
	[tilespmem:$0x1C800] =	vst v63  }
0x19d: {  	_ =	swait.ge [sflag:s15], $0x2000  }
0x19e: {  	[sflag:s15] =	ssyncset.done $0x0  }
0x19f: {  	s4 =	simm.s32 $0x140;
	[sflag:s15] =	ssyncadd.s32 $0xFFFFE000  }
0x1a0: {  	[tilespmem:s11], [sflag:$0x4] =	stream.indirect.gather [hbm4b:s1+s23], $0x80, s4, s23, $0xb8;
	[tilespmem:$0x1C800] =	vst v63  }
0x1a1: {  	_ =	swait.ge [sflag:s18], $0x2000  }
0x1a2: {  	[sflag:s18] =	ssyncset.done $0x0  }
0x1a3: {  	s10 =	simm.s32 $0xC0;
	[sflag:s18] =	ssyncadd.s32 $0xFFFFE000  }
0x1a4: {  	[spmem:s2] =	stream.indirect.scatter.add.f32 [tilespmem:s25], [sflag:$0x6], $0x80, s10, s23, $0xb8;
	[tilespmem:$0x1C800] =	vst v63  }
0x1a5: {  	_ =	swait.ge [sflag:s24], $0x2000  }
0x1a6: {  	[sflag:s24] =	ssyncset.done $0x0  }
0x1a7: {  	[sflag:s24] =	ssyncadd.s32 $0xFFFFE000  }
0x1a8: {  	[tilespmem:s20], [sflag:$0x1] =	stream.indirect.gather [hbm4b:s1+s23], $0x80, s17, s23, $0xb8;
	[tilespmem:$0x1C800] =	vst v63  }
0x1a9: {  	_ =	swait.ge [sflag:s0], $0x2000  }
0x1aa: {  	[sflag:s0] =	ssyncset.done $0x0  }
0x1ab: {  	s13 =	simm.s32 $0x180;
	[sflag:s0] =	ssyncadd.s32 $0xFFFFE000  }
0x1ac: {  	[spmem:s2] =	stream.indirect.scatter.add.f32 [tilespmem:s28], [sflag:$0x7], $0x80, s13, s23, $0xb8;
	[tilespmem:$0x1C800] =	vst v63  }
0x1ad: {  	_ =	swait.ge [sflag:s7], $0x2000  }
0x1ae: {  	[sflag:s7] =	ssyncset.done $0x0  }
0x1af: {  	s26 =	simm.s32 $0x240;
	[sflag:s7] =	ssyncadd.s32 $0xFFFFE000  }
0x1b0: {  	[tilespmem:s25], [sflag:$0x2] =	stream.indirect.gather [hbm4b:s1+s23], $0x80, s26, s23, $0xb8;
	[tilespmem:$0x1C800] =	vst v63  }
0x1b1: {  	_ =	swait.ge [sflag:s9], $0x2000  }
0x1b2: {  	[sflag:s9] =	ssyncset.done $0x0  }
0x1b3: {  	[sflag:s9] =	ssyncadd.s32 $0xFFFFE000  }
0x1b4: {  	[spmem:s2] =	stream.indirect.scatter.add.f32 [tilespmem:s11], [sflag:$0x8], $0x80, s21, s23, $0xb8;
	[tilespmem:$0x1C800] =	vst v63  }
0x1b5: {  	_ =	swait.ge [sflag:s12], $0x2000  }
0x1b6: {  	[sflag:s12] =	ssyncset.done $0x0  }
0x1b7: {  	s30 =	simm.s32 $0x300;
	[sflag:s12] =	ssyncadd.s32 $0xFFFFE000  }
0x1b8: {  	[tilespmem:s28], [sflag:$0x3] =	stream.indirect.gather [hbm4b:s1+s23], $0x80, s30, s23, $0xb8;
	[tilespmem:$0x1C800] =	vst v63  }
0x1b9: {  	_ =	swait.ge [sflag:s29], $0x2000  }
0x1ba: {  	[sflag:s29] =	ssyncset.done $0x0  }
0x1bb: {  	s31 =	simm.s32 $0x280;
	[sflag:s29] =	ssyncadd.s32 $0xFFFFE000  }
0x1bc: {  	[spmem:s2] =	stream.indirect.scatter.add.f32 [tilespmem:s20], [sflag:$0x5], $0x80, s31, s23, $0xb8;
	[tilespmem:$0x1C800] =	vst v63  }
0x1bd: {  	_ =	swait.ge [sflag:s15], $0x2000  }
0x1be: {  	[sflag:s15] =	ssyncset.done $0x0  }
0x1bf: {  	s8 =	simm.s32 $0x340;
	[sflag:s15] =	ssyncadd.s32 $0xFFFFE000  }
0x1c0: {  	[tilespmem:s11], [sflag:$0x4] =	stream.indirect.gather [hbm4b:s1+s23], $0x80, s8, s23, $0xb8;
	[tilespmem:$0x1C800] =	vst v63  }
0x1c1: {  	_ =	swait.ge [sflag:s18], $0x2000  }
0x1c2: {  	[sflag:s18] =	ssyncset.done $0x0  }
0x1c3: {  	s10 =	simm.s32 $0x2C0;
	[sflag:s18] =	ssyncadd.s32 $0xFFFFE000  }
0x1c4: {  	[spmem:s2] =	stream.indirect.scatter.add.f32 [tilespmem:s25], [sflag:$0x6], $0x80, s10, s23, $0xb8;
	[tilespmem:$0x1C800] =	vst v63  }
0x1c5: {  	_ =	swait.ge [sflag:s24], $0x2000  }
0x1c6: {  	[sflag:s24] =	ssyncset.done $0x0  }
0x1c7: {  	[sflag:s24] =	ssyncadd.s32 $0xFFFFE000  }
0x1c8: {  	_ =	swait.ge [sflag:s0], $0x2000  }
0x1c9: {  	[sflag:s0] =	ssyncset.done $0x0  }
0x1ca: {  	[sflag:s0] =	ssyncadd.s32 $0xFFFFE000  }
0x1cb: {  	[spmem:s2] =	stream.indirect.scatter.add.f32 [tilespmem:s28], [sflag:$0x7], $0x80, s6, s23, $0xb8;
	[tilespmem:$0x1C800] =	vst v63  }
0x1cc: {  	_ =	swait.ge [sflag:s7], $0x2000  }
0x1cd: {  	[sflag:s7] =	ssyncset.done $0x0  }
0x1ce: {  	[sflag:s7] =	ssyncadd.s32 $0xFFFFE000  }
0x1cf: {  	_ =	swait.ge [sflag:s9], $0x2000  }
0x1d0: {  	[sflag:s9] =	ssyncset.done $0x0  }
0x1d1: {  	[sflag:s9] =	ssyncadd.s32 $0xFFFFE000  }
0x1d2: {  	[spmem:s2] =	stream.indirect.scatter.add.f32 [tilespmem:s11], [sflag:$0x8], $0x80, s14, s23, $0xb8;
	[tilespmem:$0x1C800] =	vst v63  }
0x1d3: {  	_ =	swait.ge [sflag:s12], $0x2000  }
0x1d4: {  	[sflag:s12] =	ssyncset.done $0x0  }
0x1d5: {  	[sflag:s12] =	ssyncadd.s32 $0xFFFFE000  }
0x1d6: {  	_ =	swait.ge [sflag:s15], $0x2000  }
0x1d7: {  	[sflag:s15] =	ssyncset.done $0x0  }
0x1d8: {  	[sflag:s15] =	ssyncadd.s32 $0xFFFFE000  }
0x1d9: {  	[bflag:$0x0] =	sbarrier.arrive $0xFFFF  }
0x1da: {  	s13 =	stileid.u32;
	s26 =	sld [smem:$0x7FD]  }
0x1db: {  	s4 =	sshll.u32 s13, $0x6;
	s13 =	rddreg [dreg:$0x14]  }
0x1dc: {  	s4 =	sor.u32 $0x1C0B, s4;
	s10 =	simm.s32 $0xB;
	s8 =	sshrl.u32 s13, $0x3  }
0x1dd: {  	[hbm:s26], [sflag:s4] =	dma.local [spmem:s8], $0x2800  }
0x1de: {  	_ =	swait.ge [sflag:s10], $0x2800  }
0x1df: {  	s30 =	sld [smem:$0x7FA]  }
0x1e0: {  	s31 =	sld [smem:$0x7FB];
	_ =	sdelay $0x1  }
0x1e1: {  	s6 =	sadd.s32 $0x1, s30  }
0x1e2: {  	p0 =	sne.s32 s6, s31  }
.Ltmp2:
0x1e3: {  	_ = 	snop;
	(pc) =	sbr.rel @p0 .LBB2_1-.Ltmp2, $3  }
0x1e4: {  	_ =	sdelay $0x1  }
0x1e5: {  	[sflag:s10] =	ssyncset.done $0x0  }
0x1e6: {  	[sflag:s10] =	ssyncadd.s32 $0xFFFFD800  }
0x1e7: {  	_ =	sfence.sel $0x180000  }
0x1e8: {  	[bflag:$0x0] =	sbarrier.arrive $0xFFFF  }
0x1e9: {  	_ =	strace $0x9000004A  }
0x1ea: {  	s0 =	stileid.u32;
	[bflag:$0x2] =	sbarrier.arrive $0xFFFF  }
0x1eb: {  	p0 =	sne.s32 s0, $0x0;
	s0 =	rddreg [dreg:$0x3]  }
0x1ec: {  	s0 =	sadd.s32 @!p0 $0x100000, s0  }
0x1ed: {  	[sflag:s0] =	ssyncadd.tile.s32 @!p0 $0x1;
	_ =	shalt  }
.Lfunc_end2:
_tile_overlayer_lowered:
.L_overlay_start_2:
0x1ee: {  	(tag) =	ssettag $0x2  }
0x1ef: {  	s0 =	rddreg [dreg:$0x0];
	s2 =	stileid.u32  }
0x1f0: {  	s1 =	rddreg [dreg:$0x1];
	p0 =	sne.s32 s2, $0x0  }
0x1f1: {  	s3 =	rddreg [dreg:$0x2];
	[bflag:$0x3] =	sbarrier.arrive $0xFFFF;
	s2 =	simm.s32 @!p0 $0x1C0B  }
0x1f2: {  	[timem:s3], [sflag:s2] =	dma.local @!p0 [hbm:s0], s1  }
0x1f3: {  	s0 =	simm.s32 @!p0 $0xB  }
0x1f4: {  	_ =	swait.ge @!p0 [sflag:s0], s1  }
0x1f5: {  	s1 =	ssub.s32 @!p0 $0x0, s1;
	[sflag:s0] =	ssyncset.done @!p0 $0x0  }
0x1f6: {  	[sflag:s0] =	ssyncadd.s32 @!p0 s1  }
0x1f7: {  	[bflag:$0x3] =	sbarrier.arrive $0xFFFF  }
0x1f8: {  	_ =	shalt  }

</sc_bundles>
